<compile_context>
chip_gen: v7x
topology: tpu7x:2x2x1
jax: 0.10.2.dev20260603
libtpu: 0.0.44.dev20260713+nightly
codegen_flags: <defaults>
</compile_context>

<pallas_src>
import functools

import jax
import jax.numpy as jnp
import numpy as np
from jax import lax
from jax.experimental import pallas as pl
from jax.experimental.pallas import tpu as pltpu
from jax.experimental.pallas import tpu_sc as plsc

F = 128
K = 32
H = 4
DH = F // H
CUTOFF = 5.0
N = 10000
NPAD = 10240
E = 320000
EPAD = 327680
BN = 1024
GN = NPAD // BN
BE = 2048
GE = EPAD // BE
NC = 2
NS = 16
NW = NC * NS
CH = 128
EW = EPAD // NW
NCHUNK = EW // CH
ROWS_N = NPAD // NS

@functools.lru_cache(maxsize=1)
def _sc_mesh():
    return plsc.VectorSubcoreMesh(
        core_axis_name="c", subcore_axis_name="s",
        num_cores=NC, num_subcores=NS)

_f32 = jnp.float32


def _silu(x):
    return x / (1.0 + jnp.exp(-x))



def _node_proj_body(z_ref, emb_ref, wq_ref, wk_ref, wv_ref,
                    h_ref, q_ref, kv_ref):
    z = z_ref[...]
    col = lax.broadcasted_iota(jnp.int32, (BN, 128), 1)
    oh = (col == z).astype(_f32)
    h = jnp.dot(oh, emb_ref[...], preferred_element_type=_f32)
    h_ref[...] = h
    q_ref[...] = jnp.dot(h, wq_ref[...], preferred_element_type=_f32)
    k = jnp.dot(h, wk_ref[...], preferred_element_type=_f32)
    v = jnp.dot(h, wv_ref[...], preferred_element_type=_f32)
    ku = lax.bitcast_convert_type(k, jnp.uint32)
    kr = (ku + jnp.uint32(0x7FFF) + ((ku >> 16) & jnp.uint32(1))) >> 16
    vu = lax.bitcast_convert_type(v, jnp.uint32)
    vr = (vu + jnp.uint32(0x7FFF) + ((vu >> 16) & jnp.uint32(1))) \
        & jnp.uint32(0xFFFF0000)
    kv_ref[...] = vr | kr


def _node_proj(z2, embp, wq, wk, wv):
    full = lambda a: pl.BlockSpec(a.shape, lambda i: (0,) * a.ndim)
    return pl.pallas_call(
        _node_proj_body,
        grid=(GN,),
        in_specs=[pl.BlockSpec((BN, 1), lambda i: (i, 0)),
                  full(embp), full(wq), full(wk), full(wv)],
        out_specs=[pl.BlockSpec((BN, F), lambda i: (i, 0)),
                   pl.BlockSpec((BN, F), lambda i: (i, 0)),
                   pl.BlockSpec((BN, F), lambda i: (i, 0))],
        out_shape=[jax.ShapeDtypeStruct((NPAD, F), _f32),
                   jax.ShapeDtypeStruct((NPAD, F), _f32),
                   jax.ShapeDtypeStruct((NPAD, F), jnp.uint32)],
    )(z2, embp, wq, wk, wv)



def _edge_geom(dr):
    r2 = jnp.sum(dr * dr, axis=1, keepdims=True)
    r = jnp.sqrt(r2 + 1e-12)
    rc = jnp.minimum(r, CUTOFF)
    cut = 0.5 * (jnp.cos(jnp.pi * rc / CUTOFF) + 1.0)
    cut = cut * (r < CUTOFF).astype(_f32)
    centers = (lax.broadcasted_iota(jnp.int32, (1, K), 1).astype(_f32)
               * (CUTOFF / (K - 1)))
    width = CUTOFF / K
    rbf = jnp.exp(-0.5 * ((r - centers) / width) ** 2)
    return r, cut, rbf



def _edge_feat_body(dr_ref, qg_ref, kvg_ref,
                    fw1_ref, fb1_ref, fw2_ref, fb2_ref, msg_ref):
    dr = dr_ref[...]
    _, cut, rbf = _edge_geom(dr)
    s1 = _silu(jnp.dot(rbf, fw1_ref[...], preferred_element_type=_f32)
               + fb1_ref[...])
    wf = jnp.dot(s1, fw2_ref[...], preferred_element_type=_f32) + fb2_ref[...]
    kvg = kvg_ref[...]
    kg = lax.bitcast_convert_type(kvg << 16, _f32)
    vg = lax.bitcast_convert_type(kvg & jnp.uint32(0xFFFF0000), _f32)
    t = qg_ref[...] * kg * wf * (cut * (1.0 / np.sqrt(DH)))
    hr = lax.broadcasted_iota(jnp.int32, (F, F), 0) // DH
    hc = lax.broadcasted_iota(jnp.int32, (F, F), 1) // DH
    s_mat = (hr == hc).astype(_f32)
    alpha = jnp.dot(t, s_mat, preferred_element_type=_f32)
    msg_ref[...] = alpha * vg


def _edge_feat(drp, qg, kvg, fw1, fb1, fw2, fb2):
    full = lambda a: pl.BlockSpec(a.shape, lambda i: (0,) * a.ndim)
    eb = pl.BlockSpec((BE, F), lambda i: (i, 0))
    return pl.pallas_call(
        _edge_feat_body,
        grid=(GE,),
        in_specs=[pl.BlockSpec((BE, 3), lambda i: (i, 0)), eb, eb,
                  full(fw1), full(fb1), full(fw2), full(fb2)],
        out_specs=eb,
        out_shape=jax.ShapeDtypeStruct((EPAD, F), _f32),
    )(drp, qg, kvg, fw1, fb1, fw2, fb2)



def _node_upd_body(h_ref, a0_ref, a1_ref, wo_ref, wg_ref, h2_ref, g16_ref):
    agg = a0_ref[...] + a1_ref[...]
    h2 = h_ref[...] + jnp.dot(agg, wo_ref[...], preferred_element_type=_f32)
    h2_ref[...] = h2
    g16_ref[...] = jnp.dot(h2, wg_ref[...], preferred_element_type=_f32)


def _node_upd(h, aggf, wo, wg16):
    full = lambda a: pl.BlockSpec(a.shape, lambda i: (0,) * a.ndim)
    nb = pl.BlockSpec((BN, F), lambda i: (i, 0))
    return pl.pallas_call(
        _node_upd_body,
        grid=(GN,),
        in_specs=[nb, nb, pl.BlockSpec((BN, F), lambda i: (i + GN, 0)),
                  full(wo), full(wg16)],
        out_specs=[nb, nb],
        out_shape=[jax.ShapeDtypeStruct((NPAD, F), _f32),
                   jax.ShapeDtypeStruct((NPAD, F), _f32)],
    )(h, aggf, aggf, wo, wg16)



def _edge_geo_body(dr_ref, gj_ref,
                   gw1_ref, gb1_ref, gw2_ref, gb2_ref, ctr_ref):
    dr = dr_ref[...]
    r, cut, rbf = _edge_geom(dr)
    u = dr / r
    s1 = _silu(jnp.dot(rbf, gw1_ref[...], preferred_element_type=_f32)
               + gb1_ref[...])
    wg = jnp.dot(s1, gw2_ref[...], preferred_element_type=_f32) + gb2_ref[...]
    gj = gj_ref[...]
    ag = wg * gj[:, 4:7] * cut
    c16 = lax.broadcasted_iota(jnp.int32, (1, F), 1)
    agm = (ag[:, 0:1] * (c16 < 3).astype(_f32)
           + ag[:, 1:2] * ((c16 >= 3) & (c16 < 8)).astype(_f32)
           + ag[:, 2:3] * ((c16 >= 8) & (c16 < 15)).astype(_f32))
    x, y, z = u[:, 0:1], u[:, 1:2], u[:, 2:3]
    xx, yy, zz = x * x, y * y, z * z
    terms = [x, y, z,
             x * y, y * z, 3.0 * zz - 1.0, x * z, xx - yy,
             y * (3.0 * xx - yy), x * y * z, y * (5.0 * zz - 1.0),
             z * (5.0 * zz - 3.0), x * (5.0 * zz - 1.0),
             z * (xx - yy), x * (xx - 3.0 * yy)]
    sph = terms[0] * (c16 == 0).astype(_f32)
    for ti in range(1, 15):
        sph = sph + terms[ti] * (c16 == ti).astype(_f32)
    ctr_ref[...] = agm * sph


def _edge_geo(drp, gj, gw1, gb1, gw2, gb2):
    full = lambda a: pl.BlockSpec(a.shape, lambda i: (0,) * a.ndim)
    eb = pl.BlockSpec((BE, F), lambda i: (i, 0))
    return pl.pallas_call(
        _edge_geo_body,
        grid=(GE,),
        in_specs=[pl.BlockSpec((BE, 3), lambda i: (i, 0)), eb,
                  full(gw1), full(gb1), full(gw2), full(gb2)],
        out_specs=eb,
        out_shape=jax.ShapeDtypeStruct((EPAD, F), _f32),
    )(drp, gj, gw1, gb1, gw2, gb2)



def _node_final_body(h2_ref, c0_ref, c1_ref, g16_ref, z_ref,
                     w1h_ref, w1d_ref, b1_ref,
                     w2h_ref, b2h_ref, row1_ref, rob1_ref, row2_ref, rob2_ref,
                     ss_ref, out_ref):
    g16 = g16_ref[...]
    c16 = lax.broadcasted_iota(jnp.int32, (1, F), 1)
    qgrep = (g16[:, 0:1] * (c16 < 3).astype(_f32)
             + g16[:, 1:2] * ((c16 >= 3) & (c16 < 8)).astype(_f32)
             + g16[:, 2:3] * ((c16 >= 8) & (c16 < 15)).astype(_f32))
    chi = (c0_ref[...] + c1_ref[...]) * qgrep
    d1 = jnp.sum(chi[:, 0:3] ** 2, axis=1, keepdims=True)
    d2 = jnp.sum(chi[:, 3:8] ** 2, axis=1, keepdims=True)
    d3 = jnp.sum(chi[:, 8:15] ** 2, axis=1, keepdims=True)
    h2 = h2_ref[...]
    w1d = w1d_ref[...]
    pre = (jnp.dot(h2, w1h_ref[...], preferred_element_type=_f32)
           + d1 * w1d[0:1, :] + d2 * w1d[1:2, :] + d3 * w1d[2:3, :]
           + b1_ref[...])
    s = _silu(pre)
    h3 = h2 + jnp.dot(s, w2h_ref[...], preferred_element_type=_f32) + b2h_ref[...]
    t = _silu(jnp.dot(h3, row1_ref[...], preferred_element_type=_f32)
              + rob1_ref[...])
    e = jnp.dot(t, row2_ref[...], preferred_element_type=_f32) + rob2_ref[...]
    z = z_ref[...]
    nm = (z > 0).astype(_f32)
    oh = (lax.broadcasted_iota(jnp.int32, (BN, 128), 1) == z).astype(_f32)
    ss = jnp.dot(oh, ss_ref[...], preferred_element_type=_f32)
    out_ref[...] = ss[:, 0:1] * (e * nm) + ss[:, 1:2]


def _node_final(h2, chif, g16, z2, w1h, w1d, b1, w2h, b2h,
                row1, rob1, row2, rob2, sspack):
    full = lambda a: pl.BlockSpec(a.shape, lambda i: (0,) * a.ndim)
    nb = pl.BlockSpec((BN, F), lambda i: (i, 0))
    return pl.pallas_call(
        _node_final_body,
        grid=(GN,),
        in_specs=[nb,
                  nb, pl.BlockSpec((BN, F), lambda i: (i + GN, 0)),
                  nb,
                  pl.BlockSpec((BN, 1), lambda i: (i, 0)),
                  full(w1h), full(w1d), full(b1), full(w2h), full(b2h),
                  full(row1), full(rob1), full(row2), full(rob2),
                  full(sspack)],
        out_specs=pl.BlockSpec((BN, 1), lambda i: (i, 0)),
        out_shape=jax.ShapeDtypeStruct((NPAD, 1), _f32),
    )(h2, chif, chif, g16, z2, w1h, w1d, b1, w2h, b2h,
      row1, rob1, row2, rob2, sspack)



def _sc_gather(tables, idx2ds, name, spmem):
    nt = len(tables)
    rests = [t.shape[1:] for t in tables]
    dts = [t.dtype for t in tables]
    scratch = ([pltpu.VMEM((NCHUNK, CH), jnp.int32) for _ in range(nt)]
               + [pltpu.VMEM((CH,) + rests[t], dts[t])
                  for t in range(nt) for _ in (0, 1)]
               + [pltpu.SemaphoreType.DMA] * (4 * nt)
               + [pltpu.VMEM_SHARED((NPAD,) + rests[t], dts[t])
                  for t in range(nt) if spmem[t]])

    @functools.partial(
        pl.kernel,
        out_type=[jax.ShapeDtypeStruct((EPAD,) + rests[t], dts[t])
                  for t in range(nt)],
        mesh=_sc_mesh(),
        scratch_types=scratch,
        name=name,
    )
    def body(*refs):
        tabs = refs[:nt]
        idxh = refs[nt:2 * nt]
        outs = refs[2 * nt:3 * nt]
        idxv = refs[3 * nt:4 * nt]
        bufs = [refs[4 * nt + 2 * t:4 * nt + 2 * t + 2] for t in range(nt)]
        semg = [refs[6 * nt + 2 * t:6 * nt + 2 * t + 2] for t in range(nt)]
        semo = [refs[8 * nt + 2 * t:8 * nt + 2 * t + 2] for t in range(nt)]
        spms = list(refs[10 * nt:])
        srcs = [spms.pop(0) if spmem[t] else tabs[t] for t in range(nt)]
        s = lax.axis_index("s")
        w = s * NC + lax.axis_index("c")
        ebase = w * EW
        rbase = w * NCHUNK
        for t in range(nt):
            pltpu.sync_copy(idxh[t].at[pl.ds(rbase, NCHUNK)], idxv[t])
        staged = False
        for t in range(nt):
            if spmem[t]:
                pltpu.sync_copy(tabs[t].at[pl.ds(s * ROWS_N, ROWS_N)],
                                srcs[t].at[pl.ds(s * ROWS_N, ROWS_N)])
                staged = True
        if staged:
            plsc.subcore_barrier()

        def g(t, b, ch):
            pltpu.async_copy(srcs[t].at[idxv[t].at[ch]], bufs[t][b], semg[t][b])

        def g_drain(t, b):
            pltpu.make_async_copy(
                srcs[t].at[pl.ds(0, CH)], bufs[t][b], semg[t][b]).wait()

        def co(t, b, ch):
            pltpu.async_copy(bufs[t][b],
                             outs[t].at[pl.ds(ebase + ch * CH, CH)],
                             semo[t][b])

        def co_drain(t, b):
            pltpu.make_async_copy(
                bufs[t][b], outs[t].at[pl.ds(0, CH)], semo[t][b]).wait()

        for b in (0, 1):
            for t in range(nt):
                g(t, b, b)

        def step(cc, carry):
            for b in (0, 1):
                ch = 2 * cc + b
                for t in range(nt):
                    g_drain(t, b)
                    co(t, b, ch)
            for b in (0, 1):
                nch = jnp.minimum(2 * cc + 2 + b, NCHUNK - 1)
                for t in range(nt):
                    co_drain(t, b)
                    g(t, b, nch)
            return carry

        lax.fori_loop(0, NCHUNK // 2, step, 0)
        for b in (0, 1):
            for t in range(nt):
                g_drain(t, b)

    return body(*tables, *idx2ds)


def _sc_scatter_add(vals, idx2d, name):

    @functools.partial(
        pl.kernel,
        out_type=jax.ShapeDtypeStruct((NC * NPAD, F), _f32),
        mesh=_sc_mesh(),
        name=name,
        scratch_types=[
            pltpu.VMEM((NCHUNK, CH), jnp.int32),
            pltpu.VMEM((CH, F), _f32),
            pltpu.VMEM((CH, F), _f32),
            pltpu.VMEM_SHARED((NPAD, F), _f32),
            pltpu.SemaphoreType.DMA, pltpu.SemaphoreType.DMA,
            pltpu.SemaphoreType.DMA, pltpu.SemaphoreType.DMA,
        ],
    )
    def body(val_hbm, ii_hbm, out_hbm, idxv, b0, b1, acc,
             sl0, sl1, ss0, ss1):
        bufs = (b0, b1)
        seml = (sl0, sl1)
        sems = (ss0, ss1)
        c = lax.axis_index("c")
        s = lax.axis_index("s")
        w = s * NC + c
        ebase = w * EW
        rbase = w * NCHUNK
        pltpu.sync_copy(ii_hbm.at[pl.ds(rbase, NCHUNK)], idxv)

        def zrow(r, carry):
            for cc in range(F // 16):
                b0[r, pl.ds(cc * 16, 16)] = jnp.zeros((16,), _f32)
            return carry
        lax.fori_loop(0, CH, zrow, 0)

        def zacc(kk, carry):
            pltpu.sync_copy(b0, acc.at[pl.ds(s * ROWS_N + kk * CH, CH)])
            return carry
        lax.fori_loop(0, ROWS_N // CH, zacc, 0)
        plsc.subcore_barrier()

        def ld(b, ch):
            pltpu.async_copy(val_hbm.at[pl.ds(ebase + ch * CH, CH)],
                             bufs[b], seml[b])

        def ld_drain(b):
            pltpu.make_async_copy(val_hbm.at[pl.ds(0, CH)],
                                  bufs[b], seml[b]).wait()

        def sc(b, ch):
            pltpu.async_copy(bufs[b], acc.at[idxv.at[ch]], sems[b], add=True)

        def sc_drain(b):
            pltpu.make_async_copy(bufs[b], acc.at[pl.ds(0, CH)],
                                  sems[b]).wait()

        for b in (0, 1):
            ld(b, b)

        def step(cc, carry):
            for b in (0, 1):
                ch = 2 * cc + b
                ld_drain(b)
                sc(b, ch)
            for b in (0, 1):
                nch = jnp.minimum(2 * cc + 2 + b, NCHUNK - 1)
                sc_drain(b)
                ld(b, nch)
            return carry

        lax.fori_loop(0, NCHUNK // 2, step, 0)
        for b in (0, 1):
            ld_drain(b)
        plsc.subcore_barrier()

        pltpu.sync_copy(acc.at[pl.ds(s * ROWS_N, ROWS_N)],
                        out_hbm.at[pl.ds(c * NPAD + s * ROWS_N, ROWS_N)])

    return body(vals, idx2d)



def kernel(dr_vec, Z, idx, params):
    p = params
    pad_dr = jnp.broadcast_to(
        jnp.array([2.0 * CUTOFF, 0.0, 0.0], _f32), (EPAD - E, 3))
    drp = jnp.concatenate([dr_vec, pad_dr], axis=0)
    iidx = jnp.concatenate([idx[0], jnp.zeros((EPAD - E,), jnp.int32)])
    jidx = jnp.concatenate([idx[1], jnp.zeros((EPAD - E,), jnp.int32)])
    ii2d = iidx.reshape(NW * NCHUNK, CH)
    jj2d = jidx.reshape(NW * NCHUNK, CH)
    z2 = jnp.pad(Z, (0, NPAD - N)).reshape(NPAD, 1)

    embp = jnp.zeros((128, F), _f32).at[:119].set(p['embed'])
    wg16 = (jnp.zeros((F, F), _f32)
            .at[:, 0:3].set(p['Wqg']).at[:, 4:7].set(p['Wkg']))
    w1h = p['int_W1'][:F]
    w1d = jnp.zeros((8, F), _f32).at[0:3].set(p['int_W1'][F:])
    b1 = p['int_b1'].reshape(1, F)
    w2h = p['int_W2'][:, :F]
    b2h = p['int_b2'][:F].reshape(1, F)
    fb1 = p['filt_b1'].reshape(1, K)
    fb2 = p['filt_b2'].reshape(1, F)
    gb1 = p['gfilt_b1'].reshape(1, K)
    gb2 = p['gfilt_b2'].reshape(1, 3)
    rob1 = p['ro_b1'].reshape(1, F // 2)
    rob2 = p['ro_b2'].reshape(1, 1)
    sspack = (jnp.zeros((128, 8), _f32)
              .at[:119, 0:1].set(p['scale']).at[:119, 1:2].set(p['shift']))

    h, q_t, kv_t = _node_proj(z2, embp, p['Wq'], p['Wk'], p['Wv'])
    (qg,) = _sc_gather([q_t], [ii2d], 'sc_gather_q', [True])
    (kvg,) = _sc_gather([kv_t], [jj2d], 'sc_gather_kv', [True])
    msg = _edge_feat(drp, qg, kvg,
                     p['filt_W1'], fb1, p['filt_W2'], fb2)
    aggf = _sc_scatter_add(msg, ii2d, 'sc_scatter_msg')
    h2, g16 = _node_upd(h, aggf, p['Wo'], wg16)
    (gj,) = _sc_gather([g16], [jj2d], 'sc_gather_geo', [True])
    ctr = _edge_geo(drp, gj, p['gfilt_W1'], gb1, p['gfilt_W2'], gb2)
    chif = _sc_scatter_add(ctr, ii2d, 'sc_scatter_chi')
    out = _node_final(h2, chif, g16, z2, w1h, w1d, b1, w2h, b2h,
                      p['ro_W1'], rob1, p['ro_W2'], rob2, sspack)
    return out[:N]

# --- scband reference (transcript-rebuilt; emitter-appended) ---
"""Pipeline reference for scband-atomic-so3krates-24773371364101 (READ-ONLY COPY).

The authoritative reference and input builder live on the scoring server;
editing this copy changes nothing except your own understanding.
"""

import jax, jax.numpy as jnp
import numpy as np

F = 128
K = 32
H = 4
DH = F // H
CUTOFF = 5.0
REPEATS = np.array([3, 5, 7])
MTOT = 15


def _sph(u):
    x, y, z = u[:, 0], u[:, 1], u[:, 2]
    l1 = [x, y, z]
    l2 = [x * y, y * z, 3.0 * z * z - 1.0, x * z, x * x - y * y]
    l3 = [y * (3.0 * x * x - y * y), x * y * z, y * (5.0 * z * z - 1.0),
          z * (5.0 * z * z - 3.0), x * (5.0 * z * z - 1.0),
          z * (x * x - y * y), x * (x * x - 3.0 * y * y)]
    return jnp.stack(l1 + l2 + l3, axis=-1)


def _forward(dr_vec, Z, idx, p):
    N = Z.shape[0]
    i, j = idx[0], idx[1]
    pair_mask = (i > -1).astype(jnp.float32)
    node_mask = (Z > 0).astype(jnp.float32)
    r = jnp.sqrt(jnp.sum(dr_vec * dr_vec, axis=-1) + 1e-12)
    u = dr_vec / r[:, None]
    Y = _sph(u)
    rc = jnp.minimum(r, CUTOFF)
    cut = 0.5 * (jnp.cos(jnp.pi * rc / CUTOFF) + 1.0) * (r < CUTOFF).astype(jnp.float32)
    centers = jnp.linspace(0.0, CUTOFF, K)
    width = CUTOFF / K
    rbf = jnp.exp(-0.5 * ((r[:, None] - centers[None, :]) / width) ** 2)
    silu = jax.nn.silu

    h = p['embed'][Z]
    chi = jnp.zeros((N, MTOT), dtype=jnp.float32)

    # feature-branch attention (invariant features)
    wf = silu(rbf @ p['filt_W1'] + p['filt_b1']) @ p['filt_W2'] + p['filt_b2']
    q = (h @ p['Wq'])[i].reshape(-1, H, DH)
    k = (h @ p['Wk'])[j].reshape(-1, H, DH)
    wf3 = wf.reshape(-1, H, DH)
    alpha = jnp.sum(q * wf3 * k, axis=-1) / np.sqrt(DH)
    alpha = alpha * (cut * pair_mask)[:, None]
    v = (h @ p['Wv'])[j].reshape(-1, H, DH)
    msg = (alpha[:, :, None] * v).reshape(-1, F)
    agg = jax.ops.segment_sum(msg, i, num_segments=N)
    h = h + agg @ p['Wo']

    # geometric-branch attention (euclidean variables, one head per degree)
    wg = silu(rbf @ p['gfilt_W1'] + p['gfilt_b1']) @ p['gfilt_W2'] + p['gfilt_b2']
    qg = (h @ p['Wqg'])[i]
    kg = (h @ p['Wkg'])[j]
    ag = qg * wg * kg * (cut * pair_mask)[:, None]
    ag_m = jnp.repeat(ag, REPEATS, axis=-1, total_repeat_length=MTOT)
    chi = chi + jax.ops.segment_sum(ag_m * Y, i, num_segments=N)

    # interaction block: exchange between invariant and equivariant branch
    d1 = jnp.sum(chi[:, 0:3] ** 2, axis=-1)
    d2 = jnp.sum(chi[:, 3:8] ** 2, axis=-1)
    d3 = jnp.sum(chi[:, 8:15] ** 2, axis=-1)
    dchi = jnp.stack([d1, d2, d3], axis=-1)
    y = jnp.concatenate([h, dchi], axis=-1)
    u2 = silu(y @ p['int_W1'] + p['int_b1']) @ p['int_W2'] + p['int_b2']
    h = h + u2[:, :F]
    chi = chi + jnp.repeat(u2[:, F:], REPEATS, axis=-1, total_repeat_length=MTOT) * chi

    # per-atom readout + PerElementScaleShift
    e = silu(h @ p['ro_W1'] + p['ro_b1']) @ p['ro_W2'] + p['ro_b2']
    e = e * node_mask[:, None]
    return p['scale'][Z] * e + p['shift'][Z]


def setup_inputs(seed: int = 0):
    key = jax.random.key(seed)
    ks = jax.random.split(key, 24)
    N, E = 10000, 320000
    dr_vec = jax.random.normal(ks[0], (E, 3), dtype=jnp.float32)
    Z = jax.random.randint(ks[1], (N,), 0, 100, dtype=jnp.int32)
    idx = jax.random.randint(ks[2], (2, E), 0, N, dtype=jnp.int32)

    def w(k, shape):
        return jax.random.normal(k, shape, dtype=jnp.float32) / np.sqrt(shape[0])

    params = {
        'embed': jax.random.normal(ks[3], (119, F), dtype=jnp.float32) * 0.1,
        'Wq': w(ks[4], (F, F)), 'Wk': w(ks[5], (F, F)), 'Wv': w(ks[6], (F, F)), 'Wo': w(ks[7], (F, F)),
        'filt_W1': w(ks[8], (K, K)), 'filt_b1': jnp.zeros((K,), jnp.float32),
        'filt_W2': w(ks[9], (K, F)), 'filt_b2': jnp.zeros((F,), jnp.float32),
        'Wqg': w(ks[10], (F, 3)), 'Wkg': w(ks[11], (F, 3)),
        'gfilt_W1': w(ks[12], (K, K)), 'gfilt_b1': jnp.zeros((K,), jnp.float32),
        'gfilt_W2': w(ks[13], (K, 3)), 'gfilt_b2': jnp.zeros((3,), jnp.float32),
        'int_W1': w(ks[14], (F + 3, F)), 'int_b1': jnp.zeros((F,), jnp.float32),
        'int_W2': w(ks[15], (F, F + 3)), 'int_b2': jnp.zeros((F + 3,), jnp.float32),
        'ro_W1': w(ks[16], (F, F // 2)), 'ro_b1': jnp.zeros((F // 2,), jnp.float32),
        'ro_W2': w(ks[17], (F // 2, 1)), 'ro_b2': jnp.zeros((1,), jnp.float32),
        'scale': jnp.ones((119, 1), jnp.float32), 'shift': jnp.zeros((119, 1), jnp.float32),
    }
    return {'dr_vec': dr_vec, 'Z': Z, 'idx': idx, 'params': params}


def reference(dr_vec, Z, idx, params):
    return _forward(dr_vec, Z, idx, params)

if __name__ == "__main__":
    import jax
    _d = setup_inputs()
    print(jax.jit(kernel)(*tuple(_d.values())))

</pallas_src>

<mosaic_0001>
#map = affine_map<(d0, d1) -> (0, 0)>
module attributes {stable_mosaic.version = 14 : i64} {
  func.func @sc_scatter_msg(%arg0: i32, %arg1: i32, %arg2: memref<327680x128xf32, #tpu.memory_space<hbm>>, %arg3: memref<2560x128xi32, #tpu.memory_space<hbm>>, %arg4: memref<20480x128xf32, #tpu.memory_space<hbm>>, %arg5: memref<80x128xi32, #tpu.memory_space<vmem>>, %arg6: memref<128x128xf32, #tpu.memory_space<vmem>>, %arg7: memref<128x128xf32, #tpu.memory_space<vmem>>, %arg8: memref<10240x128xf32, #tpu.memory_space<vmem_shared>>, %arg9: memref<!tpu.dma_semaphore, #tpu.memory_space<semaphore_mem>>, %arg10: memref<!tpu.dma_semaphore, #tpu.memory_space<semaphore_mem>>, %arg11: memref<!tpu.dma_semaphore, #tpu.memory_space<semaphore_mem>>, %arg12: memref<!tpu.dma_semaphore, #tpu.memory_space<semaphore_mem>>) attributes {dimension_semantics = [#tpu.dimension_semantics<core_parallel>, #tpu.dimension_semantics<subcore_parallel>], iteration_bounds = array<i64: 2, 16>, scalar_prefetch = 0 : i64, scratch_operands = 8 : i64, tpu.core_type = #tpu.core_type<sc_vector_subcore>, window_params = [{transform_indices = #map}, {transform_indices = #map}, {transform_indices = #map}]} {
    %mul3A = arith.constant 2 : i32
    %mul3A_0 = arith.muli %arg1, %mul3A : i32
    %add3A = arith.addi %mul3A_0, %arg0 : i32
    %mul3A_1 = arith.constant 10240 : i32
    %mul3A_2 = arith.muli %add3A, %mul3A_1 : i32
    %mul3A_3 = arith.constant 80 : i32
    %mul3A_4 = arith.muli %add3A, %mul3A_3 : i32
    "tpu.region"() ({
      %run_scoped3A = tpu.sem_alloc : memref<!tpu.dma_semaphore, #tpu.memory_space<semaphore_mem>>
      %dma_start3A_52 = arith.constant 0 : i32
      %dma_start3A_53 = tpu.memref_slice %arg3[%mul3A_4, %dma_start3A_52] : memref<2560x128xi32, #tpu.memory_space<hbm>> -> memref<80x128xi32, #tpu.memory_space<hbm>>
      %dma_start3A_54 = arith.constant 0 : i32
      %dma_start3A_55 = tpu.memref_slice %arg3[%mul3A_4, %dma_start3A_54] : memref<2560x128xi32, #tpu.memory_space<hbm>> -> memref<80x128xi32, #tpu.memory_space<hbm>>
      tpu.enqueue_dma source(%dma_start3A_55 : memref<80x128xi32, #tpu.memory_space<hbm>>) target(%arg5 : memref<80x128xi32, #tpu.memory_space<vmem>>) target_semaphore(%run_scoped3A : memref<!tpu.dma_semaphore, #tpu.memory_space<semaphore_mem>>)
      %dma_wait3A_56 = arith.constant 0 : i32
      %dma_wait3A_57 = tpu.memref_slice %arg3[%mul3A_4, %dma_wait3A_56] : memref<2560x128xi32, #tpu.memory_space<hbm>> -> memref<80x128xi32, #tpu.memory_space<hbm>>
      %dma_wait3A_58 = arith.constant 0 : i32
      %dma_wait3A_59 = tpu.memref_slice %arg3[%mul3A_4, %dma_wait3A_58] : memref<2560x128xi32, #tpu.memory_space<hbm>> -> memref<80x128xi32, #tpu.memory_space<hbm>>
      tpu.wait_dma2 semaphore(%run_scoped3A : memref<!tpu.dma_semaphore, #tpu.memory_space<semaphore_mem>>) src(%dma_wait3A_59 : memref<80x128xi32, #tpu.memory_space<hbm>>) dst(%arg5 : memref<80x128xi32, #tpu.memory_space<vmem>>)
      tpu.yield
    }) : () -> ()
    %scan3A = arith.constant 0 : i32
    %scan3A_5 = arith.constant 0 : i32
    %scan3A_6 = arith.constant 128 : i32
    %scan3A_7 = arith.addi %scan3A_5, %scan3A_6 : i32
    %scan3A_8 = arith.constant 1 : i32
    scf.for %scan3A_52 = %scan3A_5 to %scan3A_7 step %scan3A_8  : i32 {
      %broadcast_in_dim3A = arith.constant 0.000000e+00 : f32
      %broadcast_in_dim3A_53 = vector.broadcast %broadcast_in_dim3A : f32 to vector<16xf32>
      %swap3A = arith.index_cast %scan3A_52 : i32 to index
      %swap3A_54 = arith.constant 0 : index
      %swap3A_55 = tpu.vector_load %arg6[%swap3A, %swap3A_54] {strides = array<i32>} : memref<128x128xf32, #tpu.memory_space<vmem>>, vector<1x16xf32>,
      %swap3A_56 = vector.shape_cast %swap3A_55 : vector<1x16xf32> to vector<16xf32>
      %swap3A_57 = vector.shape_cast %broadcast_in_dim3A_53 : vector<16xf32> to vector<1x16xf32>
      tpu.vector_store %arg6[%swap3A, %swap3A_54], %swap3A_57 {strides = array<i32>} : memref<128x128xf32, #tpu.memory_space<vmem>>, vector<1x16xf32>,
      %broadcast_in_dim3A_58 = arith.constant 0.000000e+00 : f32
      %broadcast_in_dim3A_59 = vector.broadcast %broadcast_in_dim3A_58 : f32 to vector<16xf32>
      %swap3A_60 = arith.index_cast %scan3A_52 : i32 to index
      %swap3A_61 = arith.constant 16 : index
      %swap3A_62 = tpu.vector_load %arg6[%swap3A_60, %swap3A_61] {strides = array<i32>} : memref<128x128xf32, #tpu.memory_space<vmem>>, vector<1x16xf32>,
      %swap3A_63 = vector.shape_cast %swap3A_62 : vector<1x16xf32> to vector<16xf32>
      %swap3A_64 = vector.shape_cast %broadcast_in_dim3A_59 : vector<16xf32> to vector<1x16xf32>
      tpu.vector_store %arg6[%swap3A_60, %swap3A_61], %swap3A_64 {strides = array<i32>} : memref<128x128xf32, #tpu.memory_space<vmem>>, vector<1x16xf32>,
      %broadcast_in_dim3A_65 = arith.constant 0.000000e+00 : f32
      %broadcast_in_dim3A_66 = vector.broadcast %broadcast_in_dim3A_65 : f32 to vector<16xf32>
      %swap3A_67 = arith.index_cast %scan3A_52 : i32 to index
      %swap3A_68 = arith.constant 32 : index
      %swap3A_69 = tpu.vector_load %arg6[%swap3A_67, %swap3A_68] {strides = array<i32>} : memref<128x128xf32, #tpu.memory_space<vmem>>, vector<1x16xf32>,
      %swap3A_70 = vector.shape_cast %swap3A_69 : vector<1x16xf32> to vector<16xf32>
      %swap3A_71 = vector.shape_cast %broadcast_in_dim3A_66 : vector<16xf32> to vector<1x16xf32>
      tpu.vector_store %arg6[%swap3A_67, %swap3A_68], %swap3A_71 {strides = array<i32>} : memref<128x128xf32, #tpu.memory_space<vmem>>, vector<1x16xf32>,
      %broadcast_in_dim3A_72 = arith.constant 0.000000e+00 : f32
      %broadcast_in_dim3A_73 = vector.broadcast %broadcast_in_dim3A_72 : f32 to vector<16xf32>
      %swap3A_74 = arith.index_cast %scan3A_52 : i32 to index
      %swap3A_75 = arith.constant 48 : index
      %swap3A_76 = tpu.vector_load %arg6[%swap3A_74, %swap3A_75] {strides = array<i32>} : memref<128x128xf32, #tpu.memory_space<vmem>>, vector<1x16xf32>,
      %swap3A_77 = vector.shape_cast %swap3A_76 : vector<1x16xf32> to vector<16xf32>
      %swap3A_78 = vector.shape_cast %broadcast_in_dim3A_73 : vector<16xf32> to vector<1x16xf32>
      tpu.vector_store %arg6[%swap3A_74, %swap3A_75], %swap3A_78 {strides = array<i32>} : memref<128x128xf32, #tpu.memory_space<vmem>>, vector<1x16xf32>,
      %broadcast_in_dim3A_79 = arith.constant 0.000000e+00 : f32
      %broadcast_in_dim3A_80 = vector.broadcast %broadcast_in_dim3A_79 : f32 to vector<16xf32>
      %swap3A_81 = arith.index_cast %scan3A_52 : i32 to index
      %swap3A_82 = arith.constant 64 : index
      %swap3A_83 = tpu.vector_load %arg6[%swap3A_81, %swap3A_82] {strides = array<i32>} : memref<128x128xf32, #tpu.memory_space<vmem>>, vector<1x16xf32>,
      %swap3A_84 = vector.shape_cast %swap3A_83 : vector<1x16xf32> to vector<16xf32>
      %swap3A_85 = vector.shape_cast %broadcast_in_dim3A_80 : vector<16xf32> to vector<1x16xf32>
      tpu.vector_store %arg6[%swap3A_81, %swap3A_82], %swap3A_85 {strides = array<i32>} : memref<128x128xf32, #tpu.memory_space<vmem>>, vector<1x16xf32>,
      %broadcast_in_dim3A_86 = arith.constant 0.000000e+00 : f32
      %broadcast_in_dim3A_87 = vector.broadcast %broadcast_in_dim3A_86 : f32 to vector<16xf32>
      %swap3A_88 = arith.index_cast %scan3A_52 : i32 to index
      %swap3A_89 = arith.constant 80 : index
      %swap3A_90 = tpu.vector_load %arg6[%swap3A_88, %swap3A_89] {strides = array<i32>} : memref<128x128xf32, #tpu.memory_space<vmem>>, vector<1x16xf32>,
      %swap3A_91 = vector.shape_cast %swap3A_90 : vector<1x16xf32> to vector<16xf32>
      %swap3A_92 = vector.shape_cast %broadcast_in_dim3A_87 : vector<16xf32> to vector<1x16xf32>
      tpu.vector_store %arg6[%swap3A_88, %swap3A_89], %swap3A_92 {strides = array<i32>} : memref<128x128xf32, #tpu.memory_space<vmem>>, vector<1x16xf32>,
      %broadcast_in_dim3A_93 = arith.constant 0.000000e+00 : f32
      %broadcast_in_dim3A_94 = vector.broadcast %broadcast_in_dim3A_93 : f32 to vector<16xf32>
      %swap3A_95 = arith.index_cast %scan3A_52 : i32 to index
      %swap3A_96 = arith.constant 96 : index
      %swap3A_97 = tpu.vector_load %arg6[%swap3A_95, %swap3A_96] {strides = array<i32>} : memref<128x128xf32, #tpu.memory_space<vmem>>, vector<1x16xf32>,
      %swap3A_98 = vector.shape_cast %swap3A_97 : vector<1x16xf32> to vector<16xf32>
      %swap3A_99 = vector.shape_cast %broadcast_in_dim3A_94 : vector<16xf32> to vector<1x16xf32>
      tpu.vector_store %arg6[%swap3A_95, %swap3A_96], %swap3A_99 {strides = array<i32>} : memref<128x128xf32, #tpu.memory_space<vmem>>, vector<1x16xf32>,
      %broadcast_in_dim3A_100 = arith.constant 0.000000e+00 : f32
      %broadcast_in_dim3A_101 = vector.broadcast %broadcast_in_dim3A_100 : f32 to vector<16xf32>
      %swap3A_102 = arith.index_cast %scan3A_52 : i32 to index
      %swap3A_103 = arith.constant 112 : index
      %swap3A_104 = tpu.vector_load %arg6[%swap3A_102, %swap3A_103] {strides = array<i32>} : memref<128x128xf32, #tpu.memory_space<vmem>>, vector<1x16xf32>,
      %swap3A_105 = vector.shape_cast %swap3A_104 : vector<1x16xf32> to vector<16xf32>
      %swap3A_106 = vector.shape_cast %broadcast_in_dim3A_101 : vector<16xf32> to vector<1x16xf32>
      tpu.vector_store %arg6[%swap3A_102, %swap3A_103], %swap3A_106 {strides = array<i32>} : memref<128x128xf32, #tpu.memory_space<vmem>>, vector<1x16xf32>,
    }
    %scan3A_9 = arith.constant 128 : i32
    %scan3A_10 = arith.constant 0 : i32
    %scan3A_11 = arith.constant 0 : i32
    %scan3A_12 = arith.constant 5 : i32
    %scan3A_13 = arith.addi %scan3A_11, %scan3A_12 : i32
    %scan3A_14 = arith.constant 1 : i32
    scf.for %scan3A_52 = %scan3A_11 to %scan3A_13 step %scan3A_14  : i32 {
      %mul3A_53 = arith.constant 640 : i32
      %mul3A_54 = arith.muli %arg1, %mul3A_53 : i32
      %mul3A_55 = arith.constant 128 : i32
      %mul3A_56 = arith.muli %scan3A_52, %mul3A_55 : i32
      %add3A_57 = arith.addi %mul3A_54, %mul3A_56 : i32
      "tpu.region"() ({
        %run_scoped3A = tpu.sem_alloc : memref<!tpu.dma_semaphore, #tpu.memory_space<semaphore_mem>>
        %dma_start3A_58 = arith.constant 0 : i32
        %dma_start3A_59 = tpu.memref_slice %arg8[%add3A_57, %dma_start3A_58] : memref<10240x128xf32, #tpu.memory_space<vmem_shared>> -> memref<128x128xf32, #tpu.memory_space<vmem_shared>>
        %dma_start3A_60 = arith.constant 0 : i32
        %dma_start3A_61 = tpu.memref_slice %arg8[%add3A_57, %dma_start3A_60] : memref<10240x128xf32, #tpu.memory_space<vmem_shared>> -> memref<128x128xf32, #tpu.memory_space<vmem_shared>>
        tpu.enqueue_dma source(%arg6 : memref<128x128xf32, #tpu.memory_space<vmem>>) target(%dma_start3A_61 : memref<128x128xf32, #tpu.memory_space<vmem_shared>>) target_semaphore(%run_scoped3A : memref<!tpu.dma_semaphore, #tpu.memory_space<semaphore_mem>>)
        %dma_wait3A_62 = arith.constant 0 : i32
        %dma_wait3A_63 = tpu.memref_slice %arg8[%add3A_57, %dma_wait3A_62] : memref<10240x128xf32, #tpu.memory_space<vmem_shared>> -> memref<128x128xf32, #tpu.memory_space<vmem_shared>>
        %dma_wait3A_64 = arith.constant 0 : i32
        %dma_wait3A_65 = tpu.memref_slice %arg8[%add3A_57, %dma_wait3A_64] : memref<10240x128xf32, #tpu.memory_space<vmem_shared>> -> memref<128x128xf32, #tpu.memory_space<vmem_shared>>
        tpu.wait_dma2 semaphore(%run_scoped3A : memref<!tpu.dma_semaphore, #tpu.memory_space<semaphore_mem>>) src(%arg6 : memref<128x128xf32, #tpu.memory_space<vmem>>) dst(%dma_wait3A_65 : memref<128x128xf32, #tpu.memory_space<vmem_shared>>)
        tpu.yield
      }) : () -> ()
    }
    %scan3A_15 = arith.constant 5 : i32
    %barrier3A = arith.constant 0 : index
    tpu.barrier barrier_id(%barrier3A)
    %add3A_16 = arith.constant 0 : i32
    %add3A_17 = arith.addi %mul3A_2, %add3A_16 : i32
    %dma_start3A = arith.constant 0 : i32
    %dma_start3A_18 = tpu.memref_slice %arg2[%add3A_17, %dma_start3A] : memref<327680x128xf32, #tpu.memory_space<hbm>> -> memref<128x128xf32, #tpu.memory_space<hbm>>
    %dma_start3A_19 = arith.constant 0 : i32
    %dma_start3A_20 = tpu.memref_slice %arg2[%add3A_17, %dma_start3A_19] : memref<327680x128xf32, #tpu.memory_space<hbm>> -> memref<128x128xf32, #tpu.memory_space<hbm>>
    tpu.enqueue_dma source(%dma_start3A_20 : memref<128x128xf32, #tpu.memory_space<hbm>>) target(%arg6 : memref<128x128xf32, #tpu.memory_space<vmem>>) target_semaphore(%arg9 : memref<!tpu.dma_semaphore, #tpu.memory_space<semaphore_mem>>)
    %add3A_21 = arith.constant 128 : i32
    %add3A_22 = arith.addi %mul3A_2, %add3A_21 : i32
    %dma_start3A_23 = arith.constant 0 : i32
    %dma_start3A_24 = tpu.memref_slice %arg2[%add3A_22, %dma_start3A_23] : memref<327680x128xf32, #tpu.memory_space<hbm>> -> memref<128x128xf32, #tpu.memory_space<hbm>>
    %dma_start3A_25 = arith.constant 0 : i32
    %dma_start3A_26 = tpu.memref_slice %arg2[%add3A_22, %dma_start3A_25] : memref<327680x128xf32, #tpu.memory_space<hbm>> -> memref<128x128xf32, #tpu.memory_space<hbm>>
    tpu.enqueue_dma source(%dma_start3A_26 : memref<128x128xf32, #tpu.memory_space<hbm>>) target(%arg7 : memref<128x128xf32, #tpu.memory_space<vmem>>) target_semaphore(%arg10 : memref<!tpu.dma_semaphore, #tpu.memory_space<semaphore_mem>>)
    %scan3A_27 = arith.constant 0 : i32
    %scan3A_28 = arith.constant 0 : i32
    %scan3A_29 = arith.constant 40 : i32
    %scan3A_30 = arith.addi %scan3A_28, %scan3A_29 : i32
    %scan3A_31 = arith.constant 1 : i32
    scf.for %scan3A_52 = %scan3A_28 to %scan3A_30 step %scan3A_31  : i32 {
      %mul3A_53 = arith.constant 2 : i32
      %mul3A_54 = arith.muli %mul3A_53, %scan3A_52 : i32
      %add3A_55 = arith.constant 0 : i32
      %add3A_56 = arith.addi %mul3A_54, %add3A_55 : i32
      %dma_wait3A_57 = arith.constant 0 : i32
      %dma_wait3A_58 = arith.constant 0 : i32
      %dma_wait3A_59 = tpu.memref_slice %arg2[%dma_wait3A_57, %dma_wait3A_58] : memref<327680x128xf32, #tpu.memory_space<hbm>> -> memref<128x128xf32, #tpu.memory_space<hbm>>
      %dma_wait3A_60 = arith.constant 0 : i32
      %dma_wait3A_61 = arith.constant 0 : i32
      %dma_wait3A_62 = tpu.memref_slice %arg2[%dma_wait3A_60, %dma_wait3A_61] : memref<327680x128xf32, #tpu.memory_space<hbm>> -> memref<128x128xf32, #tpu.memory_space<hbm>>
      tpu.wait_dma2 semaphore(%arg9 : memref<!tpu.dma_semaphore, #tpu.memory_space<semaphore_mem>>) src(%dma_wait3A_62 : memref<128x128xf32, #tpu.memory_space<hbm>>) dst(%arg6 : memref<128x128xf32, #tpu.memory_space<vmem>>)
      %dma_start3A_63 = arith.constant 0 : i32
      %dma_start3A_64 = tpu.memref_slice %arg5[%add3A_56, %dma_start3A_63] : memref<80x128xi32, #tpu.memory_space<vmem>> -> memref<1x128xi32, #tpu.memory_space<vmem>>
      %dma_start3A_65 = tpu.memref_squeeze %dma_start3A_64 : memref<1x128xi32, #tpu.memory_space<vmem>> -> memref<128xi32, #tpu.memory_space<vmem>>
      %dma_start3A_66 = arith.constant 0 : i32
      %dma_start3A_67 = arith.constant 0 : i32
      %dma_start3A_68 = tpu.memref_slice %arg8[%dma_start3A_66, %dma_start3A_67] : memref<10240x128xf32, #tpu.memory_space<vmem_shared>> -> memref<10240x128xf32, #tpu.memory_space<vmem_shared>>
      tpu.enqueue_indirect_dma source(%arg6 : memref<128x128xf32, #tpu.memory_space<vmem>>) target(%dma_start3A_68 : memref<10240x128xf32, #tpu.memory_space<vmem_shared>>) offsets(%dma_start3A_65 : memref<128xi32, #tpu.memory_space<vmem>>) semaphore(%arg11 : memref<!tpu.dma_semaphore, #tpu.memory_space<semaphore_mem>>) {add = true}
      %mul3A_69 = arith.constant 2 : i32
      %mul3A_70 = arith.muli %mul3A_69, %scan3A_52 : i32
      %add3A_71 = arith.constant 1 : i32
      %add3A_72 = arith.addi %mul3A_70, %add3A_71 : i32
      %dma_wait3A_73 = arith.constant 0 : i32
      %dma_wait3A_74 = arith.constant 0 : i32
      %dma_wait3A_75 = tpu.memref_slice %arg2[%dma_wait3A_73, %dma_wait3A_74] : memref<327680x128xf32, #tpu.memory_space<hbm>> -> memref<128x128xf32, #tpu.memory_space<hbm>>
      %dma_wait3A_76 = arith.constant 0 : i32
      %dma_wait3A_77 = arith.constant 0 : i32
      %dma_wait3A_78 = tpu.memref_slice %arg2[%dma_wait3A_76, %dma_wait3A_77] : memref<327680x128xf32, #tpu.memory_space<hbm>> -> memref<128x128xf32, #tpu.memory_space<hbm>>
      tpu.wait_dma2 semaphore(%arg10 : memref<!tpu.dma_semaphore, #tpu.memory_space<semaphore_mem>>) src(%dma_wait3A_78 : memref<128x128xf32, #tpu.memory_space<hbm>>) dst(%arg7 : memref<128x128xf32, #tpu.memory_space<vmem>>)
      %dma_start3A_79 = arith.constant 0 : i32
      %dma_start3A_80 = tpu.memref_slice %arg5[%add3A_72, %dma_start3A_79] : memref<80x128xi32, #tpu.memory_space<vmem>> -> memref<1x128xi32, #tpu.memory_space<vmem>>
      %dma_start3A_81 = tpu.memref_squeeze %dma_start3A_80 : memref<1x128xi32, #tpu.memory_space<vmem>> -> memref<128xi32, #tpu.memory_space<vmem>>
      %dma_start3A_82 = arith.constant 0 : i32
      %dma_start3A_83 = arith.constant 0 : i32
      %dma_start3A_84 = tpu.memref_slice %arg8[%dma_start3A_82, %dma_start3A_83] : memref<10240x128xf32, #tpu.memory_space<vmem_shared>> -> memref<10240x128xf32, #tpu.memory_space<vmem_shared>>
      tpu.enqueue_indirect_dma source(%arg7 : memref<128x128xf32, #tpu.memory_space<vmem>>) target(%dma_start3A_84 : memref<10240x128xf32, #tpu.memory_space<vmem_shared>>) offsets(%dma_start3A_81 : memref<128xi32, #tpu.memory_space<vmem>>) semaphore(%arg12 : memref<!tpu.dma_semaphore, #tpu.memory_space<semaphore_mem>>) {add = true}
      %mul3A_85 = arith.constant 2 : i32
      %mul3A_86 = arith.muli %mul3A_85, %scan3A_52 : i32
      %add3A_87 = arith.constant 2 : i32
      %add3A_88 = arith.addi %mul3A_86, %add3A_87 : i32
      %add3A_89 = arith.constant 0 : i32
      %add3A_90 = arith.addi %add3A_88, %add3A_89 : i32
      %min3A = arith.constant 79 : i32
      %min3A_91 = arith.minsi %add3A_90, %min3A : i32
      %dma_wait3A_92 = arith.constant 0 : i32
      %dma_wait3A_93 = arith.constant 0 : i32
      %dma_wait3A_94 = tpu.memref_slice %arg8[%dma_wait3A_92, %dma_wait3A_93] : memref<10240x128xf32, #tpu.memory_space<vmem_shared>> -> memref<128x128xf32, #tpu.memory_space<vmem_shared>>
      %dma_wait3A_95 = arith.constant 0 : i32
      %dma_wait3A_96 = arith.constant 0 : i32
      %dma_wait3A_97 = tpu.memref_slice %arg8[%dma_wait3A_95, %dma_wait3A_96] : memref<10240x128xf32, #tpu.memory_space<vmem_shared>> -> memref<128x128xf32, #tpu.memory_space<vmem_shared>>
      tpu.wait_dma2 semaphore(%arg11 : memref<!tpu.dma_semaphore, #tpu.memory_space<semaphore_mem>>) src(%arg6 : memref<128x128xf32, #tpu.memory_space<vmem>>) dst(%dma_wait3A_97 : memref<128x128xf32, #tpu.memory_space<vmem_shared>>)
      %mul3A_98 = arith.constant 128 : i32
      %mul3A_99 = arith.muli %min3A_91, %mul3A_98 : i32
      %add3A_100 = arith.addi %mul3A_2, %mul3A_99 : i32
      %dma_start3A_101 = arith.constant 0 : i32
      %dma_start3A_102 = tpu.memref_slice %arg2[%add3A_100, %dma_start3A_101] : memref<327680x128xf32, #tpu.memory_space<hbm>> -> memref<128x128xf32, #tpu.memory_space<hbm>>
      %dma_start3A_103 = arith.constant 0 : i32
      %dma_start3A_104 = tpu.memref_slice %arg2[%add3A_100, %dma_start3A_103] : memref<327680x128xf32, #tpu.memory_space<hbm>> -> memref<128x128xf32, #tpu.memory_space<hbm>>
      tpu.enqueue_dma source(%dma_start3A_104 : memref<128x128xf32, #tpu.memory_space<hbm>>) target(%arg6 : memref<128x128xf32, #tpu.memory_space<vmem>>) target_semaphore(%arg9 : memref<!tpu.dma_semaphore, #tpu.memory_space<semaphore_mem>>)
      %mul3A_105 = arith.constant 2 : i32
      %mul3A_106 = arith.muli %mul3A_105, %scan3A_52 : i32
      %add3A_107 = arith.constant 2 : i32
      %add3A_108 = arith.addi %mul3A_106, %add3A_107 : i32
      %add3A_109 = arith.constant 1 : i32
      %add3A_110 = arith.addi %add3A_108, %add3A_109 : i32
      %min3A_111 = arith.constant 79 : i32
      %min3A_112 = arith.minsi %add3A_110, %min3A_111 : i32
      %dma_wait3A_113 = arith.constant 0 : i32
      %dma_wait3A_114 = arith.constant 0 : i32
      %dma_wait3A_115 = tpu.memref_slice %arg8[%dma_wait3A_113, %dma_wait3A_114] : memref<10240x128xf32, #tpu.memory_space<vmem_shared>> -> memref<128x128xf32, #tpu.memory_space<vmem_shared>>
      %dma_wait3A_116 = arith.constant 0 : i32
      %dma_wait3A_117 = arith.constant 0 : i32
      %dma_wait3A_118 = tpu.memref_slice %arg8[%dma_wait3A_116, %dma_wait3A_117] : memref<10240x128xf32, #tpu.memory_space<vmem_shared>> -> memref<128x128xf32, #tpu.memory_space<vmem_shared>>
      tpu.wait_dma2 semaphore(%arg12 : memref<!tpu.dma_semaphore, #tpu.memory_space<semaphore_mem>>) src(%arg7 : memref<128x128xf32, #tpu.memory_space<vmem>>) dst(%dma_wait3A_118 : memref<128x128xf32, #tpu.memory_space<vmem_shared>>)
      %mul3A_119 = arith.constant 128 : i32
      %mul3A_120 = arith.muli %min3A_112, %mul3A_119 : i32
      %add3A_121 = arith.addi %mul3A_2, %mul3A_120 : i32
      %dma_start3A_122 = arith.constant 0 : i32
      %dma_start3A_123 = tpu.memref_slice %arg2[%add3A_121, %dma_start3A_122] : memref<327680x128xf32, #tpu.memory_space<hbm>> -> memref<128x128xf32, #tpu.memory_space<hbm>>
      %dma_start3A_124 = arith.constant 0 : i32
      %dma_start3A_125 = tpu.memref_slice %arg2[%add3A_121, %dma_start3A_124] : memref<327680x128xf32, #tpu.memory_space<hbm>> -> memref<128x128xf32, #tpu.memory_space<hbm>>
      tpu.enqueue_dma source(%dma_start3A_125 : memref<128x128xf32, #tpu.memory_space<hbm>>) target(%arg7 : memref<128x128xf32, #tpu.memory_space<vmem>>) target_semaphore(%arg10 : memref<!tpu.dma_semaphore, #tpu.memory_space<semaphore_mem>>)
    }
    %scan3A_32 = arith.constant 40 : i32
    %dma_wait3A = arith.constant 0 : i32
    %dma_wait3A_33 = arith.constant 0 : i32
    %dma_wait3A_34 = tpu.memref_slice %arg2[%dma_wait3A, %dma_wait3A_33] : memref<327680x128xf32, #tpu.memory_space<hbm>> -> memref<128x128xf32, #tpu.memory_space<hbm>>
    %dma_wait3A_35 = arith.constant 0 : i32
    %dma_wait3A_36 = arith.constant 0 : i32
    %dma_wait3A_37 = tpu.memref_slice %arg2[%dma_wait3A_35, %dma_wait3A_36] : memref<327680x128xf32, #tpu.memory_space<hbm>> -> memref<128x128xf32, #tpu.memory_space<hbm>>
    tpu.wait_dma2 semaphore(%arg9 : memref<!tpu.dma_semaphore, #tpu.memory_space<semaphore_mem>>) src(%dma_wait3A_37 : memref<128x128xf32, #tpu.memory_space<hbm>>) dst(%arg6 : memref<128x128xf32, #tpu.memory_space<vmem>>)
    %dma_wait3A_38 = arith.constant 0 : i32
    %dma_wait3A_39 = arith.constant 0 : i32
    %dma_wait3A_40 = tpu.memref_slice %arg2[%dma_wait3A_38, %dma_wait3A_39] : memref<327680x128xf32, #tpu.memory_space<hbm>> -> memref<128x128xf32, #tpu.memory_space<hbm>>
    %dma_wait3A_41 = arith.constant 0 : i32
    %dma_wait3A_42 = arith.constant 0 : i32
    %dma_wait3A_43 = tpu.memref_slice %arg2[%dma_wait3A_41, %dma_wait3A_42] : memref<327680x128xf32, #tpu.memory_space<hbm>> -> memref<128x128xf32, #tpu.memory_space<hbm>>
    tpu.wait_dma2 semaphore(%arg10 : memref<!tpu.dma_semaphore, #tpu.memory_space<semaphore_mem>>) src(%dma_wait3A_43 : memref<128x128xf32, #tpu.memory_space<hbm>>) dst(%arg7 : memref<128x128xf32, #tpu.memory_space<vmem>>)
    %barrier3A_44 = arith.constant 0 : index
    tpu.barrier barrier_id(%barrier3A_44)
    %mul3A_45 = arith.constant 640 : i32
    %mul3A_46 = arith.muli %arg1, %mul3A_45 : i32
    %mul3A_47 = arith.constant 10240 : i32
    %mul3A_48 = arith.muli %arg0, %mul3A_47 : i32
    %mul3A_49 = arith.constant 640 : i32
    %mul3A_50 = arith.muli %arg1, %mul3A_49 : i32
    %add3A_51 = arith.addi %mul3A_48, %mul3A_50 : i32
    "tpu.region"() ({
      %run_scoped3A = tpu.sem_alloc : memref<!tpu.dma_semaphore, #tpu.memory_space<semaphore_mem>>
      %dma_start3A_52 = arith.constant 0 : i32
      %dma_start3A_53 = tpu.memref_slice %arg4[%add3A_51, %dma_start3A_52] : memref<20480x128xf32, #tpu.memory_space<hbm>> -> memref<640x128xf32, #tpu.memory_space<hbm>>
      %dma_start3A_54 = arith.constant 0 : i32
      %dma_start3A_55 = tpu.memref_slice %arg8[%mul3A_46, %dma_start3A_54] : memref<10240x128xf32, #tpu.memory_space<vmem_shared>> -> memref<640x128xf32, #tpu.memory_space<vmem_shared>>
      tpu.enqueue_dma source(%dma_start3A_55 : memref<640x128xf32, #tpu.memory_space<vmem_shared>>) target(%dma_start3A_53 : memref<640x128xf32, #tpu.memory_space<hbm>>) target_semaphore(%run_scoped3A : memref<!tpu.dma_semaphore, #tpu.memory_space<semaphore_mem>>)
      %dma_wait3A_56 = arith.constant 0 : i32
      %dma_wait3A_57 = tpu.memref_slice %arg4[%add3A_51, %dma_wait3A_56] : memref<20480x128xf32, #tpu.memory_space<hbm>> -> memref<640x128xf32, #tpu.memory_space<hbm>>
      %dma_wait3A_58 = arith.constant 0 : i32
      %dma_wait3A_59 = tpu.memref_slice %arg8[%mul3A_46, %dma_wait3A_58] : memref<10240x128xf32, #tpu.memory_space<vmem_shared>> -> memref<640x128xf32, #tpu.memory_space<vmem_shared>>
      tpu.wait_dma2 semaphore(%run_scoped3A : memref<!tpu.dma_semaphore, #tpu.memory_space<semaphore_mem>>) src(%dma_wait3A_59 : memref<640x128xf32, #tpu.memory_space<vmem_shared>>) dst(%dma_wait3A_57 : memref<640x128xf32, #tpu.memory_space<hbm>>)
      tpu.yield
    }) : () -> ()
    return
  }
}

#map = affine_map<(d0, d1) -> (0, 0)>
module attributes {stable_mosaic.version = 14 : i64} {
  func.func @sc_gather_kv(%arg0: i32, %arg1: i32, %arg2: memref<10240x128xi32, #tpu.memory_space<hbm>>, %arg3: memref<2560x128xi32, #tpu.memory_space<hbm>>, %arg4: memref<327680x128xi32, #tpu.memory_space<hbm>>, %arg5: memref<80x128xi32, #tpu.memory_space<vmem>>, %arg6: memref<128x128xi32, #tpu.memory_space<vmem>>, %arg7: memref<128x128xi32, #tpu.memory_space<vmem>>, %arg8: memref<!tpu.dma_semaphore, #tpu.memory_space<semaphore_mem>>, %arg9: memref<!tpu.dma_semaphore, #tpu.memory_space<semaphore_mem>>, %arg10: memref<!tpu.dma_semaphore, #tpu.memory_space<semaphore_mem>>, %arg11: memref<!tpu.dma_semaphore, #tpu.memory_space<semaphore_mem>>, %arg12: memref<10240x128xi32, #tpu.memory_space<vmem_shared>>) attributes {dimension_semantics = [#tpu.dimension_semantics<core_parallel>, #tpu.dimension_semantics<subcore_parallel>], iteration_bounds = array<i64: 2, 16>, scalar_prefetch = 0 : i64, scratch_operands = 8 : i64, tpu.core_type = #tpu.core_type<sc_vector_subcore>, window_params = [{transform_indices = #map}, {transform_indices = #map}, {transform_indices = #map}]} {
    %mul3A = arith.constant 2 : i32
    %mul3A_0 = arith.muli %arg1, %mul3A : i32
    %add3A = arith.addi %mul3A_0, %arg0 : i32
    %mul3A_1 = arith.constant 10240 : i32
    %mul3A_2 = arith.muli %add3A, %mul3A_1 : i32
    %mul3A_3 = arith.constant 80 : i32
    %mul3A_4 = arith.muli %add3A, %mul3A_3 : i32
    "tpu.region"() ({
      %run_scoped3A = tpu.sem_alloc : memref<!tpu.dma_semaphore, #tpu.memory_space<semaphore_mem>>
      %dma_start3A_38 = arith.constant 0 : i32
      %dma_start3A_39 = tpu.memref_slice %arg3[%mul3A_4, %dma_start3A_38] : memref<2560x128xi32, #tpu.memory_space<hbm>> -> memref<80x128xi32, #tpu.memory_space<hbm>>
      %dma_start3A_40 = arith.constant 0 : i32
      %dma_start3A_41 = tpu.memref_slice %arg3[%mul3A_4, %dma_start3A_40] : memref<2560x128xi32, #tpu.memory_space<hbm>> -> memref<80x128xi32, #tpu.memory_space<hbm>>
      tpu.enqueue_dma source(%dma_start3A_41 : memref<80x128xi32, #tpu.memory_space<hbm>>) target(%arg5 : memref<80x128xi32, #tpu.memory_space<vmem>>) target_semaphore(%run_scoped3A : memref<!tpu.dma_semaphore, #tpu.memory_space<semaphore_mem>>)
      %dma_wait3A_42 = arith.constant 0 : i32
      %dma_wait3A_43 = tpu.memref_slice %arg3[%mul3A_4, %dma_wait3A_42] : memref<2560x128xi32, #tpu.memory_space<hbm>> -> memref<80x128xi32, #tpu.memory_space<hbm>>
      %dma_wait3A_44 = arith.constant 0 : i32
      %dma_wait3A_45 = tpu.memref_slice %arg3[%mul3A_4, %dma_wait3A_44] : memref<2560x128xi32, #tpu.memory_space<hbm>> -> memref<80x128xi32, #tpu.memory_space<hbm>>
      tpu.wait_dma2 semaphore(%run_scoped3A : memref<!tpu.dma_semaphore, #tpu.memory_space<semaphore_mem>>) src(%dma_wait3A_45 : memref<80x128xi32, #tpu.memory_space<hbm>>) dst(%arg5 : memref<80x128xi32, #tpu.memory_space<vmem>>)
      tpu.yield
    }) : () -> ()
    %mul3A_5 = arith.constant 640 : i32
    %mul3A_6 = arith.muli %arg1, %mul3A_5 : i32
    %mul3A_7 = arith.constant 640 : i32
    %mul3A_8 = arith.muli %arg1, %mul3A_7 : i32
    "tpu.region"() ({
      %run_scoped3A = tpu.sem_alloc : memref<!tpu.dma_semaphore, #tpu.memory_space<semaphore_mem>>
      %dma_start3A_38 = arith.constant 0 : i32
      %dma_start3A_39 = tpu.memref_slice %arg12[%mul3A_8, %dma_start3A_38] : memref<10240x128xi32, #tpu.memory_space<vmem_shared>> -> memref<640x128xi32, #tpu.memory_space<vmem_shared>>
      %dma_start3A_40 = arith.constant 0 : i32
      %dma_start3A_41 = tpu.memref_slice %arg2[%mul3A_6, %dma_start3A_40] : memref<10240x128xi32, #tpu.memory_space<hbm>> -> memref<640x128xi32, #tpu.memory_space<hbm>>
      tpu.enqueue_dma source(%dma_start3A_41 : memref<640x128xi32, #tpu.memory_space<hbm>>) target(%dma_start3A_39 : memref<640x128xi32, #tpu.memory_space<vmem_shared>>) target_semaphore(%run_scoped3A : memref<!tpu.dma_semaphore, #tpu.memory_space<semaphore_mem>>)
      %dma_wait3A_42 = arith.constant 0 : i32
      %dma_wait3A_43 = tpu.memref_slice %arg12[%mul3A_8, %dma_wait3A_42] : memref<10240x128xi32, #tpu.memory_space<vmem_shared>> -> memref<640x128xi32, #tpu.memory_space<vmem_shared>>
      %dma_wait3A_44 = arith.constant 0 : i32
      %dma_wait3A_45 = tpu.memref_slice %arg2[%mul3A_6, %dma_wait3A_44] : memref<10240x128xi32, #tpu.memory_space<hbm>> -> memref<640x128xi32, #tpu.memory_space<hbm>>
      tpu.wait_dma2 semaphore(%run_scoped3A : memref<!tpu.dma_semaphore, #tpu.memory_space<semaphore_mem>>) src(%dma_wait3A_45 : memref<640x128xi32, #tpu.memory_space<hbm>>) dst(%dma_wait3A_43 : memref<640x128xi32, #tpu.memory_space<vmem_shared>>)
      tpu.yield
    }) : () -> ()
    %barrier3A = arith.constant 0 : index
    tpu.barrier barrier_id(%barrier3A)
    %dma_start3A = arith.constant 0 : i32
    %dma_start3A_9 = arith.constant 0 : i32
    %dma_start3A_10 = tpu.memref_slice %arg5[%dma_start3A, %dma_start3A_9] : memref<80x128xi32, #tpu.memory_space<vmem>> -> memref<1x128xi32, #tpu.memory_space<vmem>>
    %dma_start3A_11 = tpu.memref_squeeze %dma_start3A_10 : memref<1x128xi32, #tpu.memory_space<vmem>> -> memref<128xi32, #tpu.memory_space<vmem>>
    %dma_start3A_12 = arith.constant 0 : i32
    %dma_start3A_13 = arith.constant 0 : i32
    %dma_start3A_14 = tpu.memref_slice %arg12[%dma_start3A_12, %dma_start3A_13] : memref<10240x128xi32, #tpu.memory_space<vmem_shared>> -> memref<10240x128xi32, #tpu.memory_space<vmem_shared>>
    tpu.enqueue_indirect_dma source(%dma_start3A_14 : memref<10240x128xi32, #tpu.memory_space<vmem_shared>>) target(%arg6 : memref<128x128xi32, #tpu.memory_space<vmem>>) offsets(%dma_start3A_11 : memref<128xi32, #tpu.memory_space<vmem>>) semaphore(%arg8 : memref<!tpu.dma_semaphore, #tpu.memory_space<semaphore_mem>>)
    %dma_start3A_15 = arith.constant 1 : i32
    %dma_start3A_16 = arith.constant 0 : i32
    %dma_start3A_17 = tpu.memref_slice %arg5[%dma_start3A_15, %dma_start3A_16] : memref<80x128xi32, #tpu.memory_space<vmem>> -> memref<1x128xi32, #tpu.memory_space<vmem>>
    %dma_start3A_18 = tpu.memref_squeeze %dma_start3A_17 : memref<1x128xi32, #tpu.memory_space<vmem>> -> memref<128xi32, #tpu.memory_space<vmem>>
    %dma_start3A_19 = arith.constant 0 : i32
    %dma_start3A_20 = arith.constant 0 : i32
    %dma_start3A_21 = tpu.memref_slice %arg12[%dma_start3A_19, %dma_start3A_20] : memref<10240x128xi32, #tpu.memory_space<vmem_shared>> -> memref<10240x128xi32, #tpu.memory_space<vmem_shared>>
    tpu.enqueue_indirect_dma source(%dma_start3A_21 : memref<10240x128xi32, #tpu.memory_space<vmem_shared>>) target(%arg7 : memref<128x128xi32, #tpu.memory_space<vmem>>) offsets(%dma_start3A_18 : memref<128xi32, #tpu.memory_space<vmem>>) semaphore(%arg9 : memref<!tpu.dma_semaphore, #tpu.memory_space<semaphore_mem>>)
    %scan3A = arith.constant 0 : i32
    %scan3A_22 = arith.constant 0 : i32
    %scan3A_23 = arith.constant 40 : i32
    %scan3A_24 = arith.addi %scan3A_22, %scan3A_23 : i32
    %scan3A_25 = arith.constant 1 : i32
    scf.for %scan3A_38 = %scan3A_22 to %scan3A_24 step %scan3A_25  : i32 {
      %mul3A_39 = arith.constant 2 : i32
      %mul3A_40 = arith.muli %mul3A_39, %scan3A_38 : i32
      %add3A_41 = arith.constant 0 : i32
      %add3A_42 = arith.addi %mul3A_40, %add3A_41 : i32
      %dma_wait3A_43 = arith.constant 0 : i32
      %dma_wait3A_44 = arith.constant 0 : i32
      %dma_wait3A_45 = tpu.memref_slice %arg12[%dma_wait3A_43, %dma_wait3A_44] : memref<10240x128xi32, #tpu.memory_space<vmem_shared>> -> memref<128x128xi32, #tpu.memory_space<vmem_shared>>
      %dma_wait3A_46 = arith.constant 0 : i32
      %dma_wait3A_47 = arith.constant 0 : i32
      %dma_wait3A_48 = tpu.memref_slice %arg12[%dma_wait3A_46, %dma_wait3A_47] : memref<10240x128xi32, #tpu.memory_space<vmem_shared>> -> memref<128x128xi32, #tpu.memory_space<vmem_shared>>
      tpu.wait_dma2 semaphore(%arg8 : memref<!tpu.dma_semaphore, #tpu.memory_space<semaphore_mem>>) src(%dma_wait3A_48 : memref<128x128xi32, #tpu.memory_space<vmem_shared>>) dst(%arg6 : memref<128x128xi32, #tpu.memory_space<vmem>>)
      %mul3A_49 = arith.constant 128 : i32
      %mul3A_50 = arith.muli %add3A_42, %mul3A_49 : i32
      %add3A_51 = arith.addi %mul3A_2, %mul3A_50 : i32
      %dma_start3A_52 = arith.constant 0 : i32
      %dma_start3A_53 = tpu.memref_slice %arg4[%add3A_51, %dma_start3A_52] : memref<327680x128xi32, #tpu.memory_space<hbm>> -> memref<128x128xi32, #tpu.memory_space<hbm>>
      %dma_start3A_54 = arith.constant 0 : i32
      %dma_start3A_55 = tpu.memref_slice %arg4[%add3A_51, %dma_start3A_54] : memref<327680x128xi32, #tpu.memory_space<hbm>> -> memref<128x128xi32, #tpu.memory_space<hbm>>
      tpu.enqueue_dma source(%arg6 : memref<128x128xi32, #tpu.memory_space<vmem>>) target(%dma_start3A_55 : memref<128x128xi32, #tpu.memory_space<hbm>>) target_semaphore(%arg10 : memref<!tpu.dma_semaphore, #tpu.memory_space<semaphore_mem>>)
      %mul3A_56 = arith.constant 2 : i32
      %mul3A_57 = arith.muli %mul3A_56, %scan3A_38 : i32
      %add3A_58 = arith.constant 1 : i32
      %add3A_59 = arith.addi %mul3A_57, %add3A_58 : i32
      %dma_wait3A_60 = arith.constant 0 : i32
      %dma_wait3A_61 = arith.constant 0 : i32
      %dma_wait3A_62 = tpu.memref_slice %arg12[%dma_wait3A_60, %dma_wait3A_61] : memref<10240x128xi32, #tpu.memory_space<vmem_shared>> -> memref<128x128xi32, #tpu.memory_space<vmem_shared>>
      %dma_wait3A_63 = arith.constant 0 : i32
      %dma_wait3A_64 = arith.constant 0 : i32
      %dma_wait3A_65 = tpu.memref_slice %arg12[%dma_wait3A_63, %dma_wait3A_64] : memref<10240x128xi32, #tpu.memory_space<vmem_shared>> -> memref<128x128xi32, #tpu.memory_space<vmem_shared>>
      tpu.wait_dma2 semaphore(%arg9 : memref<!tpu.dma_semaphore, #tpu.memory_space<semaphore_mem>>) src(%dma_wait3A_65 : memref<128x128xi32, #tpu.memory_space<vmem_shared>>) dst(%arg7 : memref<128x128xi32, #tpu.memory_space<vmem>>)
      %mul3A_66 = arith.constant 128 : i32
      %mul3A_67 = arith.muli %add3A_59, %mul3A_66 : i32
      %add3A_68 = arith.addi %mul3A_2, %mul3A_67 : i32
      %dma_start3A_69 = arith.constant 0 : i32
      %dma_start3A_70 = tpu.memref_slice %arg4[%add3A_68, %dma_start3A_69] : memref<327680x128xi32, #tpu.memory_space<hbm>> -> memref<128x128xi32, #tpu.memory_space<hbm>>
      %dma_start3A_71 = arith.constant 0 : i32
      %dma_start3A_72 = tpu.memref_slice %arg4[%add3A_68, %dma_start3A_71] : memref<327680x128xi32, #tpu.memory_space<hbm>> -> memref<128x128xi32, #tpu.memory_space<hbm>>
      tpu.enqueue_dma source(%arg7 : memref<128x128xi32, #tpu.memory_space<vmem>>) target(%dma_start3A_72 : memref<128x128xi32, #tpu.memory_space<hbm>>) target_semaphore(%arg11 : memref<!tpu.dma_semaphore, #tpu.memory_space<semaphore_mem>>)
      %mul3A_73 = arith.constant 2 : i32
      %mul3A_74 = arith.muli %mul3A_73, %scan3A_38 : i32
      %add3A_75 = arith.constant 2 : i32
      %add3A_76 = arith.addi %mul3A_74, %add3A_75 : i32
      %add3A_77 = arith.constant 0 : i32
      %add3A_78 = arith.addi %add3A_76, %add3A_77 : i32
      %min3A = arith.constant 79 : i32
      %min3A_79 = arith.minsi %add3A_78, %min3A : i32
      %dma_wait3A_80 = arith.constant 0 : i32
      %dma_wait3A_81 = arith.constant 0 : i32
      %dma_wait3A_82 = tpu.memref_slice %arg4[%dma_wait3A_80, %dma_wait3A_81] : memref<327680x128xi32, #tpu.memory_space<hbm>> -> memref<128x128xi32, #tpu.memory_space<hbm>>
      %dma_wait3A_83 = arith.constant 0 : i32
      %dma_wait3A_84 = arith.constant 0 : i32
      %dma_wait3A_85 = tpu.memref_slice %arg4[%dma_wait3A_83, %dma_wait3A_84] : memref<327680x128xi32, #tpu.memory_space<hbm>> -> memref<128x128xi32, #tpu.memory_space<hbm>>
      tpu.wait_dma2 semaphore(%arg10 : memref<!tpu.dma_semaphore, #tpu.memory_space<semaphore_mem>>) src(%arg6 : memref<128x128xi32, #tpu.memory_space<vmem>>) dst(%dma_wait3A_85 : memref<128x128xi32, #tpu.memory_space<hbm>>)
      %dma_start3A_86 = arith.constant 0 : i32
      %dma_start3A_87 = tpu.memref_slice %arg5[%min3A_79, %dma_start3A_86] : memref<80x128xi32, #tpu.memory_space<vmem>> -> memref<1x128xi32, #tpu.memory_space<vmem>>
      %dma_start3A_88 = tpu.memref_squeeze %dma_start3A_87 : memref<1x128xi32, #tpu.memory_space<vmem>> -> memref<128xi32, #tpu.memory_space<vmem>>
      %dma_start3A_89 = arith.constant 0 : i32
      %dma_start3A_90 = arith.constant 0 : i32
      %dma_start3A_91 = tpu.memref_slice %arg12[%dma_start3A_89, %dma_start3A_90] : memref<10240x128xi32, #tpu.memory_space<vmem_shared>> -> memref<10240x128xi32, #tpu.memory_space<vmem_shared>>
      tpu.enqueue_indirect_dma source(%dma_start3A_91 : memref<10240x128xi32, #tpu.memory_space<vmem_shared>>) target(%arg6 : memref<128x128xi32, #tpu.memory_space<vmem>>) offsets(%dma_start3A_88 : memref<128xi32, #tpu.memory_space<vmem>>) semaphore(%arg8 : memref<!tpu.dma_semaphore, #tpu.memory_space<semaphore_mem>>)
      %mul3A_92 = arith.constant 2 : i32
      %mul3A_93 = arith.muli %mul3A_92, %scan3A_38 : i32
      %add3A_94 = arith.constant 2 : i32
      %add3A_95 = arith.addi %mul3A_93, %add3A_94 : i32
      %add3A_96 = arith.constant 1 : i32
      %add3A_97 = arith.addi %add3A_95, %add3A_96 : i32
      %min3A_98 = arith.constant 79 : i32
      %min3A_99 = arith.minsi %add3A_97, %min3A_98 : i32
      %dma_wait3A_100 = arith.constant 0 : i32
      %dma_wait3A_101 = arith.constant 0 : i32
      %dma_wait3A_102 = tpu.memref_slice %arg4[%dma_wait3A_100, %dma_wait3A_101] : memref<327680x128xi32, #tpu.memory_space<hbm>> -> memref<128x128xi32, #tpu.memory_space<hbm>>
      %dma_wait3A_103 = arith.constant 0 : i32
      %dma_wait3A_104 = arith.constant 0 : i32
      %dma_wait3A_105 = tpu.memref_slice %arg4[%dma_wait3A_103, %dma_wait3A_104] : memref<327680x128xi32, #tpu.memory_space<hbm>> -> memref<128x128xi32, #tpu.memory_space<hbm>>
      tpu.wait_dma2 semaphore(%arg11 : memref<!tpu.dma_semaphore, #tpu.memory_space<semaphore_mem>>) src(%arg7 : memref<128x128xi32, #tpu.memory_space<vmem>>) dst(%dma_wait3A_105 : memref<128x128xi32, #tpu.memory_space<hbm>>)
      %dma_start3A_106 = arith.constant 0 : i32
      %dma_start3A_107 = tpu.memref_slice %arg5[%min3A_99, %dma_start3A_106] : memref<80x128xi32, #tpu.memory_space<vmem>> -> memref<1x128xi32, #tpu.memory_space<vmem>>
      %dma_start3A_108 = tpu.memref_squeeze %dma_start3A_107 : memref<1x128xi32, #tpu.memory_space<vmem>> -> memref<128xi32, #tpu.memory_space<vmem>>
      %dma_start3A_109 = arith.constant 0 : i32
      %dma_start3A_110 = arith.constant 0 : i32
      %dma_start3A_111 = tpu.memref_slice %arg12[%dma_start3A_109, %dma_start3A_110] : memref<10240x128xi32, #tpu.memory_space<vmem_shared>> -> memref<10240x128xi32, #tpu.memory_space<vmem_shared>>
      tpu.enqueue_indirect_dma source(%dma_start3A_111 : memref<10240x128xi32, #tpu.memory_space<vmem_shared>>) target(%arg7 : memref<128x128xi32, #tpu.memory_space<vmem>>) offsets(%dma_start3A_108 : memref<128xi32, #tpu.memory_space<vmem>>) semaphore(%arg9 : memref<!tpu.dma_semaphore, #tpu.memory_space<semaphore_mem>>)
    }
    %scan3A_26 = arith.constant 40 : i32
    %dma_wait3A = arith.constant 0 : i32
    %dma_wait3A_27 = arith.constant 0 : i32
    %dma_wait3A_28 = tpu.memref_slice %arg12[%dma_wait3A, %dma_wait3A_27] : memref<10240x128xi32, #tpu.memory_space<vmem_shared>> -> memref<128x128xi32, #tpu.memory_space<vmem_shared>>
    %dma_wait3A_29 = arith.constant 0 : i32
    %dma_wait3A_30 = arith.constant 0 : i32
    %dma_wait3A_31 = tpu.memref_slice %arg12[%dma_wait3A_29, %dma_wait3A_30] : memref<10240x128xi32, #tpu.memory_space<vmem_shared>> -> memref<128x128xi32, #tpu.memory_space<vmem_shared>>
    tpu.wait_dma2 semaphore(%arg8 : memref<!tpu.dma_semaphore, #tpu.memory_space<semaphore_mem>>) src(%dma_wait3A_31 : memref<128x128xi32, #tpu.memory_space<vmem_shared>>) dst(%arg6 : memref<128x128xi32, #tpu.memory_space<vmem>>)
    %dma_wait3A_32 = arith.constant 0 : i32
    %dma_wait3A_33 = arith.constant 0 : i32
    %dma_wait3A_34 = tpu.memref_slice %arg12[%dma_wait3A_32, %dma_wait3A_33] : memref<10240x128xi32, #tpu.memory_space<vmem_shared>> -> memref<128x128xi32, #tpu.memory_space<vmem_shared>>
    %dma_wait3A_35 = arith.constant 0 : i32
    %dma_wait3A_36 = arith.constant 0 : i32
    %dma_wait3A_37 = tpu.memref_slice %arg12[%dma_wait3A_35, %dma_wait3A_36] : memref<10240x128xi32, #tpu.memory_space<vmem_shared>> -> memref<128x128xi32, #tpu.memory_space<vmem_shared>>
    tpu.wait_dma2 semaphore(%arg9 : memref<!tpu.dma_semaphore, #tpu.memory_space<semaphore_mem>>) src(%dma_wait3A_37 : memref<128x128xi32, #tpu.memory_space<vmem_shared>>) dst(%arg7 : memref<128x128xi32, #tpu.memory_space<vmem>>)
    return
  }
}

#map = affine_map<(d0, d1) -> (0, 0)>
module attributes {stable_mosaic.version = 14 : i64} {
  func.func @sc_gather_q(%arg0: i32, %arg1: i32, %arg2: memref<10240x128xf32, #tpu.memory_space<hbm>>, %arg3: memref<2560x128xi32, #tpu.memory_space<hbm>>, %arg4: memref<327680x128xf32, #tpu.memory_space<hbm>>, %arg5: memref<80x128xi32, #tpu.memory_space<vmem>>, %arg6: memref<128x128xf32, #tpu.memory_space<vmem>>, %arg7: memref<128x128xf32, #tpu.memory_space<vmem>>, %arg8: memref<!tpu.dma_semaphore, #tpu.memory_space<semaphore_mem>>, %arg9: memref<!tpu.dma_semaphore, #tpu.memory_space<semaphore_mem>>, %arg10: memref<!tpu.dma_semaphore, #tpu.memory_space<semaphore_mem>>, %arg11: memref<!tpu.dma_semaphore, #tpu.memory_space<semaphore_mem>>, %arg12: memref<10240x128xf32, #tpu.memory_space<vmem_shared>>) attributes {dimension_semantics = [#tpu.dimension_semantics<core_parallel>, #tpu.dimension_semantics<subcore_parallel>], iteration_bounds = array<i64: 2, 16>, scalar_prefetch = 0 : i64, scratch_operands = 8 : i64, tpu.core_type = #tpu.core_type<sc_vector_subcore>, window_params = [{transform_indices = #map}, {transform_indices = #map}, {transform_indices = #map}]} {
    %mul3A = arith.constant 2 : i32
    %mul3A_0 = arith.muli %arg1, %mul3A : i32
    %add3A = arith.addi %mul3A_0, %arg0 : i32
    %mul3A_1 = arith.constant 10240 : i32
    %mul3A_2 = arith.muli %add3A, %mul3A_1 : i32
    %mul3A_3 = arith.constant 80 : i32
    %mul3A_4 = arith.muli %add3A, %mul3A_3 : i32
    "tpu.region"() ({
      %run_scoped3A = tpu.sem_alloc : memref<!tpu.dma_semaphore, #tpu.memory_space<semaphore_mem>>
      %dma_start3A_38 = arith.constant 0 : i32
      %dma_start3A_39 = tpu.memref_slice %arg3[%mul3A_4, %dma_start3A_38] : memref<2560x128xi32, #tpu.memory_space<hbm>> -> memref<80x128xi32, #tpu.memory_space<hbm>>
      %dma_start3A_40 = arith.constant 0 : i32
      %dma_start3A_41 = tpu.memref_slice %arg3[%mul3A_4, %dma_start3A_40] : memref<2560x128xi32, #tpu.memory_space<hbm>> -> memref<80x128xi32, #tpu.memory_space<hbm>>
      tpu.enqueue_dma source(%dma_start3A_41 : memref<80x128xi32, #tpu.memory_space<hbm>>) target(%arg5 : memref<80x128xi32, #tpu.memory_space<vmem>>) target_semaphore(%run_scoped3A : memref<!tpu.dma_semaphore, #tpu.memory_space<semaphore_mem>>)
      %dma_wait3A_42 = arith.constant 0 : i32
      %dma_wait3A_43 = tpu.memref_slice %arg3[%mul3A_4, %dma_wait3A_42] : memref<2560x128xi32, #tpu.memory_space<hbm>> -> memref<80x128xi32, #tpu.memory_space<hbm>>
      %dma_wait3A_44 = arith.constant 0 : i32
      %dma_wait3A_45 = tpu.memref_slice %arg3[%mul3A_4, %dma_wait3A_44] : memref<2560x128xi32, #tpu.memory_space<hbm>> -> memref<80x128xi32, #tpu.memory_space<hbm>>
      tpu.wait_dma2 semaphore(%run_scoped3A : memref<!tpu.dma_semaphore, #tpu.memory_space<semaphore_mem>>) src(%dma_wait3A_45 : memref<80x128xi32, #tpu.memory_space<hbm>>) dst(%arg5 : memref<80x128xi32, #tpu.memory_space<vmem>>)
      tpu.yield
    }) : () -> ()
    %mul3A_5 = arith.constant 640 : i32
    %mul3A_6 = arith.muli %arg1, %mul3A_5 : i32
    %mul3A_7 = arith.constant 640 : i32
    %mul3A_8 = arith.muli %arg1, %mul3A_7 : i32
    "tpu.region"() ({
      %run_scoped3A = tpu.sem_alloc : memref<!tpu.dma_semaphore, #tpu.memory_space<semaphore_mem>>
      %dma_start3A_38 = arith.constant 0 : i32
      %dma_start3A_39 = tpu.memref_slice %arg12[%mul3A_8, %dma_start3A_38] : memref<10240x128xf32, #tpu.memory_space<vmem_shared>> -> memref<640x128xf32, #tpu.memory_space<vmem_shared>>
      %dma_start3A_40 = arith.constant 0 : i32
      %dma_start3A_41 = tpu.memref_slice %arg2[%mul3A_6, %dma_start3A_40] : memref<10240x128xf32, #tpu.memory_space<hbm>> -> memref<640x128xf32, #tpu.memory_space<hbm>>
      tpu.enqueue_dma source(%dma_start3A_41 : memref<640x128xf32, #tpu.memory_space<hbm>>) target(%dma_start3A_39 : memref<640x128xf32, #tpu.memory_space<vmem_shared>>) target_semaphore(%run_scoped3A : memref<!tpu.dma_semaphore, #tpu.memory_space<semaphore_mem>>)
      %dma_wait3A_42 = arith.constant 0 : i32
      %dma_wait3A_43 = tpu.memref_slice %arg12[%mul3A_8, %dma_wait3A_42] : memref<10240x128xf32, #tpu.memory_space<vmem_shared>> -> memref<640x128xf32, #tpu.memory_space<vmem_shared>>
      %dma_wait3A_44 = arith.constant 0 : i32
      %dma_wait3A_45 = tpu.memref_slice %arg2[%mul3A_6, %dma_wait3A_44] : memref<10240x128xf32, #tpu.memory_space<hbm>> -> memref<640x128xf32, #tpu.memory_space<hbm>>
      tpu.wait_dma2 semaphore(%run_scoped3A : memref<!tpu.dma_semaphore, #tpu.memory_space<semaphore_mem>>) src(%dma_wait3A_45 : memref<640x128xf32, #tpu.memory_space<hbm>>) dst(%dma_wait3A_43 : memref<640x128xf32, #tpu.memory_space<vmem_shared>>)
      tpu.yield
    }) : () -> ()
    %barrier3A = arith.constant 0 : index
    tpu.barrier barrier_id(%barrier3A)
    %dma_start3A = arith.constant 0 : i32
    %dma_start3A_9 = arith.constant 0 : i32
    %dma_start3A_10 = tpu.memref_slice %arg5[%dma_start3A, %dma_start3A_9] : memref<80x128xi32, #tpu.memory_space<vmem>> -> memref<1x128xi32, #tpu.memory_space<vmem>>
    %dma_start3A_11 = tpu.memref_squeeze %dma_start3A_10 : memref<1x128xi32, #tpu.memory_space<vmem>> -> memref<128xi32, #tpu.memory_space<vmem>>
    %dma_start3A_12 = arith.constant 0 : i32
    %dma_start3A_13 = arith.constant 0 : i32
    %dma_start3A_14 = tpu.memref_slice %arg12[%dma_start3A_12, %dma_start3A_13] : memref<10240x128xf32, #tpu.memory_space<vmem_shared>> -> memref<10240x128xf32, #tpu.memory_space<vmem_shared>>
    tpu.enqueue_indirect_dma source(%dma_start3A_14 : memref<10240x128xf32, #tpu.memory_space<vmem_shared>>) target(%arg6 : memref<128x128xf32, #tpu.memory_space<vmem>>) offsets(%dma_start3A_11 : memref<128xi32, #tpu.memory_space<vmem>>) semaphore(%arg8 : memref<!tpu.dma_semaphore, #tpu.memory_space<semaphore_mem>>)
    %dma_start3A_15 = arith.constant 1 : i32
    %dma_start3A_16 = arith.constant 0 : i32
    %dma_start3A_17 = tpu.memref_slice %arg5[%dma_start3A_15, %dma_start3A_16] : memref<80x128xi32, #tpu.memory_space<vmem>> -> memref<1x128xi32, #tpu.memory_space<vmem>>
    %dma_start3A_18 = tpu.memref_squeeze %dma_start3A_17 : memref<1x128xi32, #tpu.memory_space<vmem>> -> memref<128xi32, #tpu.memory_space<vmem>>
    %dma_start3A_19 = arith.constant 0 : i32
    %dma_start3A_20 = arith.constant 0 : i32
    %dma_start3A_21 = tpu.memref_slice %arg12[%dma_start3A_19, %dma_start3A_20] : memref<10240x128xf32, #tpu.memory_space<vmem_shared>> -> memref<10240x128xf32, #tpu.memory_space<vmem_shared>>
    tpu.enqueue_indirect_dma source(%dma_start3A_21 : memref<10240x128xf32, #tpu.memory_space<vmem_shared>>) target(%arg7 : memref<128x128xf32, #tpu.memory_space<vmem>>) offsets(%dma_start3A_18 : memref<128xi32, #tpu.memory_space<vmem>>) semaphore(%arg9 : memref<!tpu.dma_semaphore, #tpu.memory_space<semaphore_mem>>)
    %scan3A = arith.constant 0 : i32
    %scan3A_22 = arith.constant 0 : i32
    %scan3A_23 = arith.constant 40 : i32
    %scan3A_24 = arith.addi %scan3A_22, %scan3A_23 : i32
    %scan3A_25 = arith.constant 1 : i32
    scf.for %scan3A_38 = %scan3A_22 to %scan3A_24 step %scan3A_25  : i32 {
      %mul3A_39 = arith.constant 2 : i32
      %mul3A_40 = arith.muli %mul3A_39, %scan3A_38 : i32
      %add3A_41 = arith.constant 0 : i32
      %add3A_42 = arith.addi %mul3A_40, %add3A_41 : i32
      %dma_wait3A_43 = arith.constant 0 : i32
      %dma_wait3A_44 = arith.constant 0 : i32
      %dma_wait3A_45 = tpu.memref_slice %arg12[%dma_wait3A_43, %dma_wait3A_44] : memref<10240x128xf32, #tpu.memory_space<vmem_shared>> -> memref<128x128xf32, #tpu.memory_space<vmem_shared>>
      %dma_wait3A_46 = arith.constant 0 : i32
      %dma_wait3A_47 = arith.constant 0 : i32
      %dma_wait3A_48 = tpu.memref_slice %arg12[%dma_wait3A_46, %dma_wait3A_47] : memref<10240x128xf32, #tpu.memory_space<vmem_shared>> -> memref<128x128xf32, #tpu.memory_space<vmem_shared>>
      tpu.wait_dma2 semaphore(%arg8 : memref<!tpu.dma_semaphore, #tpu.memory_space<semaphore_mem>>) src(%dma_wait3A_48 : memref<128x128xf32, #tpu.memory_space<vmem_shared>>) dst(%arg6 : memref<128x128xf32, #tpu.memory_space<vmem>>)
      %mul3A_49 = arith.constant 128 : i32
      %mul3A_50 = arith.muli %add3A_42, %mul3A_49 : i32
      %add3A_51 = arith.addi %mul3A_2, %mul3A_50 : i32
      %dma_start3A_52 = arith.constant 0 : i32
      %dma_start3A_53 = tpu.memref_slice %arg4[%add3A_51, %dma_start3A_52] : memref<327680x128xf32, #tpu.memory_space<hbm>> -> memref<128x128xf32, #tpu.memory_space<hbm>>
      %dma_start3A_54 = arith.constant 0 : i32
      %dma_start3A_55 = tpu.memref_slice %arg4[%add3A_51, %dma_start3A_54] : memref<327680x128xf32, #tpu.memory_space<hbm>> -> memref<128x128xf32, #tpu.memory_space<hbm>>
      tpu.enqueue_dma source(%arg6 : memref<128x128xf32, #tpu.memory_space<vmem>>) target(%dma_start3A_55 : memref<128x128xf32, #tpu.memory_space<hbm>>) target_semaphore(%arg10 : memref<!tpu.dma_semaphore, #tpu.memory_space<semaphore_mem>>)
      %mul3A_56 = arith.constant 2 : i32
      %mul3A_57 = arith.muli %mul3A_56, %scan3A_38 : i32
      %add3A_58 = arith.constant 1 : i32
      %add3A_59 = arith.addi %mul3A_57, %add3A_58 : i32
      %dma_wait3A_60 = arith.constant 0 : i32
      %dma_wait3A_61 = arith.constant 0 : i32
      %dma_wait3A_62 = tpu.memref_slice %arg12[%dma_wait3A_60, %dma_wait3A_61] : memref<10240x128xf32, #tpu.memory_space<vmem_shared>> -> memref<128x128xf32, #tpu.memory_space<vmem_shared>>
      %dma_wait3A_63 = arith.constant 0 : i32
      %dma_wait3A_64 = arith.constant 0 : i32
      %dma_wait3A_65 = tpu.memref_slice %arg12[%dma_wait3A_63, %dma_wait3A_64] : memref<10240x128xf32, #tpu.memory_space<vmem_shared>> -> memref<128x128xf32, #tpu.memory_space<vmem_shared>>
      tpu.wait_dma2 semaphore(%arg9 : memref<!tpu.dma_semaphore, #tpu.memory_space<semaphore_mem>>) src(%dma_wait3A_65 : memref<128x128xf32, #tpu.memory_space<vmem_shared>>) dst(%arg7 : memref<128x128xf32, #tpu.memory_space<vmem>>)
      %mul3A_66 = arith.constant 128 : i32
      %mul3A_67 = arith.muli %add3A_59, %mul3A_66 : i32
      %add3A_68 = arith.addi %mul3A_2, %mul3A_67 : i32
      %dma_start3A_69 = arith.constant 0 : i32
      %dma_start3A_70 = tpu.memref_slice %arg4[%add3A_68, %dma_start3A_69] : memref<327680x128xf32, #tpu.memory_space<hbm>> -> memref<128x128xf32, #tpu.memory_space<hbm>>
      %dma_start3A_71 = arith.constant 0 : i32
      %dma_start3A_72 = tpu.memref_slice %arg4[%add3A_68, %dma_start3A_71] : memref<327680x128xf32, #tpu.memory_space<hbm>> -> memref<128x128xf32, #tpu.memory_space<hbm>>
      tpu.enqueue_dma source(%arg7 : memref<128x128xf32, #tpu.memory_space<vmem>>) target(%dma_start3A_72 : memref<128x128xf32, #tpu.memory_space<hbm>>) target_semaphore(%arg11 : memref<!tpu.dma_semaphore, #tpu.memory_space<semaphore_mem>>)
      %mul3A_73 = arith.constant 2 : i32
      %mul3A_74 = arith.muli %mul3A_73, %scan3A_38 : i32
      %add3A_75 = arith.constant 2 : i32
      %add3A_76 = arith.addi %mul3A_74, %add3A_75 : i32
      %add3A_77 = arith.constant 0 : i32
      %add3A_78 = arith.addi %add3A_76, %add3A_77 : i32
      %min3A = arith.constant 79 : i32
      %min3A_79 = arith.minsi %add3A_78, %min3A : i32
      %dma_wait3A_80 = arith.constant 0 : i32
      %dma_wait3A_81 = arith.constant 0 : i32
      %dma_wait3A_82 = tpu.memref_slice %arg4[%dma_wait3A_80, %dma_wait3A_81] : memref<327680x128xf32, #tpu.memory_space<hbm>> -> memref<128x128xf32, #tpu.memory_space<hbm>>
      %dma_wait3A_83 = arith.constant 0 : i32
      %dma_wait3A_84 = arith.constant 0 : i32
      %dma_wait3A_85 = tpu.memref_slice %arg4[%dma_wait3A_83, %dma_wait3A_84] : memref<327680x128xf32, #tpu.memory_space<hbm>> -> memref<128x128xf32, #tpu.memory_space<hbm>>
      tpu.wait_dma2 semaphore(%arg10 : memref<!tpu.dma_semaphore, #tpu.memory_space<semaphore_mem>>) src(%arg6 : memref<128x128xf32, #tpu.memory_space<vmem>>) dst(%dma_wait3A_85 : memref<128x128xf32, #tpu.memory_space<hbm>>)
      %dma_start3A_86 = arith.constant 0 : i32
      %dma_start3A_87 = tpu.memref_slice %arg5[%min3A_79, %dma_start3A_86] : memref<80x128xi32, #tpu.memory_space<vmem>> -> memref<1x128xi32, #tpu.memory_space<vmem>>
      %dma_start3A_88 = tpu.memref_squeeze %dma_start3A_87 : memref<1x128xi32, #tpu.memory_space<vmem>> -> memref<128xi32, #tpu.memory_space<vmem>>
      %dma_start3A_89 = arith.constant 0 : i32
      %dma_start3A_90 = arith.constant 0 : i32
      %dma_start3A_91 = tpu.memref_slice %arg12[%dma_start3A_89, %dma_start3A_90] : memref<10240x128xf32, #tpu.memory_space<vmem_shared>> -> memref<10240x128xf32, #tpu.memory_space<vmem_shared>>
      tpu.enqueue_indirect_dma source(%dma_start3A_91 : memref<10240x128xf32, #tpu.memory_space<vmem_shared>>) target(%arg6 : memref<128x128xf32, #tpu.memory_space<vmem>>) offsets(%dma_start3A_88 : memref<128xi32, #tpu.memory_space<vmem>>) semaphore(%arg8 : memref<!tpu.dma_semaphore, #tpu.memory_space<semaphore_mem>>)
      %mul3A_92 = arith.constant 2 : i32
      %mul3A_93 = arith.muli %mul3A_92, %scan3A_38 : i32
      %add3A_94 = arith.constant 2 : i32
      %add3A_95 = arith.addi %mul3A_93, %add3A_94 : i32
      %add3A_96 = arith.constant 1 : i32
      %add3A_97 = arith.addi %add3A_95, %add3A_96 : i32
      %min3A_98 = arith.constant 79 : i32
      %min3A_99 = arith.minsi %add3A_97, %min3A_98 : i32
      %dma_wait3A_100 = arith.constant 0 : i32
      %dma_wait3A_101 = arith.constant 0 : i32
      %dma_wait3A_102 = tpu.memref_slice %arg4[%dma_wait3A_100, %dma_wait3A_101] : memref<327680x128xf32, #tpu.memory_space<hbm>> -> memref<128x128xf32, #tpu.memory_space<hbm>>
      %dma_wait3A_103 = arith.constant 0 : i32
      %dma_wait3A_104 = arith.constant 0 : i32
      %dma_wait3A_105 = tpu.memref_slice %arg4[%dma_wait3A_103, %dma_wait3A_104] : memref<327680x128xf32, #tpu.memory_space<hbm>> -> memref<128x128xf32, #tpu.memory_space<hbm>>
      tpu.wait_dma2 semaphore(%arg11 : memref<!tpu.dma_semaphore, #tpu.memory_space<semaphore_mem>>) src(%arg7 : memref<128x128xf32, #tpu.memory_space<vmem>>) dst(%dma_wait3A_105 : memref<128x128xf32, #tpu.memory_space<hbm>>)
      %dma_start3A_106 = arith.constant 0 : i32
      %dma_start3A_107 = tpu.memref_slice %arg5[%min3A_99, %dma_start3A_106] : memref<80x128xi32, #tpu.memory_space<vmem>> -> memref<1x128xi32, #tpu.memory_space<vmem>>
      %dma_start3A_108 = tpu.memref_squeeze %dma_start3A_107 : memref<1x128xi32, #tpu.memory_space<vmem>> -> memref<128xi32, #tpu.memory_space<vmem>>
      %dma_start3A_109 = arith.constant 0 : i32
      %dma_start3A_110 = arith.constant 0 : i32
      %dma_start3A_111 = tpu.memref_slice %arg12[%dma_start3A_109, %dma_start3A_110] : memref<10240x128xf32, #tpu.memory_space<vmem_shared>> -> memref<10240x128xf32, #tpu.memory_space<vmem_shared>>
      tpu.enqueue_indirect_dma source(%dma_start3A_111 : memref<10240x128xf32, #tpu.memory_space<vmem_shared>>) target(%arg7 : memref<128x128xf32, #tpu.memory_space<vmem>>) offsets(%dma_start3A_108 : memref<128xi32, #tpu.memory_space<vmem>>) semaphore(%arg9 : memref<!tpu.dma_semaphore, #tpu.memory_space<semaphore_mem>>)
    }
    %scan3A_26 = arith.constant 40 : i32
    %dma_wait3A = arith.constant 0 : i32
    %dma_wait3A_27 = arith.constant 0 : i32
    %dma_wait3A_28 = tpu.memref_slice %arg12[%dma_wait3A, %dma_wait3A_27] : memref<10240x128xf32, #tpu.memory_space<vmem_shared>> -> memref<128x128xf32, #tpu.memory_space<vmem_shared>>
    %dma_wait3A_29 = arith.constant 0 : i32
    %dma_wait3A_30 = arith.constant 0 : i32
    %dma_wait3A_31 = tpu.memref_slice %arg12[%dma_wait3A_29, %dma_wait3A_30] : memref<10240x128xf32, #tpu.memory_space<vmem_shared>> -> memref<128x128xf32, #tpu.memory_space<vmem_shared>>
    tpu.wait_dma2 semaphore(%arg8 : memref<!tpu.dma_semaphore, #tpu.memory_space<semaphore_mem>>) src(%dma_wait3A_31 : memref<128x128xf32, #tpu.memory_space<vmem_shared>>) dst(%arg6 : memref<128x128xf32, #tpu.memory_space<vmem>>)
    %dma_wait3A_32 = arith.constant 0 : i32
    %dma_wait3A_33 = arith.constant 0 : i32
    %dma_wait3A_34 = tpu.memref_slice %arg12[%dma_wait3A_32, %dma_wait3A_33] : memref<10240x128xf32, #tpu.memory_space<vmem_shared>> -> memref<128x128xf32, #tpu.memory_space<vmem_shared>>
    %dma_wait3A_35 = arith.constant 0 : i32
    %dma_wait3A_36 = arith.constant 0 : i32
    %dma_wait3A_37 = tpu.memref_slice %arg12[%dma_wait3A_35, %dma_wait3A_36] : memref<10240x128xf32, #tpu.memory_space<vmem_shared>> -> memref<128x128xf32, #tpu.memory_space<vmem_shared>>
    tpu.wait_dma2 semaphore(%arg9 : memref<!tpu.dma_semaphore, #tpu.memory_space<semaphore_mem>>) src(%dma_wait3A_37 : memref<128x128xf32, #tpu.memory_space<vmem_shared>>) dst(%arg7 : memref<128x128xf32, #tpu.memory_space<vmem>>)
    return
  }
}

#map = affine_map<(d0, d1) -> (0, 0)>
module attributes {stable_mosaic.version = 14 : i64} {
  func.func @sc_gather_geo(%arg0: i32, %arg1: i32, %arg2: memref<10240x128xf32, #tpu.memory_space<hbm>>, %arg3: memref<2560x128xi32, #tpu.memory_space<hbm>>, %arg4: memref<327680x128xf32, #tpu.memory_space<hbm>>, %arg5: memref<80x128xi32, #tpu.memory_space<vmem>>, %arg6: memref<128x128xf32, #tpu.memory_space<vmem>>, %arg7: memref<128x128xf32, #tpu.memory_space<vmem>>, %arg8: memref<!tpu.dma_semaphore, #tpu.memory_space<semaphore_mem>>, %arg9: memref<!tpu.dma_semaphore, #tpu.memory_space<semaphore_mem>>, %arg10: memref<!tpu.dma_semaphore, #tpu.memory_space<semaphore_mem>>, %arg11: memref<!tpu.dma_semaphore, #tpu.memory_space<semaphore_mem>>, %arg12: memref<10240x128xf32, #tpu.memory_space<vmem_shared>>) attributes {dimension_semantics = [#tpu.dimension_semantics<core_parallel>, #tpu.dimension_semantics<subcore_parallel>], iteration_bounds = array<i64: 2, 16>, scalar_prefetch = 0 : i64, scratch_operands = 8 : i64, tpu.core_type = #tpu.core_type<sc_vector_subcore>, window_params = [{transform_indices = #map}, {transform_indices = #map}, {transform_indices = #map}]} {
    %mul3A = arith.constant 2 : i32
    %mul3A_0 = arith.muli %arg1, %mul3A : i32
    %add3A = arith.addi %mul3A_0, %arg0 : i32
    %mul3A_1 = arith.constant 10240 : i32
    %mul3A_2 = arith.muli %add3A, %mul3A_1 : i32
    %mul3A_3 = arith.constant 80 : i32
    %mul3A_4 = arith.muli %add3A, %mul3A_3 : i32
    "tpu.region"() ({
      %run_scoped3A = tpu.sem_alloc : memref<!tpu.dma_semaphore, #tpu.memory_space<semaphore_mem>>
      %dma_start3A_38 = arith.constant 0 : i32
      %dma_start3A_39 = tpu.memref_slice %arg3[%mul3A_4, %dma_start3A_38] : memref<2560x128xi32, #tpu.memory_space<hbm>> -> memref<80x128xi32, #tpu.memory_space<hbm>>
      %dma_start3A_40 = arith.constant 0 : i32
      %dma_start3A_41 = tpu.memref_slice %arg3[%mul3A_4, %dma_start3A_40] : memref<2560x128xi32, #tpu.memory_space<hbm>> -> memref<80x128xi32, #tpu.memory_space<hbm>>
      tpu.enqueue_dma source(%dma_start3A_41 : memref<80x128xi32, #tpu.memory_space<hbm>>) target(%arg5 : memref<80x128xi32, #tpu.memory_space<vmem>>) target_semaphore(%run_scoped3A : memref<!tpu.dma_semaphore, #tpu.memory_space<semaphore_mem>>)
      %dma_wait3A_42 = arith.constant 0 : i32
      %dma_wait3A_43 = tpu.memref_slice %arg3[%mul3A_4, %dma_wait3A_42] : memref<2560x128xi32, #tpu.memory_space<hbm>> -> memref<80x128xi32, #tpu.memory_space<hbm>>
      %dma_wait3A_44 = arith.constant 0 : i32
      %dma_wait3A_45 = tpu.memref_slice %arg3[%mul3A_4, %dma_wait3A_44] : memref<2560x128xi32, #tpu.memory_space<hbm>> -> memref<80x128xi32, #tpu.memory_space<hbm>>
      tpu.wait_dma2 semaphore(%run_scoped3A : memref<!tpu.dma_semaphore, #tpu.memory_space<semaphore_mem>>) src(%dma_wait3A_45 : memref<80x128xi32, #tpu.memory_space<hbm>>) dst(%arg5 : memref<80x128xi32, #tpu.memory_space<vmem>>)
      tpu.yield
    }) : () -> ()
    %mul3A_5 = arith.constant 640 : i32
    %mul3A_6 = arith.muli %arg1, %mul3A_5 : i32
    %mul3A_7 = arith.constant 640 : i32
    %mul3A_8 = arith.muli %arg1, %mul3A_7 : i32
    "tpu.region"() ({
      %run_scoped3A = tpu.sem_alloc : memref<!tpu.dma_semaphore, #tpu.memory_space<semaphore_mem>>
      %dma_start3A_38 = arith.constant 0 : i32
      %dma_start3A_39 = tpu.memref_slice %arg12[%mul3A_8, %dma_start3A_38] : memref<10240x128xf32, #tpu.memory_space<vmem_shared>> -> memref<640x128xf32, #tpu.memory_space<vmem_shared>>
      %dma_start3A_40 = arith.constant 0 : i32
      %dma_start3A_41 = tpu.memref_slice %arg2[%mul3A_6, %dma_start3A_40] : memref<10240x128xf32, #tpu.memory_space<hbm>> -> memref<640x128xf32, #tpu.memory_space<hbm>>
      tpu.enqueue_dma source(%dma_start3A_41 : memref<640x128xf32, #tpu.memory_space<hbm>>) target(%dma_start3A_39 : memref<640x128xf32, #tpu.memory_space<vmem_shared>>) target_semaphore(%run_scoped3A : memref<!tpu.dma_semaphore, #tpu.memory_space<semaphore_mem>>)
      %dma_wait3A_42 = arith.constant 0 : i32
      %dma_wait3A_43 = tpu.memref_slice %arg12[%mul3A_8, %dma_wait3A_42] : memref<10240x128xf32, #tpu.memory_space<vmem_shared>> -> memref<640x128xf32, #tpu.memory_space<vmem_shared>>
      %dma_wait3A_44 = arith.constant 0 : i32
      %dma_wait3A_45 = tpu.memref_slice %arg2[%mul3A_6, %dma_wait3A_44] : memref<10240x128xf32, #tpu.memory_space<hbm>> -> memref<640x128xf32, #tpu.memory_space<hbm>>
      tpu.wait_dma2 semaphore(%run_scoped3A : memref<!tpu.dma_semaphore, #tpu.memory_space<semaphore_mem>>) src(%dma_wait3A_45 : memref<640x128xf32, #tpu.memory_space<hbm>>) dst(%dma_wait3A_43 : memref<640x128xf32, #tpu.memory_space<vmem_shared>>)
      tpu.yield
    }) : () -> ()
    %barrier3A = arith.constant 0 : index
    tpu.barrier barrier_id(%barrier3A)
    %dma_start3A = arith.constant 0 : i32
    %dma_start3A_9 = arith.constant 0 : i32
    %dma_start3A_10 = tpu.memref_slice %arg5[%dma_start3A, %dma_start3A_9] : memref<80x128xi32, #tpu.memory_space<vmem>> -> memref<1x128xi32, #tpu.memory_space<vmem>>
    %dma_start3A_11 = tpu.memref_squeeze %dma_start3A_10 : memref<1x128xi32, #tpu.memory_space<vmem>> -> memref<128xi32, #tpu.memory_space<vmem>>
    %dma_start3A_12 = arith.constant 0 : i32
    %dma_start3A_13 = arith.constant 0 : i32
    %dma_start3A_14 = tpu.memref_slice %arg12[%dma_start3A_12, %dma_start3A_13] : memref<10240x128xf32, #tpu.memory_space<vmem_shared>> -> memref<10240x128xf32, #tpu.memory_space<vmem_shared>>
    tpu.enqueue_indirect_dma source(%dma_start3A_14 : memref<10240x128xf32, #tpu.memory_space<vmem_shared>>) target(%arg6 : memref<128x128xf32, #tpu.memory_space<vmem>>) offsets(%dma_start3A_11 : memref<128xi32, #tpu.memory_space<vmem>>) semaphore(%arg8 : memref<!tpu.dma_semaphore, #tpu.memory_space<semaphore_mem>>)
    %dma_start3A_15 = arith.constant 1 : i32
    %dma_start3A_16 = arith.constant 0 : i32
    %dma_start3A_17 = tpu.memref_slice %arg5[%dma_start3A_15, %dma_start3A_16] : memref<80x128xi32, #tpu.memory_space<vmem>> -> memref<1x128xi32, #tpu.memory_space<vmem>>
    %dma_start3A_18 = tpu.memref_squeeze %dma_start3A_17 : memref<1x128xi32, #tpu.memory_space<vmem>> -> memref<128xi32, #tpu.memory_space<vmem>>
    %dma_start3A_19 = arith.constant 0 : i32
    %dma_start3A_20 = arith.constant 0 : i32
    %dma_start3A_21 = tpu.memref_slice %arg12[%dma_start3A_19, %dma_start3A_20] : memref<10240x128xf32, #tpu.memory_space<vmem_shared>> -> memref<10240x128xf32, #tpu.memory_space<vmem_shared>>
    tpu.enqueue_indirect_dma source(%dma_start3A_21 : memref<10240x128xf32, #tpu.memory_space<vmem_shared>>) target(%arg7 : memref<128x128xf32, #tpu.memory_space<vmem>>) offsets(%dma_start3A_18 : memref<128xi32, #tpu.memory_space<vmem>>) semaphore(%arg9 : memref<!tpu.dma_semaphore, #tpu.memory_space<semaphore_mem>>)
    %scan3A = arith.constant 0 : i32
    %scan3A_22 = arith.constant 0 : i32
    %scan3A_23 = arith.constant 40 : i32
    %scan3A_24 = arith.addi %scan3A_22, %scan3A_23 : i32
    %scan3A_25 = arith.constant 1 : i32
    scf.for %scan3A_38 = %scan3A_22 to %scan3A_24 step %scan3A_25  : i32 {
      %mul3A_39 = arith.constant 2 : i32
      %mul3A_40 = arith.muli %mul3A_39, %scan3A_38 : i32
      %add3A_41 = arith.constant 0 : i32
      %add3A_42 = arith.addi %mul3A_40, %add3A_41 : i32
      %dma_wait3A_43 = arith.constant 0 : i32
      %dma_wait3A_44 = arith.constant 0 : i32
      %dma_wait3A_45 = tpu.memref_slice %arg12[%dma_wait3A_43, %dma_wait3A_44] : memref<10240x128xf32, #tpu.memory_space<vmem_shared>> -> memref<128x128xf32, #tpu.memory_space<vmem_shared>>
      %dma_wait3A_46 = arith.constant 0 : i32
      %dma_wait3A_47 = arith.constant 0 : i32
      %dma_wait3A_48 = tpu.memref_slice %arg12[%dma_wait3A_46, %dma_wait3A_47] : memref<10240x128xf32, #tpu.memory_space<vmem_shared>> -> memref<128x128xf32, #tpu.memory_space<vmem_shared>>
      tpu.wait_dma2 semaphore(%arg8 : memref<!tpu.dma_semaphore, #tpu.memory_space<semaphore_mem>>) src(%dma_wait3A_48 : memref<128x128xf32, #tpu.memory_space<vmem_shared>>) dst(%arg6 : memref<128x128xf32, #tpu.memory_space<vmem>>)
      %mul3A_49 = arith.constant 128 : i32
      %mul3A_50 = arith.muli %add3A_42, %mul3A_49 : i32
      %add3A_51 = arith.addi %mul3A_2, %mul3A_50 : i32
      %dma_start3A_52 = arith.constant 0 : i32
      %dma_start3A_53 = tpu.memref_slice %arg4[%add3A_51, %dma_start3A_52] : memref<327680x128xf32, #tpu.memory_space<hbm>> -> memref<128x128xf32, #tpu.memory_space<hbm>>
      %dma_start3A_54 = arith.constant 0 : i32
      %dma_start3A_55 = tpu.memref_slice %arg4[%add3A_51, %dma_start3A_54] : memref<327680x128xf32, #tpu.memory_space<hbm>> -> memref<128x128xf32, #tpu.memory_space<hbm>>
      tpu.enqueue_dma source(%arg6 : memref<128x128xf32, #tpu.memory_space<vmem>>) target(%dma_start3A_55 : memref<128x128xf32, #tpu.memory_space<hbm>>) target_semaphore(%arg10 : memref<!tpu.dma_semaphore, #tpu.memory_space<semaphore_mem>>)
      %mul3A_56 = arith.constant 2 : i32
      %mul3A_57 = arith.muli %mul3A_56, %scan3A_38 : i32
      %add3A_58 = arith.constant 1 : i32
      %add3A_59 = arith.addi %mul3A_57, %add3A_58 : i32
      %dma_wait3A_60 = arith.constant 0 : i32
      %dma_wait3A_61 = arith.constant 0 : i32
      %dma_wait3A_62 = tpu.memref_slice %arg12[%dma_wait3A_60, %dma_wait3A_61] : memref<10240x128xf32, #tpu.memory_space<vmem_shared>> -> memref<128x128xf32, #tpu.memory_space<vmem_shared>>
      %dma_wait3A_63 = arith.constant 0 : i32
      %dma_wait3A_64 = arith.constant 0 : i32
      %dma_wait3A_65 = tpu.memref_slice %arg12[%dma_wait3A_63, %dma_wait3A_64] : memref<10240x128xf32, #tpu.memory_space<vmem_shared>> -> memref<128x128xf32, #tpu.memory_space<vmem_shared>>
      tpu.wait_dma2 semaphore(%arg9 : memref<!tpu.dma_semaphore, #tpu.memory_space<semaphore_mem>>) src(%dma_wait3A_65 : memref<128x128xf32, #tpu.memory_space<vmem_shared>>) dst(%arg7 : memref<128x128xf32, #tpu.memory_space<vmem>>)
      %mul3A_66 = arith.constant 128 : i32
      %mul3A_67 = arith.muli %add3A_59, %mul3A_66 : i32
      %add3A_68 = arith.addi %mul3A_2, %mul3A_67 : i32
      %dma_start3A_69 = arith.constant 0 : i32
      %dma_start3A_70 = tpu.memref_slice %arg4[%add3A_68, %dma_start3A_69] : memref<327680x128xf32, #tpu.memory_space<hbm>> -> memref<128x128xf32, #tpu.memory_space<hbm>>
      %dma_start3A_71 = arith.constant 0 : i32
      %dma_start3A_72 = tpu.memref_slice %arg4[%add3A_68, %dma_start3A_71] : memref<327680x128xf32, #tpu.memory_space<hbm>> -> memref<128x128xf32, #tpu.memory_space<hbm>>
      tpu.enqueue_dma source(%arg7 : memref<128x128xf32, #tpu.memory_space<vmem>>) target(%dma_start3A_72 : memref<128x128xf32, #tpu.memory_space<hbm>>) target_semaphore(%arg11 : memref<!tpu.dma_semaphore, #tpu.memory_space<semaphore_mem>>)
      %mul3A_73 = arith.constant 2 : i32
      %mul3A_74 = arith.muli %mul3A_73, %scan3A_38 : i32
      %add3A_75 = arith.constant 2 : i32
      %add3A_76 = arith.addi %mul3A_74, %add3A_75 : i32
      %add3A_77 = arith.constant 0 : i32
      %add3A_78 = arith.addi %add3A_76, %add3A_77 : i32
      %min3A = arith.constant 79 : i32
      %min3A_79 = arith.minsi %add3A_78, %min3A : i32
      %dma_wait3A_80 = arith.constant 0 : i32
      %dma_wait3A_81 = arith.constant 0 : i32
      %dma_wait3A_82 = tpu.memref_slice %arg4[%dma_wait3A_80, %dma_wait3A_81] : memref<327680x128xf32, #tpu.memory_space<hbm>> -> memref<128x128xf32, #tpu.memory_space<hbm>>
      %dma_wait3A_83 = arith.constant 0 : i32
      %dma_wait3A_84 = arith.constant 0 : i32
      %dma_wait3A_85 = tpu.memref_slice %arg4[%dma_wait3A_83, %dma_wait3A_84] : memref<327680x128xf32, #tpu.memory_space<hbm>> -> memref<128x128xf32, #tpu.memory_space<hbm>>
      tpu.wait_dma2 semaphore(%arg10 : memref<!tpu.dma_semaphore, #tpu.memory_space<semaphore_mem>>) src(%arg6 : memref<128x128xf32, #tpu.memory_space<vmem>>) dst(%dma_wait3A_85 : memref<128x128xf32, #tpu.memory_space<hbm>>)
      %dma_start3A_86 = arith.constant 0 : i32
      %dma_start3A_87 = tpu.memref_slice %arg5[%min3A_79, %dma_start3A_86] : memref<80x128xi32, #tpu.memory_space<vmem>> -> memref<1x128xi32, #tpu.memory_space<vmem>>
      %dma_start3A_88 = tpu.memref_squeeze %dma_start3A_87 : memref<1x128xi32, #tpu.memory_space<vmem>> -> memref<128xi32, #tpu.memory_space<vmem>>
      %dma_start3A_89 = arith.constant 0 : i32
      %dma_start3A_90 = arith.constant 0 : i32
      %dma_start3A_91 = tpu.memref_slice %arg12[%dma_start3A_89, %dma_start3A_90] : memref<10240x128xf32, #tpu.memory_space<vmem_shared>> -> memref<10240x128xf32, #tpu.memory_space<vmem_shared>>
      tpu.enqueue_indirect_dma source(%dma_start3A_91 : memref<10240x128xf32, #tpu.memory_space<vmem_shared>>) target(%arg6 : memref<128x128xf32, #tpu.memory_space<vmem>>) offsets(%dma_start3A_88 : memref<128xi32, #tpu.memory_space<vmem>>) semaphore(%arg8 : memref<!tpu.dma_semaphore, #tpu.memory_space<semaphore_mem>>)
      %mul3A_92 = arith.constant 2 : i32
      %mul3A_93 = arith.muli %mul3A_92, %scan3A_38 : i32
      %add3A_94 = arith.constant 2 : i32
      %add3A_95 = arith.addi %mul3A_93, %add3A_94 : i32
      %add3A_96 = arith.constant 1 : i32
      %add3A_97 = arith.addi %add3A_95, %add3A_96 : i32
      %min3A_98 = arith.constant 79 : i32
      %min3A_99 = arith.minsi %add3A_97, %min3A_98 : i32
      %dma_wait3A_100 = arith.constant 0 : i32
      %dma_wait3A_101 = arith.constant 0 : i32
      %dma_wait3A_102 = tpu.memref_slice %arg4[%dma_wait3A_100, %dma_wait3A_101] : memref<327680x128xf32, #tpu.memory_space<hbm>> -> memref<128x128xf32, #tpu.memory_space<hbm>>
      %dma_wait3A_103 = arith.constant 0 : i32
      %dma_wait3A_104 = arith.constant 0 : i32
      %dma_wait3A_105 = tpu.memref_slice %arg4[%dma_wait3A_103, %dma_wait3A_104] : memref<327680x128xf32, #tpu.memory_space<hbm>> -> memref<128x128xf32, #tpu.memory_space<hbm>>
      tpu.wait_dma2 semaphore(%arg11 : memref<!tpu.dma_semaphore, #tpu.memory_space<semaphore_mem>>) src(%arg7 : memref<128x128xf32, #tpu.memory_space<vmem>>) dst(%dma_wait3A_105 : memref<128x128xf32, #tpu.memory_space<hbm>>)
      %dma_start3A_106 = arith.constant 0 : i32
      %dma_start3A_107 = tpu.memref_slice %arg5[%min3A_99, %dma_start3A_106] : memref<80x128xi32, #tpu.memory_space<vmem>> -> memref<1x128xi32, #tpu.memory_space<vmem>>
      %dma_start3A_108 = tpu.memref_squeeze %dma_start3A_107 : memref<1x128xi32, #tpu.memory_space<vmem>> -> memref<128xi32, #tpu.memory_space<vmem>>
      %dma_start3A_109 = arith.constant 0 : i32
      %dma_start3A_110 = arith.constant 0 : i32
      %dma_start3A_111 = tpu.memref_slice %arg12[%dma_start3A_109, %dma_start3A_110] : memref<10240x128xf32, #tpu.memory_space<vmem_shared>> -> memref<10240x128xf32, #tpu.memory_space<vmem_shared>>
      tpu.enqueue_indirect_dma source(%dma_start3A_111 : memref<10240x128xf32, #tpu.memory_space<vmem_shared>>) target(%arg7 : memref<128x128xf32, #tpu.memory_space<vmem>>) offsets(%dma_start3A_108 : memref<128xi32, #tpu.memory_space<vmem>>) semaphore(%arg9 : memref<!tpu.dma_semaphore, #tpu.memory_space<semaphore_mem>>)
    }
    %scan3A_26 = arith.constant 40 : i32
    %dma_wait3A = arith.constant 0 : i32
    %dma_wait3A_27 = arith.constant 0 : i32
    %dma_wait3A_28 = tpu.memref_slice %arg12[%dma_wait3A, %dma_wait3A_27] : memref<10240x128xf32, #tpu.memory_space<vmem_shared>> -> memref<128x128xf32, #tpu.memory_space<vmem_shared>>
    %dma_wait3A_29 = arith.constant 0 : i32
    %dma_wait3A_30 = arith.constant 0 : i32
    %dma_wait3A_31 = tpu.memref_slice %arg12[%dma_wait3A_29, %dma_wait3A_30] : memref<10240x128xf32, #tpu.memory_space<vmem_shared>> -> memref<128x128xf32, #tpu.memory_space<vmem_shared>>
    tpu.wait_dma2 semaphore(%arg8 : memref<!tpu.dma_semaphore, #tpu.memory_space<semaphore_mem>>) src(%dma_wait3A_31 : memref<128x128xf32, #tpu.memory_space<vmem_shared>>) dst(%arg6 : memref<128x128xf32, #tpu.memory_space<vmem>>)
    %dma_wait3A_32 = arith.constant 0 : i32
    %dma_wait3A_33 = arith.constant 0 : i32
    %dma_wait3A_34 = tpu.memref_slice %arg12[%dma_wait3A_32, %dma_wait3A_33] : memref<10240x128xf32, #tpu.memory_space<vmem_shared>> -> memref<128x128xf32, #tpu.memory_space<vmem_shared>>
    %dma_wait3A_35 = arith.constant 0 : i32
    %dma_wait3A_36 = arith.constant 0 : i32
    %dma_wait3A_37 = tpu.memref_slice %arg12[%dma_wait3A_35, %dma_wait3A_36] : memref<10240x128xf32, #tpu.memory_space<vmem_shared>> -> memref<128x128xf32, #tpu.memory_space<vmem_shared>>
    tpu.wait_dma2 semaphore(%arg9 : memref<!tpu.dma_semaphore, #tpu.memory_space<semaphore_mem>>) src(%dma_wait3A_37 : memref<128x128xf32, #tpu.memory_space<vmem_shared>>) dst(%arg7 : memref<128x128xf32, #tpu.memory_space<vmem>>)
    return
  }
}

#map = affine_map<(d0, d1) -> (0, 0)>
module attributes {stable_mosaic.version = 14 : i64} {
  func.func @sc_scatter_chi(%arg0: i32, %arg1: i32, %arg2: memref<327680x128xf32, #tpu.memory_space<hbm>>, %arg3: memref<2560x128xi32, #tpu.memory_space<hbm>>, %arg4: memref<20480x128xf32, #tpu.memory_space<hbm>>, %arg5: memref<80x128xi32, #tpu.memory_space<vmem>>, %arg6: memref<128x128xf32, #tpu.memory_space<vmem>>, %arg7: memref<128x128xf32, #tpu.memory_space<vmem>>, %arg8: memref<10240x128xf32, #tpu.memory_space<vmem_shared>>, %arg9: memref<!tpu.dma_semaphore, #tpu.memory_space<semaphore_mem>>, %arg10: memref<!tpu.dma_semaphore, #tpu.memory_space<semaphore_mem>>, %arg11: memref<!tpu.dma_semaphore, #tpu.memory_space<semaphore_mem>>, %arg12: memref<!tpu.dma_semaphore, #tpu.memory_space<semaphore_mem>>) attributes {dimension_semantics = [#tpu.dimension_semantics<core_parallel>, #tpu.dimension_semantics<subcore_parallel>], iteration_bounds = array<i64: 2, 16>, scalar_prefetch = 0 : i64, scratch_operands = 8 : i64, tpu.core_type = #tpu.core_type<sc_vector_subcore>, window_params = [{transform_indices = #map}, {transform_indices = #map}, {transform_indices = #map}]} {
    %mul3A = arith.constant 2 : i32
    %mul3A_0 = arith.muli %arg1, %mul3A : i32
    %add3A = arith.addi %mul3A_0, %arg0 : i32
    %mul3A_1 = arith.constant 10240 : i32
    %mul3A_2 = arith.muli %add3A, %mul3A_1 : i32
    %mul3A_3 = arith.constant 80 : i32
    %mul3A_4 = arith.muli %add3A, %mul3A_3 : i32
    "tpu.region"() ({
      %run_scoped3A = tpu.sem_alloc : memref<!tpu.dma_semaphore, #tpu.memory_space<semaphore_mem>>
      %dma_start3A_52 = arith.constant 0 : i32
      %dma_start3A_53 = tpu.memref_slice %arg3[%mul3A_4, %dma_start3A_52] : memref<2560x128xi32, #tpu.memory_space<hbm>> -> memref<80x128xi32, #tpu.memory_space<hbm>>
      %dma_start3A_54 = arith.constant 0 : i32
      %dma_start3A_55 = tpu.memref_slice %arg3[%mul3A_4, %dma_start3A_54] : memref<2560x128xi32, #tpu.memory_space<hbm>> -> memref<80x128xi32, #tpu.memory_space<hbm>>
      tpu.enqueue_dma source(%dma_start3A_55 : memref<80x128xi32, #tpu.memory_space<hbm>>) target(%arg5 : memref<80x128xi32, #tpu.memory_space<vmem>>) target_semaphore(%run_scoped3A : memref<!tpu.dma_semaphore, #tpu.memory_space<semaphore_mem>>)
      %dma_wait3A_56 = arith.constant 0 : i32
      %dma_wait3A_57 = tpu.memref_slice %arg3[%mul3A_4, %dma_wait3A_56] : memref<2560x128xi32, #tpu.memory_space<hbm>> -> memref<80x128xi32, #tpu.memory_space<hbm>>
      %dma_wait3A_58 = arith.constant 0 : i32
      %dma_wait3A_59 = tpu.memref_slice %arg3[%mul3A_4, %dma_wait3A_58] : memref<2560x128xi32, #tpu.memory_space<hbm>> -> memref<80x128xi32, #tpu.memory_space<hbm>>
      tpu.wait_dma2 semaphore(%run_scoped3A : memref<!tpu.dma_semaphore, #tpu.memory_space<semaphore_mem>>) src(%dma_wait3A_59 : memref<80x128xi32, #tpu.memory_space<hbm>>) dst(%arg5 : memref<80x128xi32, #tpu.memory_space<vmem>>)
      tpu.yield
    }) : () -> ()
    %scan3A = arith.constant 0 : i32
    %scan3A_5 = arith.constant 0 : i32
    %scan3A_6 = arith.constant 128 : i32
    %scan3A_7 = arith.addi %scan3A_5, %scan3A_6 : i32
    %scan3A_8 = arith.constant 1 : i32
    scf.for %scan3A_52 = %scan3A_5 to %scan3A_7 step %scan3A_8  : i32 {
      %broadcast_in_dim3A = arith.constant 0.000000e+00 : f32
      %broadcast_in_dim3A_53 = vector.broadcast %broadcast_in_dim3A : f32 to vector<16xf32>
      %swap3A = arith.index_cast %scan3A_52 : i32 to index
      %swap3A_54 = arith.constant 0 : index
      %swap3A_55 = tpu.vector_load %arg6[%swap3A, %swap3A_54] {strides = array<i32>} : memref<128x128xf32, #tpu.memory_space<vmem>>, vector<1x16xf32>,
      %swap3A_56 = vector.shape_cast %swap3A_55 : vector<1x16xf32> to vector<16xf32>
      %swap3A_57 = vector.shape_cast %broadcast_in_dim3A_53 : vector<16xf32> to vector<1x16xf32>
      tpu.vector_store %arg6[%swap3A, %swap3A_54], %swap3A_57 {strides = array<i32>} : memref<128x128xf32, #tpu.memory_space<vmem>>, vector<1x16xf32>,
      %broadcast_in_dim3A_58 = arith.constant 0.000000e+00 : f32
      %broadcast_in_dim3A_59 = vector.broadcast %broadcast_in_dim3A_58 : f32 to vector<16xf32>
      %swap3A_60 = arith.index_cast %scan3A_52 : i32 to index
      %swap3A_61 = arith.constant 16 : index
      %swap3A_62 = tpu.vector_load %arg6[%swap3A_60, %swap3A_61] {strides = array<i32>} : memref<128x128xf32, #tpu.memory_space<vmem>>, vector<1x16xf32>,
      %swap3A_63 = vector.shape_cast %swap3A_62 : vector<1x16xf32> to vector<16xf32>
      %swap3A_64 = vector.shape_cast %broadcast_in_dim3A_59 : vector<16xf32> to vector<1x16xf32>
      tpu.vector_store %arg6[%swap3A_60, %swap3A_61], %swap3A_64 {strides = array<i32>} : memref<128x128xf32, #tpu.memory_space<vmem>>, vector<1x16xf32>,
      %broadcast_in_dim3A_65 = arith.constant 0.000000e+00 : f32
      %broadcast_in_dim3A_66 = vector.broadcast %broadcast_in_dim3A_65 : f32 to vector<16xf32>
      %swap3A_67 = arith.index_cast %scan3A_52 : i32 to index
      %swap3A_68 = arith.constant 32 : index
      %swap3A_69 = tpu.vector_load %arg6[%swap3A_67, %swap3A_68] {strides = array<i32>} : memref<128x128xf32, #tpu.memory_space<vmem>>, vector<1x16xf32>,
      %swap3A_70 = vector.shape_cast %swap3A_69 : vector<1x16xf32> to vector<16xf32>
      %swap3A_71 = vector.shape_cast %broadcast_in_dim3A_66 : vector<16xf32> to vector<1x16xf32>
      tpu.vector_store %arg6[%swap3A_67, %swap3A_68], %swap3A_71 {strides = array<i32>} : memref<128x128xf32, #tpu.memory_space<vmem>>, vector<1x16xf32>,
      %broadcast_in_dim3A_72 = arith.constant 0.000000e+00 : f32
      %broadcast_in_dim3A_73 = vector.broadcast %broadcast_in_dim3A_72 : f32 to vector<16xf32>
      %swap3A_74 = arith.index_cast %scan3A_52 : i32 to index
      %swap3A_75 = arith.constant 48 : index
      %swap3A_76 = tpu.vector_load %arg6[%swap3A_74, %swap3A_75] {strides = array<i32>} : memref<128x128xf32, #tpu.memory_space<vmem>>, vector<1x16xf32>,
      %swap3A_77 = vector.shape_cast %swap3A_76 : vector<1x16xf32> to vector<16xf32>
      %swap3A_78 = vector.shape_cast %broadcast_in_dim3A_73 : vector<16xf32> to vector<1x16xf32>
      tpu.vector_store %arg6[%swap3A_74, %swap3A_75], %swap3A_78 {strides = array<i32>} : memref<128x128xf32, #tpu.memory_space<vmem>>, vector<1x16xf32>,
      %broadcast_in_dim3A_79 = arith.constant 0.000000e+00 : f32
      %broadcast_in_dim3A_80 = vector.broadcast %broadcast_in_dim3A_79 : f32 to vector<16xf32>
      %swap3A_81 = arith.index_cast %scan3A_52 : i32 to index
      %swap3A_82 = arith.constant 64 : index
      %swap3A_83 = tpu.vector_load %arg6[%swap3A_81, %swap3A_82] {strides = array<i32>} : memref<128x128xf32, #tpu.memory_space<vmem>>, vector<1x16xf32>,
      %swap3A_84 = vector.shape_cast %swap3A_83 : vector<1x16xf32> to vector<16xf32>
      %swap3A_85 = vector.shape_cast %broadcast_in_dim3A_80 : vector<16xf32> to vector<1x16xf32>
      tpu.vector_store %arg6[%swap3A_81, %swap3A_82], %swap3A_85 {strides = array<i32>} : memref<128x128xf32, #tpu.memory_space<vmem>>, vector<1x16xf32>,
      %broadcast_in_dim3A_86 = arith.constant 0.000000e+00 : f32
      %broadcast_in_dim3A_87 = vector.broadcast %broadcast_in_dim3A_86 : f32 to vector<16xf32>
      %swap3A_88 = arith.index_cast %scan3A_52 : i32 to index
      %swap3A_89 = arith.constant 80 : index
      %swap3A_90 = tpu.vector_load %arg6[%swap3A_88, %swap3A_89] {strides = array<i32>} : memref<128x128xf32, #tpu.memory_space<vmem>>, vector<1x16xf32>,
      %swap3A_91 = vector.shape_cast %swap3A_90 : vector<1x16xf32> to vector<16xf32>
      %swap3A_92 = vector.shape_cast %broadcast_in_dim3A_87 : vector<16xf32> to vector<1x16xf32>
      tpu.vector_store %arg6[%swap3A_88, %swap3A_89], %swap3A_92 {strides = array<i32>} : memref<128x128xf32, #tpu.memory_space<vmem>>, vector<1x16xf32>,
      %broadcast_in_dim3A_93 = arith.constant 0.000000e+00 : f32
      %broadcast_in_dim3A_94 = vector.broadcast %broadcast_in_dim3A_93 : f32 to vector<16xf32>
      %swap3A_95 = arith.index_cast %scan3A_52 : i32 to index
      %swap3A_96 = arith.constant 96 : index
      %swap3A_97 = tpu.vector_load %arg6[%swap3A_95, %swap3A_96] {strides = array<i32>} : memref<128x128xf32, #tpu.memory_space<vmem>>, vector<1x16xf32>,
      %swap3A_98 = vector.shape_cast %swap3A_97 : vector<1x16xf32> to vector<16xf32>
      %swap3A_99 = vector.shape_cast %broadcast_in_dim3A_94 : vector<16xf32> to vector<1x16xf32>
      tpu.vector_store %arg6[%swap3A_95, %swap3A_96], %swap3A_99 {strides = array<i32>} : memref<128x128xf32, #tpu.memory_space<vmem>>, vector<1x16xf32>,
      %broadcast_in_dim3A_100 = arith.constant 0.000000e+00 : f32
      %broadcast_in_dim3A_101 = vector.broadcast %broadcast_in_dim3A_100 : f32 to vector<16xf32>
      %swap3A_102 = arith.index_cast %scan3A_52 : i32 to index
      %swap3A_103 = arith.constant 112 : index
      %swap3A_104 = tpu.vector_load %arg6[%swap3A_102, %swap3A_103] {strides = array<i32>} : memref<128x128xf32, #tpu.memory_space<vmem>>, vector<1x16xf32>,
      %swap3A_105 = vector.shape_cast %swap3A_104 : vector<1x16xf32> to vector<16xf32>
      %swap3A_106 = vector.shape_cast %broadcast_in_dim3A_101 : vector<16xf32> to vector<1x16xf32>
      tpu.vector_store %arg6[%swap3A_102, %swap3A_103], %swap3A_106 {strides = array<i32>} : memref<128x128xf32, #tpu.memory_space<vmem>>, vector<1x16xf32>,
    }
    %scan3A_9 = arith.constant 128 : i32
    %scan3A_10 = arith.constant 0 : i32
    %scan3A_11 = arith.constant 0 : i32
    %scan3A_12 = arith.constant 5 : i32
    %scan3A_13 = arith.addi %scan3A_11, %scan3A_12 : i32
    %scan3A_14 = arith.constant 1 : i32
    scf.for %scan3A_52 = %scan3A_11 to %scan3A_13 step %scan3A_14  : i32 {
      %mul3A_53 = arith.constant 640 : i32
      %mul3A_54 = arith.muli %arg1, %mul3A_53 : i32
      %mul3A_55 = arith.constant 128 : i32
      %mul3A_56 = arith.muli %scan3A_52, %mul3A_55 : i32
      %add3A_57 = arith.addi %mul3A_54, %mul3A_56 : i32
      "tpu.region"() ({
        %run_scoped3A = tpu.sem_alloc : memref<!tpu.dma_semaphore, #tpu.memory_space<semaphore_mem>>
        %dma_start3A_58 = arith.constant 0 : i32
        %dma_start3A_59 = tpu.memref_slice %arg8[%add3A_57, %dma_start3A_58] : memref<10240x128xf32, #tpu.memory_space<vmem_shared>> -> memref<128x128xf32, #tpu.memory_space<vmem_shared>>
        %dma_start3A_60 = arith.constant 0 : i32
        %dma_start3A_61 = tpu.memref_slice %arg8[%add3A_57, %dma_start3A_60] : memref<10240x128xf32, #tpu.memory_space<vmem_shared>> -> memref<128x128xf32, #tpu.memory_space<vmem_shared>>
        tpu.enqueue_dma source(%arg6 : memref<128x128xf32, #tpu.memory_space<vmem>>) target(%dma_start3A_61 : memref<128x128xf32, #tpu.memory_space<vmem_shared>>) target_semaphore(%run_scoped3A : memref<!tpu.dma_semaphore, #tpu.memory_space<semaphore_mem>>)
        %dma_wait3A_62 = arith.constant 0 : i32
        %dma_wait3A_63 = tpu.memref_slice %arg8[%add3A_57, %dma_wait3A_62] : memref<10240x128xf32, #tpu.memory_space<vmem_shared>> -> memref<128x128xf32, #tpu.memory_space<vmem_shared>>
        %dma_wait3A_64 = arith.constant 0 : i32
        %dma_wait3A_65 = tpu.memref_slice %arg8[%add3A_57, %dma_wait3A_64] : memref<10240x128xf32, #tpu.memory_space<vmem_shared>> -> memref<128x128xf32, #tpu.memory_space<vmem_shared>>
        tpu.wait_dma2 semaphore(%run_scoped3A : memref<!tpu.dma_semaphore, #tpu.memory_space<semaphore_mem>>) src(%arg6 : memref<128x128xf32, #tpu.memory_space<vmem>>) dst(%dma_wait3A_65 : memref<128x128xf32, #tpu.memory_space<vmem_shared>>)
        tpu.yield
      }) : () -> ()
    }
    %scan3A_15 = arith.constant 5 : i32
    %barrier3A = arith.constant 0 : index
    tpu.barrier barrier_id(%barrier3A)
    %add3A_16 = arith.constant 0 : i32
    %add3A_17 = arith.addi %mul3A_2, %add3A_16 : i32
    %dma_start3A = arith.constant 0 : i32
    %dma_start3A_18 = tpu.memref_slice %arg2[%add3A_17, %dma_start3A] : memref<327680x128xf32, #tpu.memory_space<hbm>> -> memref<128x128xf32, #tpu.memory_space<hbm>>
    %dma_start3A_19 = arith.constant 0 : i32
    %dma_start3A_20 = tpu.memref_slice %arg2[%add3A_17, %dma_start3A_19] : memref<327680x128xf32, #tpu.memory_space<hbm>> -> memref<128x128xf32, #tpu.memory_space<hbm>>
    tpu.enqueue_dma source(%dma_start3A_20 : memref<128x128xf32, #tpu.memory_space<hbm>>) target(%arg6 : memref<128x128xf32, #tpu.memory_space<vmem>>) target_semaphore(%arg9 : memref<!tpu.dma_semaphore, #tpu.memory_space<semaphore_mem>>)
    %add3A_21 = arith.constant 128 : i32
    %add3A_22 = arith.addi %mul3A_2, %add3A_21 : i32
    %dma_start3A_23 = arith.constant 0 : i32
    %dma_start3A_24 = tpu.memref_slice %arg2[%add3A_22, %dma_start3A_23] : memref<327680x128xf32, #tpu.memory_space<hbm>> -> memref<128x128xf32, #tpu.memory_space<hbm>>
    %dma_start3A_25 = arith.constant 0 : i32
    %dma_start3A_26 = tpu.memref_slice %arg2[%add3A_22, %dma_start3A_25] : memref<327680x128xf32, #tpu.memory_space<hbm>> -> memref<128x128xf32, #tpu.memory_space<hbm>>
    tpu.enqueue_dma source(%dma_start3A_26 : memref<128x128xf32, #tpu.memory_space<hbm>>) target(%arg7 : memref<128x128xf32, #tpu.memory_space<vmem>>) target_semaphore(%arg10 : memref<!tpu.dma_semaphore, #tpu.memory_space<semaphore_mem>>)
    %scan3A_27 = arith.constant 0 : i32
    %scan3A_28 = arith.constant 0 : i32
    %scan3A_29 = arith.constant 40 : i32
    %scan3A_30 = arith.addi %scan3A_28, %scan3A_29 : i32
    %scan3A_31 = arith.constant 1 : i32
    scf.for %scan3A_52 = %scan3A_28 to %scan3A_30 step %scan3A_31  : i32 {
      %mul3A_53 = arith.constant 2 : i32
      %mul3A_54 = arith.muli %mul3A_53, %scan3A_52 : i32
      %add3A_55 = arith.constant 0 : i32
      %add3A_56 = arith.addi %mul3A_54, %add3A_55 : i32
      %dma_wait3A_57 = arith.constant 0 : i32
      %dma_wait3A_58 = arith.constant 0 : i32
      %dma_wait3A_59 = tpu.memref_slice %arg2[%dma_wait3A_57, %dma_wait3A_58] : memref<327680x128xf32, #tpu.memory_space<hbm>> -> memref<128x128xf32, #tpu.memory_space<hbm>>
      %dma_wait3A_60 = arith.constant 0 : i32
      %dma_wait3A_61 = arith.constant 0 : i32
      %dma_wait3A_62 = tpu.memref_slice %arg2[%dma_wait3A_60, %dma_wait3A_61] : memref<327680x128xf32, #tpu.memory_space<hbm>> -> memref<128x128xf32, #tpu.memory_space<hbm>>
      tpu.wait_dma2 semaphore(%arg9 : memref<!tpu.dma_semaphore, #tpu.memory_space<semaphore_mem>>) src(%dma_wait3A_62 : memref<128x128xf32, #tpu.memory_space<hbm>>) dst(%arg6 : memref<128x128xf32, #tpu.memory_space<vmem>>)
      %dma_start3A_63 = arith.constant 0 : i32
      %dma_start3A_64 = tpu.memref_slice %arg5[%add3A_56, %dma_start3A_63] : memref<80x128xi32, #tpu.memory_space<vmem>> -> memref<1x128xi32, #tpu.memory_space<vmem>>
      %dma_start3A_65 = tpu.memref_squeeze %dma_start3A_64 : memref<1x128xi32, #tpu.memory_space<vmem>> -> memref<128xi32, #tpu.memory_space<vmem>>
      %dma_start3A_66 = arith.constant 0 : i32
      %dma_start3A_67 = arith.constant 0 : i32
      %dma_start3A_68 = tpu.memref_slice %arg8[%dma_start3A_66, %dma_start3A_67] : memref<10240x128xf32, #tpu.memory_space<vmem_shared>> -> memref<10240x128xf32, #tpu.memory_space<vmem_shared>>
      tpu.enqueue_indirect_dma source(%arg6 : memref<128x128xf32, #tpu.memory_space<vmem>>) target(%dma_start3A_68 : memref<10240x128xf32, #tpu.memory_space<vmem_shared>>) offsets(%dma_start3A_65 : memref<128xi32, #tpu.memory_space<vmem>>) semaphore(%arg11 : memref<!tpu.dma_semaphore, #tpu.memory_space<semaphore_mem>>) {add = true}
      %mul3A_69 = arith.constant 2 : i32
      %mul3A_70 = arith.muli %mul3A_69, %scan3A_52 : i32
      %add3A_71 = arith.constant 1 : i32
      %add3A_72 = arith.addi %mul3A_70, %add3A_71 : i32
      %dma_wait3A_73 = arith.constant 0 : i32
      %dma_wait3A_74 = arith.constant 0 : i32
      %dma_wait3A_75 = tpu.memref_slice %arg2[%dma_wait3A_73, %dma_wait3A_74] : memref<327680x128xf32, #tpu.memory_space<hbm>> -> memref<128x128xf32, #tpu.memory_space<hbm>>
      %dma_wait3A_76 = arith.constant 0 : i32
      %dma_wait3A_77 = arith.constant 0 : i32
      %dma_wait3A_78 = tpu.memref_slice %arg2[%dma_wait3A_76, %dma_wait3A_77] : memref<327680x128xf32, #tpu.memory_space<hbm>> -> memref<128x128xf32, #tpu.memory_space<hbm>>
      tpu.wait_dma2 semaphore(%arg10 : memref<!tpu.dma_semaphore, #tpu.memory_space<semaphore_mem>>) src(%dma_wait3A_78 : memref<128x128xf32, #tpu.memory_space<hbm>>) dst(%arg7 : memref<128x128xf32, #tpu.memory_space<vmem>>)
      %dma_start3A_79 = arith.constant 0 : i32
      %dma_start3A_80 = tpu.memref_slice %arg5[%add3A_72, %dma_start3A_79] : memref<80x128xi32, #tpu.memory_space<vmem>> -> memref<1x128xi32, #tpu.memory_space<vmem>>
      %dma_start3A_81 = tpu.memref_squeeze %dma_start3A_80 : memref<1x128xi32, #tpu.memory_space<vmem>> -> memref<128xi32, #tpu.memory_space<vmem>>
      %dma_start3A_82 = arith.constant 0 : i32
      %dma_start3A_83 = arith.constant 0 : i32
      %dma_start3A_84 = tpu.memref_slice %arg8[%dma_start3A_82, %dma_start3A_83] : memref<10240x128xf32, #tpu.memory_space<vmem_shared>> -> memref<10240x128xf32, #tpu.memory_space<vmem_shared>>
      tpu.enqueue_indirect_dma source(%arg7 : memref<128x128xf32, #tpu.memory_space<vmem>>) target(%dma_start3A_84 : memref<10240x128xf32, #tpu.memory_space<vmem_shared>>) offsets(%dma_start3A_81 : memref<128xi32, #tpu.memory_space<vmem>>) semaphore(%arg12 : memref<!tpu.dma_semaphore, #tpu.memory_space<semaphore_mem>>) {add = true}
      %mul3A_85 = arith.constant 2 : i32
      %mul3A_86 = arith.muli %mul3A_85, %scan3A_52 : i32
      %add3A_87 = arith.constant 2 : i32
      %add3A_88 = arith.addi %mul3A_86, %add3A_87 : i32
      %add3A_89 = arith.constant 0 : i32
      %add3A_90 = arith.addi %add3A_88, %add3A_89 : i32
      %min3A = arith.constant 79 : i32
      %min3A_91 = arith.minsi %add3A_90, %min3A : i32
      %dma_wait3A_92 = arith.constant 0 : i32
      %dma_wait3A_93 = arith.constant 0 : i32
      %dma_wait3A_94 = tpu.memref_slice %arg8[%dma_wait3A_92, %dma_wait3A_93] : memref<10240x128xf32, #tpu.memory_space<vmem_shared>> -> memref<128x128xf32, #tpu.memory_space<vmem_shared>>
      %dma_wait3A_95 = arith.constant 0 : i32
      %dma_wait3A_96 = arith.constant 0 : i32
      %dma_wait3A_97 = tpu.memref_slice %arg8[%dma_wait3A_95, %dma_wait3A_96] : memref<10240x128xf32, #tpu.memory_space<vmem_shared>> -> memref<128x128xf32, #tpu.memory_space<vmem_shared>>
      tpu.wait_dma2 semaphore(%arg11 : memref<!tpu.dma_semaphore, #tpu.memory_space<semaphore_mem>>) src(%arg6 : memref<128x128xf32, #tpu.memory_space<vmem>>) dst(%dma_wait3A_97 : memref<128x128xf32, #tpu.memory_space<vmem_shared>>)
      %mul3A_98 = arith.constant 128 : i32
      %mul3A_99 = arith.muli %min3A_91, %mul3A_98 : i32
      %add3A_100 = arith.addi %mul3A_2, %mul3A_99 : i32
      %dma_start3A_101 = arith.constant 0 : i32
      %dma_start3A_102 = tpu.memref_slice %arg2[%add3A_100, %dma_start3A_101] : memref<327680x128xf32, #tpu.memory_space<hbm>> -> memref<128x128xf32, #tpu.memory_space<hbm>>
      %dma_start3A_103 = arith.constant 0 : i32
      %dma_start3A_104 = tpu.memref_slice %arg2[%add3A_100, %dma_start3A_103] : memref<327680x128xf32, #tpu.memory_space<hbm>> -> memref<128x128xf32, #tpu.memory_space<hbm>>
      tpu.enqueue_dma source(%dma_start3A_104 : memref<128x128xf32, #tpu.memory_space<hbm>>) target(%arg6 : memref<128x128xf32, #tpu.memory_space<vmem>>) target_semaphore(%arg9 : memref<!tpu.dma_semaphore, #tpu.memory_space<semaphore_mem>>)
      %mul3A_105 = arith.constant 2 : i32
      %mul3A_106 = arith.muli %mul3A_105, %scan3A_52 : i32
      %add3A_107 = arith.constant 2 : i32
      %add3A_108 = arith.addi %mul3A_106, %add3A_107 : i32
      %add3A_109 = arith.constant 1 : i32
      %add3A_110 = arith.addi %add3A_108, %add3A_109 : i32
      %min3A_111 = arith.constant 79 : i32
      %min3A_112 = arith.minsi %add3A_110, %min3A_111 : i32
      %dma_wait3A_113 = arith.constant 0 : i32
      %dma_wait3A_114 = arith.constant 0 : i32
      %dma_wait3A_115 = tpu.memref_slice %arg8[%dma_wait3A_113, %dma_wait3A_114] : memref<10240x128xf32, #tpu.memory_space<vmem_shared>> -> memref<128x128xf32, #tpu.memory_space<vmem_shared>>
      %dma_wait3A_116 = arith.constant 0 : i32
      %dma_wait3A_117 = arith.constant 0 : i32
      %dma_wait3A_118 = tpu.memref_slice %arg8[%dma_wait3A_116, %dma_wait3A_117] : memref<10240x128xf32, #tpu.memory_space<vmem_shared>> -> memref<128x128xf32, #tpu.memory_space<vmem_shared>>
      tpu.wait_dma2 semaphore(%arg12 : memref<!tpu.dma_semaphore, #tpu.memory_space<semaphore_mem>>) src(%arg7 : memref<128x128xf32, #tpu.memory_space<vmem>>) dst(%dma_wait3A_118 : memref<128x128xf32, #tpu.memory_space<vmem_shared>>)
      %mul3A_119 = arith.constant 128 : i32
      %mul3A_120 = arith.muli %min3A_112, %mul3A_119 : i32
      %add3A_121 = arith.addi %mul3A_2, %mul3A_120 : i32
      %dma_start3A_122 = arith.constant 0 : i32
      %dma_start3A_123 = tpu.memref_slice %arg2[%add3A_121, %dma_start3A_122] : memref<327680x128xf32, #tpu.memory_space<hbm>> -> memref<128x128xf32, #tpu.memory_space<hbm>>
      %dma_start3A_124 = arith.constant 0 : i32
      %dma_start3A_125 = tpu.memref_slice %arg2[%add3A_121, %dma_start3A_124] : memref<327680x128xf32, #tpu.memory_space<hbm>> -> memref<128x128xf32, #tpu.memory_space<hbm>>
      tpu.enqueue_dma source(%dma_start3A_125 : memref<128x128xf32, #tpu.memory_space<hbm>>) target(%arg7 : memref<128x128xf32, #tpu.memory_space<vmem>>) target_semaphore(%arg10 : memref<!tpu.dma_semaphore, #tpu.memory_space<semaphore_mem>>)
    }
    %scan3A_32 = arith.constant 40 : i32
    %dma_wait3A = arith.constant 0 : i32
    %dma_wait3A_33 = arith.constant 0 : i32
    %dma_wait3A_34 = tpu.memref_slice %arg2[%dma_wait3A, %dma_wait3A_33] : memref<327680x128xf32, #tpu.memory_space<hbm>> -> memref<128x128xf32, #tpu.memory_space<hbm>>
    %dma_wait3A_35 = arith.constant 0 : i32
    %dma_wait3A_36 = arith.constant 0 : i32
    %dma_wait3A_37 = tpu.memref_slice %arg2[%dma_wait3A_35, %dma_wait3A_36] : memref<327680x128xf32, #tpu.memory_space<hbm>> -> memref<128x128xf32, #tpu.memory_space<hbm>>
    tpu.wait_dma2 semaphore(%arg9 : memref<!tpu.dma_semaphore, #tpu.memory_space<semaphore_mem>>) src(%dma_wait3A_37 : memref<128x128xf32, #tpu.memory_space<hbm>>) dst(%arg6 : memref<128x128xf32, #tpu.memory_space<vmem>>)
    %dma_wait3A_38 = arith.constant 0 : i32
    %dma_wait3A_39 = arith.constant 0 : i32
    %dma_wait3A_40 = tpu.memref_slice %arg2[%dma_wait3A_38, %dma_wait3A_39] : memref<327680x128xf32, #tpu.memory_space<hbm>> -> memref<128x128xf32, #tpu.memory_space<hbm>>
    %dma_wait3A_41 = arith.constant 0 : i32
    %dma_wait3A_42 = arith.constant 0 : i32
    %dma_wait3A_43 = tpu.memref_slice %arg2[%dma_wait3A_41, %dma_wait3A_42] : memref<327680x128xf32, #tpu.memory_space<hbm>> -> memref<128x128xf32, #tpu.memory_space<hbm>>
    tpu.wait_dma2 semaphore(%arg10 : memref<!tpu.dma_semaphore, #tpu.memory_space<semaphore_mem>>) src(%dma_wait3A_43 : memref<128x128xf32, #tpu.memory_space<hbm>>) dst(%arg7 : memref<128x128xf32, #tpu.memory_space<vmem>>)
    %barrier3A_44 = arith.constant 0 : index
    tpu.barrier barrier_id(%barrier3A_44)
    %mul3A_45 = arith.constant 640 : i32
    %mul3A_46 = arith.muli %arg1, %mul3A_45 : i32
    %mul3A_47 = arith.constant 10240 : i32
    %mul3A_48 = arith.muli %arg0, %mul3A_47 : i32
    %mul3A_49 = arith.constant 640 : i32
    %mul3A_50 = arith.muli %arg1, %mul3A_49 : i32
    %add3A_51 = arith.addi %mul3A_48, %mul3A_50 : i32
    "tpu.region"() ({
      %run_scoped3A = tpu.sem_alloc : memref<!tpu.dma_semaphore, #tpu.memory_space<semaphore_mem>>
      %dma_start3A_52 = arith.constant 0 : i32
      %dma_start3A_53 = tpu.memref_slice %arg4[%add3A_51, %dma_start3A_52] : memref<20480x128xf32, #tpu.memory_space<hbm>> -> memref<640x128xf32, #tpu.memory_space<hbm>>
      %dma_start3A_54 = arith.constant 0 : i32
      %dma_start3A_55 = tpu.memref_slice %arg8[%mul3A_46, %dma_start3A_54] : memref<10240x128xf32, #tpu.memory_space<vmem_shared>> -> memref<640x128xf32, #tpu.memory_space<vmem_shared>>
      tpu.enqueue_dma source(%dma_start3A_55 : memref<640x128xf32, #tpu.memory_space<vmem_shared>>) target(%dma_start3A_53 : memref<640x128xf32, #tpu.memory_space<hbm>>) target_semaphore(%run_scoped3A : memref<!tpu.dma_semaphore, #tpu.memory_space<semaphore_mem>>)
      %dma_wait3A_56 = arith.constant 0 : i32
      %dma_wait3A_57 = tpu.memref_slice %arg4[%add3A_51, %dma_wait3A_56] : memref<20480x128xf32, #tpu.memory_space<hbm>> -> memref<640x128xf32, #tpu.memory_space<hbm>>
      %dma_wait3A_58 = arith.constant 0 : i32
      %dma_wait3A_59 = tpu.memref_slice %arg8[%mul3A_46, %dma_wait3A_58] : memref<10240x128xf32, #tpu.memory_space<vmem_shared>> -> memref<640x128xf32, #tpu.memory_space<vmem_shared>>
      tpu.wait_dma2 semaphore(%run_scoped3A : memref<!tpu.dma_semaphore, #tpu.memory_space<semaphore_mem>>) src(%dma_wait3A_59 : memref<640x128xf32, #tpu.memory_space<vmem_shared>>) dst(%dma_wait3A_57 : memref<640x128xf32, #tpu.memory_space<hbm>>)
      tpu.yield
    }) : () -> ()
    return
  }
}

module attributes {stable_mosaic.version = 14 : i64} {
  func.func @_node_proj_body(%arg0: i32, %arg1: memref<1024x1xi32, #tpu.memory_space<vmem>>, %arg2: memref<128x128xf32, #tpu.memory_space<vmem>>, %arg3: memref<128x128xf32, #tpu.memory_space<vmem>>, %arg4: memref<128x128xf32, #tpu.memory_space<vmem>>, %arg5: memref<128x128xf32, #tpu.memory_space<vmem>>, %arg6: memref<1024x128xf32, #tpu.memory_space<vmem>>, %arg7: memref<1024x128xf32, #tpu.memory_space<vmem>>, %arg8: memref<1024x128xi32, #tpu.memory_space<vmem>>) attributes {dimension_semantics = [#tpu.dimension_semantics<arbitrary>], iteration_bounds = array<i64: 10>, scalar_prefetch = 0 : i64, scratch_operands = 0 : i64, tpu.core_type = #tpu.core_type<tc>, window_params = [{transform_indices = @transform_0, window_bounds = array<i64: 1024, 1>}, {pipeline_mode = #tpu.pipeline_mode<synchronous>, transform_indices = @transform_1, window_bounds = array<i64: 128, 128>}, {pipeline_mode = #tpu.pipeline_mode<synchronous>, transform_indices = @transform_2, window_bounds = array<i64: 128, 128>}, {pipeline_mode = #tpu.pipeline_mode<synchronous>, transform_indices = @transform_3, window_bounds = array<i64: 128, 128>}, {pipeline_mode = #tpu.pipeline_mode<synchronous>, transform_indices = @transform_4, window_bounds = array<i64: 128, 128>}, {transform_indices = @transform_5, window_bounds = array<i64: 1024, 128>}, {transform_indices = @transform_6, window_bounds = array<i64: 1024, 128>}, {transform_indices = @transform_7, window_bounds = array<i64: 1024, 128>}]} {
    %get3A = arith.constant 0 : index
    %get3A_0 = arith.constant 0 : index
    %get3A_1 = vector.load %arg1[%get3A, %get3A_0] : memref<1024x1xi32, #tpu.memory_space<vmem>>, vector<1024x1xi32>
    %iota3A = tpu.iota {dimensions = array<i32: 1>} : vector<1024x128xi32>
    %eq3A = vector.broadcast %get3A_1 : vector<1024x1xi32> to vector<1024x128xi32>
    %eq3A_2 = arith.cmpi eq, %iota3A, %eq3A : vector<1024x128xi32>
    %convert_element_type3A = arith.extui %eq3A_2 : vector<1024x128xi1> to vector<1024x128xi32>
    %convert_element_type3A_3 = arith.sitofp %convert_element_type3A : vector<1024x128xi32> to vector<1024x128xf32>
    %get3A_4 = arith.constant 0 : index
    %get3A_5 = arith.constant 0 : index
    %get3A_6 = vector.load %arg2[%get3A_4, %get3A_5] : memref<128x128xf32, #tpu.memory_space<vmem>>, vector<128x128xf32>
    %dot_general3A = arith.constant dense<0.000000e+00> : vector<1024x128xf32>
    %dot_general3A_7 = tpu.matmul %convert_element_type3A_3, %get3A_6, %dot_general3A {dimension_numbers = #tpu.dot_dimension_numbers<[1], [0], [0], [1], [0, 0, 1, 1], [], []>, transpose_lhs_hint = false} : vector<1024x128xf32>, vector<128x128xf32>, vector<1024x128xf32> -> vector<1024x128xf32>
    %swap3A = arith.constant 0 : index
    %swap3A_8 = arith.constant 0 : index
    %swap3A_9 = vector.load %arg6[%swap3A, %swap3A_8] : memref<1024x128xf32, #tpu.memory_space<vmem>>, vector<1024x128xf32>
    tpu.vector_store %arg6[%swap3A, %swap3A_8], %dot_general3A_7 {strides = array<i32>} : memref<1024x128xf32, #tpu.memory_space<vmem>>, vector<1024x128xf32>,
    %get3A_10 = arith.constant 0 : index
    %get3A_11 = arith.constant 0 : index
    %get3A_12 = vector.load %arg3[%get3A_10, %get3A_11] : memref<128x128xf32, #tpu.memory_space<vmem>>, vector<128x128xf32>
    %dot_general3A_13 = arith.constant dense<0.000000e+00> : vector<1024x128xf32>
    %dot_general3A_14 = tpu.matmul %dot_general3A_7, %get3A_12, %dot_general3A_13 {dimension_numbers = #tpu.dot_dimension_numbers<[1], [0], [0], [1], [0, 0, 1, 1], [], []>, transpose_lhs_hint = false} : vector<1024x128xf32>, vector<128x128xf32>, vector<1024x128xf32> -> vector<1024x128xf32>
    %swap3A_15 = arith.constant 0 : index
    %swap3A_16 = arith.constant 0 : index
    %swap3A_17 = vector.load %arg7[%swap3A_15, %swap3A_16] : memref<1024x128xf32, #tpu.memory_space<vmem>>, vector<1024x128xf32>
    tpu.vector_store %arg7[%swap3A_15, %swap3A_16], %dot_general3A_14 {strides = array<i32>} : memref<1024x128xf32, #tpu.memory_space<vmem>>, vector<1024x128xf32>,
    %get3A_18 = arith.constant 0 : index
    %get3A_19 = arith.constant 0 : index
    %get3A_20 = vector.load %arg4[%get3A_18, %get3A_19] : memref<128x128xf32, #tpu.memory_space<vmem>>, vector<128x128xf32>
    %dot_general3A_21 = arith.constant dense<0.000000e+00> : vector<1024x128xf32>
    %dot_general3A_22 = tpu.matmul %dot_general3A_7, %get3A_20, %dot_general3A_21 {dimension_numbers = #tpu.dot_dimension_numbers<[1], [0], [0], [1], [0, 0, 1, 1], [], []>, transpose_lhs_hint = false} : vector<1024x128xf32>, vector<128x128xf32>, vector<1024x128xf32> -> vector<1024x128xf32>
    %get3A_23 = arith.constant 0 : index
    %get3A_24 = arith.constant 0 : index
    %get3A_25 = vector.load %arg5[%get3A_23, %get3A_24] : memref<128x128xf32, #tpu.memory_space<vmem>>, vector<128x128xf32>
    %dot_general3A_26 = arith.constant dense<0.000000e+00> : vector<1024x128xf32>
    %dot_general3A_27 = tpu.matmul %dot_general3A_7, %get3A_25, %dot_general3A_26 {dimension_numbers = #tpu.dot_dimension_numbers<[1], [0], [0], [1], [0, 0, 1, 1], [], []>, transpose_lhs_hint = false} : vector<1024x128xf32>, vector<128x128xf32>, vector<1024x128xf32> -> vector<1024x128xf32>
    %bitcast_convert_type3A = tpu.bitcast %dot_general3A_22 : vector<1024x128xf32> -> vector<1024x128xi32>
    %add3A = arith.constant 32767 : i32
    %add3A_28 = vector.broadcast %add3A : i32 to vector<1024x128xi32>
    %add3A_29 = arith.addi %bitcast_convert_type3A, %add3A_28 : vector<1024x128xi32>
    %shift_right_logical3A = arith.constant 16 : i32
    %shift_right_logical3A_30 = vector.broadcast %shift_right_logical3A : i32 to vector<1024x128xi32>
    %shift_right_logical3A_31 = arith.shrui %bitcast_convert_type3A, %shift_right_logical3A_30 : vector<1024x128xi32>
    %and3A = arith.constant 1 : i32
    %and3A_32 = vector.broadcast %and3A : i32 to vector<1024x128xi32>
    %and3A_33 = arith.andi %shift_right_logical3A_31, %and3A_32 : vector<1024x128xi32>
    %add3A_34 = arith.addi %add3A_29, %and3A_33 : vector<1024x128xi32>
    %shift_right_logical3A_35 = arith.constant 16 : i32
    %shift_right_logical3A_36 = vector.broadcast %shift_right_logical3A_35 : i32 to vector<1024x128xi32>
    %shift_right_logical3A_37 = arith.shrui %add3A_34, %shift_right_logical3A_36 : vector<1024x128xi32>
    %bitcast_convert_type3A_38 = tpu.bitcast %dot_general3A_27 : vector<1024x128xf32> -> vector<1024x128xi32>
    %add3A_39 = arith.constant 32767 : i32
    %add3A_40 = vector.broadcast %add3A_39 : i32 to vector<1024x128xi32>
    %add3A_41 = arith.addi %bitcast_convert_type3A_38, %add3A_40 : vector<1024x128xi32>
    %shift_right_logical3A_42 = arith.constant 16 : i32
    %shift_right_logical3A_43 = vector.broadcast %shift_right_logical3A_42 : i32 to vector<1024x128xi32>
    %shift_right_logical3A_44 = arith.shrui %bitcast_convert_type3A_38, %shift_right_logical3A_43 : vector<1024x128xi32>
    %and3A_45 = arith.constant 1 : i32
    %and3A_46 = vector.broadcast %and3A_45 : i32 to vector<1024x128xi32>
    %and3A_47 = arith.andi %shift_right_logical3A_44, %and3A_46 : vector<1024x128xi32>
    %add3A_48 = arith.addi %add3A_41, %and3A_47 : vector<1024x128xi32>
    %and3A_49 = arith.constant -65536 : i32
    %and3A_50 = vector.broadcast %and3A_49 : i32 to vector<1024x128xi32>
    %and3A_51 = arith.andi %add3A_48, %and3A_50 : vector<1024x128xi32>
    %or3A = arith.ori %and3A_51, %shift_right_logical3A_37 : vector<1024x128xi32>
    %swap3A_52 = arith.constant 0 : index
    %swap3A_53 = arith.constant 0 : index
    %swap3A_54 = vector.load %arg8[%swap3A_52, %swap3A_53] : memref<1024x128xi32, #tpu.memory_space<vmem>>, vector<1024x128xi32>
    tpu.vector_store %arg8[%swap3A_52, %swap3A_53], %or3A {strides = array<i32>} : memref<1024x128xi32, #tpu.memory_space<vmem>>, vector<1024x128xi32>,
    return
  }
  func.func @transform_0(%arg0: i32) -> (i32, i32) {
    %c0_i32 = arith.constant 0 : i32
    %c0_i32_0 = arith.constant 0 : i32
    return %arg0, %c0_i32 : i32, i32
  }
  func.func @transform_1(%arg0: i32) -> (i32, i32) {
    %c0_i32 = arith.constant 0 : i32
    %c0_i32_0 = arith.constant 0 : i32
    %c0_i32_1 = arith.constant 0 : i32
    return %c0_i32, %c0_i32_0 : i32, i32
  }
  func.func @transform_2(%arg0: i32) -> (i32, i32) {
    %c0_i32 = arith.constant 0 : i32
    %c0_i32_0 = arith.constant 0 : i32
    %c0_i32_1 = arith.constant 0 : i32
    return %c0_i32, %c0_i32_0 : i32, i32
  }
  func.func @transform_3(%arg0: i32) -> (i32, i32) {
    %c0_i32 = arith.constant 0 : i32
    %c0_i32_0 = arith.constant 0 : i32
    %c0_i32_1 = arith.constant 0 : i32
    return %c0_i32, %c0_i32_0 : i32, i32
  }
  func.func @transform_4(%arg0: i32) -> (i32, i32) {
    %c0_i32 = arith.constant 0 : i32
    %c0_i32_0 = arith.constant 0 : i32
    %c0_i32_1 = arith.constant 0 : i32
    return %c0_i32, %c0_i32_0 : i32, i32
  }
  func.func @transform_5(%arg0: i32) -> (i32, i32) {
    %c0_i32 = arith.constant 0 : i32
    %c0_i32_0 = arith.constant 0 : i32
    return %arg0, %c0_i32 : i32, i32
  }
  func.func @transform_6(%arg0: i32) -> (i32, i32) {
    %c0_i32 = arith.constant 0 : i32
    %c0_i32_0 = arith.constant 0 : i32
    return %arg0, %c0_i32 : i32, i32
  }
  func.func @transform_7(%arg0: i32) -> (i32, i32) {
    %c0_i32 = arith.constant 0 : i32
    %c0_i32_0 = arith.constant 0 : i32
    return %arg0, %c0_i32 : i32, i32
  }
}

module attributes {stable_mosaic.version = 14 : i64} {
  func.func @_edge_feat_body(%arg0: i32, %arg1: memref<2048x3xf32, #tpu.memory_space<vmem>>, %arg2: memref<2048x128xf32, #tpu.memory_space<vmem>>, %arg3: memref<2048x128xi32, #tpu.memory_space<vmem>>, %arg4: memref<32x32xf32, #tpu.memory_space<vmem>>, %arg5: memref<1x32xf32, #tpu.memory_space<vmem>>, %arg6: memref<32x128xf32, #tpu.memory_space<vmem>>, %arg7: memref<1x128xf32, #tpu.memory_space<vmem>>, %arg8: memref<2048x128xf32, #tpu.memory_space<vmem>>) attributes {dimension_semantics = [#tpu.dimension_semantics<arbitrary>], iteration_bounds = array<i64: 160>, scalar_prefetch = 0 : i64, scratch_operands = 0 : i64, tpu.core_type = #tpu.core_type<tc>, window_params = [{transform_indices = @transform_0, window_bounds = array<i64: 2048, 3>}, {transform_indices = @transform_1, window_bounds = array<i64: 2048, 128>}, {transform_indices = @transform_2, window_bounds = array<i64: 2048, 128>}, {pipeline_mode = #tpu.pipeline_mode<synchronous>, transform_indices = @transform_3, window_bounds = array<i64: 32, 32>}, {pipeline_mode = #tpu.pipeline_mode<synchronous>, transform_indices = @transform_4, window_bounds = array<i64: 1, 32>}, {pipeline_mode = #tpu.pipeline_mode<synchronous>, transform_indices = @transform_5, window_bounds = array<i64: 32, 128>}, {pipeline_mode = #tpu.pipeline_mode<synchronous>, transform_indices = @transform_6, window_bounds = array<i64: 1, 128>}, {transform_indices = @transform_7, window_bounds = array<i64: 2048, 128>}]} {
    %get3A = arith.constant 0 : index
    %get3A_0 = arith.constant 0 : index
    %get3A_1 = vector.load %arg1[%get3A, %get3A_0] : memref<2048x3xf32, #tpu.memory_space<vmem>>, vector<2048x3xf32>
    %mul3A = arith.mulf %get3A_1, %get3A_1 : vector<2048x3xf32>
    %reduce_sum3A = arith.constant dense<0.000000e+00> : vector<2048xf32>
    %reduce_sum3A_2 = vector.multi_reduction <add>, %mul3A, %reduce_sum3A [1] : vector<2048x3xf32> to vector<2048xf32>
    %broadcast_in_dim3A = vector.shape_cast %reduce_sum3A_2 : vector<2048xf32> to vector<2048x1xf32>
    %add3A = arith.constant 9.99999996E-13 : f32
    %add3A_3 = vector.broadcast %add3A : f32 to vector<2048x1xf32>
    %add3A_4 = arith.addf %broadcast_in_dim3A, %add3A_3 : vector<2048x1xf32>
    %sqrt3A = math.sqrt %add3A_4 : vector<2048x1xf32>
    %min3A = arith.constant 5.000000e+00 : f32
    %min3A_5 = vector.broadcast %min3A : f32 to vector<2048x1xf32>
    %min3A_6 = arith.minimumf %sqrt3A, %min3A_5 : vector<2048x1xf32>
    %mul3A_7 = arith.constant 3.14159274 : f32
    %mul3A_8 = vector.broadcast %mul3A_7 : f32 to vector<2048x1xf32>
    %mul3A_9 = arith.mulf %mul3A_8, %min3A_6 : vector<2048x1xf32>
    %div3A = arith.constant 5.000000e+00 : f32
    %div3A_10 = vector.broadcast %div3A : f32 to vector<2048x1xf32>
    %div3A_11 = arith.divf %mul3A_9, %div3A_10 : vector<2048x1xf32>
    %cos3A = math.cos %div3A_11 : vector<2048x1xf32>
    %add3A_12 = arith.constant 1.000000e+00 : f32
    %add3A_13 = vector.broadcast %add3A_12 : f32 to vector<2048x1xf32>
    %add3A_14 = arith.addf %cos3A, %add3A_13 : vector<2048x1xf32>
    %mul3A_15 = arith.constant 5.000000e-01 : f32
    %mul3A_16 = vector.broadcast %mul3A_15 : f32 to vector<2048x1xf32>
    %mul3A_17 = arith.mulf %mul3A_16, %add3A_14 : vector<2048x1xf32>
    %lt3A = arith.constant 5.000000e+00 : f32
    %lt3A_18 = vector.broadcast %lt3A : f32 to vector<2048x1xf32>
    %lt3A_19 = arith.cmpf olt, %sqrt3A, %lt3A_18 : vector<2048x1xf32>
    %convert_element_type3A = arith.extui %lt3A_19 : vector<2048x1xi1> to vector<2048x1xi32>
    %convert_element_type3A_20 = arith.sitofp %convert_element_type3A : vector<2048x1xi32> to vector<2048x1xf32>
    %mul3A_21 = arith.mulf %mul3A_17, %convert_element_type3A_20 : vector<2048x1xf32>
    %iota3A = tpu.iota {dimensions = array<i32: 1>} : vector<1x32xi32>
    %convert_element_type3A_22 = arith.sitofp %iota3A : vector<1x32xi32> to vector<1x32xf32>
    %mul3A_23 = arith.constant 0.161290318 : f32
    %mul3A_24 = vector.broadcast %mul3A_23 : f32 to vector<1x32xf32>
    %mul3A_25 = arith.mulf %convert_element_type3A_22, %mul3A_24 : vector<1x32xf32>
    %sub3A = vector.broadcast %sqrt3A : vector<2048x1xf32> to vector<2048x32xf32>
    %sub3A_26 = vector.broadcast %mul3A_25 : vector<1x32xf32> to vector<2048x32xf32>
    %sub3A_27 = arith.subf %sub3A, %sub3A_26 : vector<2048x32xf32>
    %div3A_28 = arith.constant 1.562500e-01 : f32
    %div3A_29 = vector.broadcast %div3A_28 : f32 to vector<2048x32xf32>
    %div3A_30 = arith.divf %sub3A_27, %div3A_29 : vector<2048x32xf32>
    %integer_pow3A = arith.mulf %div3A_30, %div3A_30 : vector<2048x32xf32>
    %mul3A_31 = arith.constant -5.000000e-01 : f32
    %mul3A_32 = vector.broadcast %mul3A_31 : f32 to vector<2048x32xf32>
    %mul3A_33 = arith.mulf %mul3A_32, %integer_pow3A : vector<2048x32xf32>
    %exp3A = math.exp %mul3A_33 : vector<2048x32xf32>
    %get3A_34 = arith.constant 0 : index
    %get3A_35 = arith.constant 0 : index
    %get3A_36 = vector.load %arg4[%get3A_34, %get3A_35] : memref<32x32xf32, #tpu.memory_space<vmem>>, vector<32x32xf32>
    %dot_general3A = arith.constant dense<0.000000e+00> : vector<2048x32xf32>
    %dot_general3A_37 = tpu.matmul %exp3A, %get3A_36, %dot_general3A {dimension_numbers = #tpu.dot_dimension_numbers<[1], [0], [0], [1], [0, 0, 1, 1], [], []>, transpose_lhs_hint = false} : vector<2048x32xf32>, vector<32x32xf32>, vector<2048x32xf32> -> vector<2048x32xf32>
    %get3A_38 = arith.constant 0 : index
    %get3A_39 = arith.constant 0 : index
    %get3A_40 = vector.load %arg5[%get3A_38, %get3A_39] : memref<1x32xf32, #tpu.memory_space<vmem>>, vector<1x32xf32>
    %add3A_41 = vector.broadcast %get3A_40 : vector<1x32xf32> to vector<2048x32xf32>
    %add3A_42 = arith.addf %dot_general3A_37, %add3A_41 : vector<2048x32xf32>
    %neg3A = arith.constant 0.000000e+00 : f32
    %neg3A_43 = vector.broadcast %neg3A : f32 to vector<2048x32xf32>
    %neg3A_44 = arith.subf %neg3A_43, %add3A_42 : vector<2048x32xf32>
    %exp3A_45 = math.exp %neg3A_44 : vector<2048x32xf32>
    %add3A_46 = arith.constant 1.000000e+00 : f32
    %add3A_47 = vector.broadcast %add3A_46 : f32 to vector<2048x32xf32>
    %add3A_48 = arith.addf %add3A_47, %exp3A_45 : vector<2048x32xf32>
    %div3A_49 = arith.divf %add3A_42, %add3A_48 : vector<2048x32xf32>
    %get3A_50 = arith.constant 0 : index
    %get3A_51 = arith.constant 0 : index
    %get3A_52 = vector.load %arg6[%get3A_50, %get3A_51] : memref<32x128xf32, #tpu.memory_space<vmem>>, vector<32x128xf32>
    %dot_general3A_53 = arith.constant dense<0.000000e+00> : vector<2048x128xf32>
    %dot_general3A_54 = tpu.matmul %div3A_49, %get3A_52, %dot_general3A_53 {dimension_numbers = #tpu.dot_dimension_numbers<[1], [0], [0], [1], [0, 0, 1, 1], [], []>, transpose_lhs_hint = false} : vector<2048x32xf32>, vector<32x128xf32>, vector<2048x128xf32> -> vector<2048x128xf32>
    %get3A_55 = arith.constant 0 : index
    %get3A_56 = arith.constant 0 : index
    %get3A_57 = vector.load %arg7[%get3A_55, %get3A_56] : memref<1x128xf32, #tpu.memory_space<vmem>>, vector<1x128xf32>
    %add3A_58 = vector.broadcast %get3A_57 : vector<1x128xf32> to vector<2048x128xf32>
    %add3A_59 = arith.addf %dot_general3A_54, %add3A_58 : vector<2048x128xf32>
    %get3A_60 = arith.constant 0 : index
    %get3A_61 = arith.constant 0 : index
    %get3A_62 = vector.load %arg3[%get3A_60, %get3A_61] : memref<2048x128xi32, #tpu.memory_space<vmem>>, vector<2048x128xi32>
    %shift_left3A = arith.constant 16 : i32
    %shift_left3A_63 = vector.broadcast %shift_left3A : i32 to vector<2048x128xi32>
    %shift_left3A_64 = arith.shli %get3A_62, %shift_left3A_63 : vector<2048x128xi32>
    %bitcast_convert_type3A = tpu.bitcast %shift_left3A_64 : vector<2048x128xi32> -> vector<2048x128xf32>
    %and3A = arith.constant -65536 : i32
    %and3A_65 = vector.broadcast %and3A : i32 to vector<2048x128xi32>
    %and3A_66 = arith.andi %get3A_62, %and3A_65 : vector<2048x128xi32>
    %bitcast_convert_type3A_67 = tpu.bitcast %and3A_66 : vector<2048x128xi32> -> vector<2048x128xf32>
    %get3A_68 = arith.constant 0 : index
    %get3A_69 = arith.constant 0 : index
    %get3A_70 = vector.load %arg2[%get3A_68, %get3A_69] : memref<2048x128xf32, #tpu.memory_space<vmem>>, vector<2048x128xf32>
    %mul3A_71 = arith.mulf %get3A_70, %bitcast_convert_type3A : vector<2048x128xf32>
    %mul3A_72 = arith.mulf %mul3A_71, %add3A_59 : vector<2048x128xf32>
    %mul3A_73 = arith.constant 0.176776692 : f32
    %mul3A_74 = vector.broadcast %mul3A_73 : f32 to vector<2048x1xf32>
    %mul3A_75 = arith.mulf %mul3A_21, %mul3A_74 : vector<2048x1xf32>
    %mul3A_76 = vector.broadcast %mul3A_75 : vector<2048x1xf32> to vector<2048x128xf32>
    %mul3A_77 = arith.mulf %mul3A_72, %mul3A_76 : vector<2048x128xf32>
    %iota3A_78 = tpu.iota {dimensions = array<i32: 0>} : vector<128x128xi32>
    %jit3A = arith.constant 32 : i32
    %div3A_79 = vector.broadcast %jit3A : i32 to vector<128x128xi32>
    %div3A_80 = arith.divsi %iota3A_78, %div3A_79 : vector<128x128xi32>
    %sign3A = arith.constant 0 : i32
    %sign3A_81 = vector.broadcast %sign3A : i32 to vector<128x128xi32>
    %sign3A_82 = arith.cmpi sgt, %iota3A_78, %sign3A_81 : vector<128x128xi32>
    %sign3A_83 = arith.extui %sign3A_82 : vector<128x128xi1> to vector<128x128xi32>
    %sign3A_84 = arith.constant 0 : i32
    %sign3A_85 = vector.broadcast %sign3A_84 : i32 to vector<128x128xi32>
    %sign3A_86 = arith.cmpi slt, %iota3A_78, %sign3A_85 : vector<128x128xi32>
    %sign3A_87 = arith.extui %sign3A_86 : vector<128x128xi1> to vector<128x128xi32>
    %sign3A_88 = arith.subi %sign3A_83, %sign3A_87 : vector<128x128xi32>
    %sign3A_89 = arith.constant 0 : i32
    %sign3A_90 = arith.cmpi sgt, %jit3A, %sign3A_89 : i32
    %sign3A_91 = arith.extui %sign3A_90 : i1 to i32
    %sign3A_92 = arith.constant 0 : i32
    %sign3A_93 = arith.cmpi slt, %jit3A, %sign3A_92 : i32
    %sign3A_94 = arith.extui %sign3A_93 : i1 to i32
    %sign3A_95 = arith.subi %sign3A_91, %sign3A_94 : i32
    %ne3A = vector.broadcast %sign3A_95 : i32 to vector<128x128xi32>
    %ne3A_96 = arith.cmpi ne, %sign3A_88, %ne3A : vector<128x128xi32>
    %rem3A = vector.broadcast %jit3A : i32 to vector<128x128xi32>
    %rem3A_97 = arith.remsi %iota3A_78, %rem3A : vector<128x128xi32>
    %ne3A_98 = arith.constant 0 : i32
    %ne3A_99 = vector.broadcast %ne3A_98 : i32 to vector<128x128xi32>
    %ne3A_100 = arith.cmpi ne, %rem3A_97, %ne3A_99 : vector<128x128xi32>
    %and3A_101 = arith.andi %ne3A_96, %ne3A_100 : vector<128x128xi1>
    %sub3A_102 = arith.constant 1 : i32
    %sub3A_103 = vector.broadcast %sub3A_102 : i32 to vector<128x128xi32>
    %sub3A_104 = arith.subi %div3A_80, %sub3A_103 : vector<128x128xi32>
    %select_n3A = arith.select %and3A_101, %sub3A_104, %div3A_80 : vector<128x128xi1>, vector<128x128xi32>
    %iota3A_105 = tpu.iota {dimensions = array<i32: 1>} : vector<128x128xi32>
    %jit3A_106 = arith.constant 32 : i32
    %div3A_107 = vector.broadcast %jit3A_106 : i32 to vector<128x128xi32>
    %div3A_108 = arith.divsi %iota3A_105, %div3A_107 : vector<128x128xi32>
    %sign3A_109 = arith.constant 0 : i32
    %sign3A_110 = vector.broadcast %sign3A_109 : i32 to vector<128x128xi32>
    %sign3A_111 = arith.cmpi sgt, %iota3A_105, %sign3A_110 : vector<128x128xi32>
    %sign3A_112 = arith.extui %sign3A_111 : vector<128x128xi1> to vector<128x128xi32>
    %sign3A_113 = arith.constant 0 : i32
    %sign3A_114 = vector.broadcast %sign3A_113 : i32 to vector<128x128xi32>
    %sign3A_115 = arith.cmpi slt, %iota3A_105, %sign3A_114 : vector<128x128xi32>
    %sign3A_116 = arith.extui %sign3A_115 : vector<128x128xi1> to vector<128x128xi32>
    %sign3A_117 = arith.subi %sign3A_112, %sign3A_116 : vector<128x128xi32>
    %sign3A_118 = arith.constant 0 : i32
    %sign3A_119 = arith.cmpi sgt, %jit3A_106, %sign3A_118 : i32
    %sign3A_120 = arith.extui %sign3A_119 : i1 to i32
    %sign3A_121 = arith.constant 0 : i32
    %sign3A_122 = arith.cmpi slt, %jit3A_106, %sign3A_121 : i32
    %sign3A_123 = arith.extui %sign3A_122 : i1 to i32
    %sign3A_124 = arith.subi %sign3A_120, %sign3A_123 : i32
    %ne3A_125 = vector.broadcast %sign3A_124 : i32 to vector<128x128xi32>
    %ne3A_126 = arith.cmpi ne, %sign3A_117, %ne3A_125 : vector<128x128xi32>
    %rem3A_127 = vector.broadcast %jit3A_106 : i32 to vector<128x128xi32>
    %rem3A_128 = arith.remsi %iota3A_105, %rem3A_127 : vector<128x128xi32>
    %ne3A_129 = arith.constant 0 : i32
    %ne3A_130 = vector.broadcast %ne3A_129 : i32 to vector<128x128xi32>
    %ne3A_131 = arith.cmpi ne, %rem3A_128, %ne3A_130 : vector<128x128xi32>
    %and3A_132 = arith.andi %ne3A_126, %ne3A_131 : vector<128x128xi1>
    %sub3A_133 = arith.constant 1 : i32
    %sub3A_134 = vector.broadcast %sub3A_133 : i32 to vector<128x128xi32>
    %sub3A_135 = arith.subi %div3A_108, %sub3A_134 : vector<128x128xi32>
    %select_n3A_136 = arith.select %and3A_132, %sub3A_135, %div3A_108 : vector<128x128xi1>, vector<128x128xi32>
    %eq3A = arith.cmpi eq, %select_n3A, %select_n3A_136 : vector<128x128xi32>
    %convert_element_type3A_137 = arith.extui %eq3A : vector<128x128xi1> to vector<128x128xi32>
    %convert_element_type3A_138 = arith.sitofp %convert_element_type3A_137 : vector<128x128xi32> to vector<128x128xf32>
    %dot_general3A_139 = arith.constant dense<0.000000e+00> : vector<2048x128xf32>
    %dot_general3A_140 = tpu.matmul %mul3A_77, %convert_element_type3A_138, %dot_general3A_139 {dimension_numbers = #tpu.dot_dimension_numbers<[1], [0], [0], [1], [0, 0, 1, 1], [], []>, transpose_lhs_hint = false} : vector<2048x128xf32>, vector<128x128xf32>, vector<2048x128xf32> -> vector<2048x128xf32>
    %mul3A_141 = arith.mulf %dot_general3A_140, %bitcast_convert_type3A_67 : vector<2048x128xf32>
    %swap3A = arith.constant 0 : index
    %swap3A_142 = arith.constant 0 : index
    %swap3A_143 = vector.load %arg8[%swap3A, %swap3A_142] : memref<2048x128xf32, #tpu.memory_space<vmem>>, vector<2048x128xf32>
    tpu.vector_store %arg8[%swap3A, %swap3A_142], %mul3A_141 {strides = array<i32>} : memref<2048x128xf32, #tpu.memory_space<vmem>>, vector<2048x128xf32>,
    return
  }
  func.func @transform_0(%arg0: i32) -> (i32, i32) {
    %c0_i32 = arith.constant 0 : i32
    %c0_i32_0 = arith.constant 0 : i32
    return %arg0, %c0_i32 : i32, i32
  }
  func.func @transform_1(%arg0: i32) -> (i32, i32) {
    %c0_i32 = arith.constant 0 : i32
    %c0_i32_0 = arith.constant 0 : i32
    return %arg0, %c0_i32 : i32, i32
  }
  func.func @transform_2(%arg0: i32) -> (i32, i32) {
    %c0_i32 = arith.constant 0 : i32
    %c0_i32_0 = arith.constant 0 : i32
    return %arg0, %c0_i32 : i32, i32
  }
  func.func @transform_3(%arg0: i32) -> (i32, i32) {
    %c0_i32 = arith.constant 0 : i32
    %c0_i32_0 = arith.constant 0 : i32
    %c0_i32_1 = arith.constant 0 : i32
    return %c0_i32, %c0_i32_0 : i32, i32
  }
  func.func @transform_4(%arg0: i32) -> (i32, i32) {
    %c0_i32 = arith.constant 0 : i32
    %c0_i32_0 = arith.constant 0 : i32
    %c0_i32_1 = arith.constant 0 : i32
    return %c0_i32, %c0_i32_0 : i32, i32
  }
  func.func @transform_5(%arg0: i32) -> (i32, i32) {
    %c0_i32 = arith.constant 0 : i32
    %c0_i32_0 = arith.constant 0 : i32
    %c0_i32_1 = arith.constant 0 : i32
    return %c0_i32, %c0_i32_0 : i32, i32
  }
  func.func @transform_6(%arg0: i32) -> (i32, i32) {
    %c0_i32 = arith.constant 0 : i32
    %c0_i32_0 = arith.constant 0 : i32
    %c0_i32_1 = arith.constant 0 : i32
    return %c0_i32, %c0_i32_0 : i32, i32
  }
  func.func @transform_7(%arg0: i32) -> (i32, i32) {
    %c0_i32 = arith.constant 0 : i32
    %c0_i32_0 = arith.constant 0 : i32
    return %arg0, %c0_i32 : i32, i32
  }
}

module attributes {stable_mosaic.version = 14 : i64} {
  func.func @_node_upd_body(%arg0: i32, %arg1: memref<1024x128xf32, #tpu.memory_space<vmem>>, %arg2: memref<1024x128xf32, #tpu.memory_space<vmem>>, %arg3: memref<1024x128xf32, #tpu.memory_space<vmem>>, %arg4: memref<128x128xf32, #tpu.memory_space<vmem>>, %arg5: memref<128x128xf32, #tpu.memory_space<vmem>>, %arg6: memref<1024x128xf32, #tpu.memory_space<vmem>>, %arg7: memref<1024x128xf32, #tpu.memory_space<vmem>>) attributes {dimension_semantics = [#tpu.dimension_semantics<arbitrary>], iteration_bounds = array<i64: 10>, scalar_prefetch = 0 : i64, scratch_operands = 0 : i64, tpu.core_type = #tpu.core_type<tc>, window_params = [{transform_indices = @transform_0, window_bounds = array<i64: 1024, 128>}, {transform_indices = @transform_1, window_bounds = array<i64: 1024, 128>}, {transform_indices = @transform_2, window_bounds = array<i64: 1024, 128>}, {pipeline_mode = #tpu.pipeline_mode<synchronous>, transform_indices = @transform_3, window_bounds = array<i64: 128, 128>}, {pipeline_mode = #tpu.pipeline_mode<synchronous>, transform_indices = @transform_4, window_bounds = array<i64: 128, 128>}, {transform_indices = @transform_5, window_bounds = array<i64: 1024, 128>}, {transform_indices = @transform_6, window_bounds = array<i64: 1024, 128>}]} {
    %get3A = arith.constant 0 : index
    %get3A_0 = arith.constant 0 : index
    %get3A_1 = vector.load %arg2[%get3A, %get3A_0] : memref<1024x128xf32, #tpu.memory_space<vmem>>, vector<1024x128xf32>
    %get3A_2 = arith.constant 0 : index
    %get3A_3 = arith.constant 0 : index
    %get3A_4 = vector.load %arg3[%get3A_2, %get3A_3] : memref<1024x128xf32, #tpu.memory_space<vmem>>, vector<1024x128xf32>
    %add3A = arith.addf %get3A_1, %get3A_4 : vector<1024x128xf32>
    %get3A_5 = arith.constant 0 : index
    %get3A_6 = arith.constant 0 : index
    %get3A_7 = vector.load %arg1[%get3A_5, %get3A_6] : memref<1024x128xf32, #tpu.memory_space<vmem>>, vector<1024x128xf32>
    %get3A_8 = arith.constant 0 : index
    %get3A_9 = arith.constant 0 : index
    %get3A_10 = vector.load %arg4[%get3A_8, %get3A_9] : memref<128x128xf32, #tpu.memory_space<vmem>>, vector<128x128xf32>
    %dot_general3A = arith.constant dense<0.000000e+00> : vector<1024x128xf32>
    %dot_general3A_11 = tpu.matmul %add3A, %get3A_10, %dot_general3A {dimension_numbers = #tpu.dot_dimension_numbers<[1], [0], [0], [1], [0, 0, 1, 1], [], []>, transpose_lhs_hint = false} : vector<1024x128xf32>, vector<128x128xf32>, vector<1024x128xf32> -> vector<1024x128xf32>
    %add3A_12 = arith.addf %get3A_7, %dot_general3A_11 : vector<1024x128xf32>
    %swap3A = arith.constant 0 : index
    %swap3A_13 = arith.constant 0 : index
    %swap3A_14 = vector.load %arg6[%swap3A, %swap3A_13] : memref<1024x128xf32, #tpu.memory_space<vmem>>, vector<1024x128xf32>
    tpu.vector_store %arg6[%swap3A, %swap3A_13], %add3A_12 {strides = array<i32>} : memref<1024x128xf32, #tpu.memory_space<vmem>>, vector<1024x128xf32>,
    %get3A_15 = arith.constant 0 : index
    %get3A_16 = arith.constant 0 : index
    %get3A_17 = vector.load %arg5[%get3A_15, %get3A_16] : memref<128x128xf32, #tpu.memory_space<vmem>>, vector<128x128xf32>
    %dot_general3A_18 = arith.constant dense<0.000000e+00> : vector<1024x128xf32>
    %dot_general3A_19 = tpu.matmul %add3A_12, %get3A_17, %dot_general3A_18 {dimension_numbers = #tpu.dot_dimension_numbers<[1], [0], [0], [1], [0, 0, 1, 1], [], []>, transpose_lhs_hint = false} : vector<1024x128xf32>, vector<128x128xf32>, vector<1024x128xf32> -> vector<1024x128xf32>
    %swap3A_20 = arith.constant 0 : index
    %swap3A_21 = arith.constant 0 : index
    %swap3A_22 = vector.load %arg7[%swap3A_20, %swap3A_21] : memref<1024x128xf32, #tpu.memory_space<vmem>>, vector<1024x128xf32>
    tpu.vector_store %arg7[%swap3A_20, %swap3A_21], %dot_general3A_19 {strides = array<i32>} : memref<1024x128xf32, #tpu.memory_space<vmem>>, vector<1024x128xf32>,
    return
  }
  func.func @transform_0(%arg0: i32) -> (i32, i32) {
    %c0_i32 = arith.constant 0 : i32
    %c0_i32_0 = arith.constant 0 : i32
    return %arg0, %c0_i32 : i32, i32
  }
  func.func @transform_1(%arg0: i32) -> (i32, i32) {
    %c0_i32 = arith.constant 0 : i32
    %c0_i32_0 = arith.constant 0 : i32
    return %arg0, %c0_i32 : i32, i32
  }
  func.func @transform_2(%arg0: i32) -> (i32, i32) {
    %add3A = arith.constant 10 : i32
    %add3A_0 = arith.addi %arg0, %add3A : i32
    %c0_i32 = arith.constant 0 : i32
    %c0_i32_1 = arith.constant 0 : i32
    return %add3A_0, %c0_i32 : i32, i32
  }
  func.func @transform_3(%arg0: i32) -> (i32, i32) {
    %c0_i32 = arith.constant 0 : i32
    %c0_i32_0 = arith.constant 0 : i32
    %c0_i32_1 = arith.constant 0 : i32
    return %c0_i32, %c0_i32_0 : i32, i32
  }
  func.func @transform_4(%arg0: i32) -> (i32, i32) {
    %c0_i32 = arith.constant 0 : i32
    %c0_i32_0 = arith.constant 0 : i32
    %c0_i32_1 = arith.constant 0 : i32
    return %c0_i32, %c0_i32_0 : i32, i32
  }
  func.func @transform_5(%arg0: i32) -> (i32, i32) {
    %c0_i32 = arith.constant 0 : i32
    %c0_i32_0 = arith.constant 0 : i32
    return %arg0, %c0_i32 : i32, i32
  }
  func.func @transform_6(%arg0: i32) -> (i32, i32) {
    %c0_i32 = arith.constant 0 : i32
    %c0_i32_0 = arith.constant 0 : i32
    return %arg0, %c0_i32 : i32, i32
  }
}

module attributes {stable_mosaic.version = 14 : i64} {
  func.func @_edge_geo_body(%arg0: i32, %arg1: memref<2048x3xf32, #tpu.memory_space<vmem>>, %arg2: memref<2048x128xf32, #tpu.memory_space<vmem>>, %arg3: memref<32x32xf32, #tpu.memory_space<vmem>>, %arg4: memref<1x32xf32, #tpu.memory_space<vmem>>, %arg5: memref<32x3xf32, #tpu.memory_space<vmem>>, %arg6: memref<1x3xf32, #tpu.memory_space<vmem>>, %arg7: memref<2048x128xf32, #tpu.memory_space<vmem>>) attributes {dimension_semantics = [#tpu.dimension_semantics<arbitrary>], iteration_bounds = array<i64: 160>, scalar_prefetch = 0 : i64, scratch_operands = 0 : i64, tpu.core_type = #tpu.core_type<tc>, window_params = [{transform_indices = @transform_0, window_bounds = array<i64: 2048, 3>}, {transform_indices = @transform_1, window_bounds = array<i64: 2048, 128>}, {pipeline_mode = #tpu.pipeline_mode<synchronous>, transform_indices = @transform_2, window_bounds = array<i64: 32, 32>}, {pipeline_mode = #tpu.pipeline_mode<synchronous>, transform_indices = @transform_3, window_bounds = array<i64: 1, 32>}, {pipeline_mode = #tpu.pipeline_mode<synchronous>, transform_indices = @transform_4, window_bounds = array<i64: 32, 3>}, {pipeline_mode = #tpu.pipeline_mode<synchronous>, transform_indices = @transform_5, window_bounds = array<i64: 1, 3>}, {transform_indices = @transform_6, window_bounds = array<i64: 2048, 128>}]} {
    %get3A = arith.constant 0 : index
    %get3A_0 = arith.constant 0 : index
    %get3A_1 = vector.load %arg1[%get3A, %get3A_0] : memref<2048x3xf32, #tpu.memory_space<vmem>>, vector<2048x3xf32>
    %mul3A = arith.mulf %get3A_1, %get3A_1 : vector<2048x3xf32>
    %reduce_sum3A = arith.constant dense<0.000000e+00> : vector<2048xf32>
    %reduce_sum3A_2 = vector.multi_reduction <add>, %mul3A, %reduce_sum3A [1] : vector<2048x3xf32> to vector<2048xf32>
    %broadcast_in_dim3A = vector.shape_cast %reduce_sum3A_2 : vector<2048xf32> to vector<2048x1xf32>
    %add3A = arith.constant 9.99999996E-13 : f32
    %add3A_3 = vector.broadcast %add3A : f32 to vector<2048x1xf32>
    %add3A_4 = arith.addf %broadcast_in_dim3A, %add3A_3 : vector<2048x1xf32>
    %sqrt3A = math.sqrt %add3A_4 : vector<2048x1xf32>
    %min3A = arith.constant 5.000000e+00 : f32
    %min3A_5 = vector.broadcast %min3A : f32 to vector<2048x1xf32>
    %min3A_6 = arith.minimumf %sqrt3A, %min3A_5 : vector<2048x1xf32>
    %mul3A_7 = arith.constant 3.14159274 : f32
    %mul3A_8 = vector.broadcast %mul3A_7 : f32 to vector<2048x1xf32>
    %mul3A_9 = arith.mulf %mul3A_8, %min3A_6 : vector<2048x1xf32>
    %div3A = arith.constant 5.000000e+00 : f32
    %div3A_10 = vector.broadcast %div3A : f32 to vector<2048x1xf32>
    %div3A_11 = arith.divf %mul3A_9, %div3A_10 : vector<2048x1xf32>
    %cos3A = math.cos %div3A_11 : vector<2048x1xf32>
    %add3A_12 = arith.constant 1.000000e+00 : f32
    %add3A_13 = vector.broadcast %add3A_12 : f32 to vector<2048x1xf32>
    %add3A_14 = arith.addf %cos3A, %add3A_13 : vector<2048x1xf32>
    %mul3A_15 = arith.constant 5.000000e-01 : f32
    %mul3A_16 = vector.broadcast %mul3A_15 : f32 to vector<2048x1xf32>
    %mul3A_17 = arith.mulf %mul3A_16, %add3A_14 : vector<2048x1xf32>
    %lt3A = arith.constant 5.000000e+00 : f32
    %lt3A_18 = vector.broadcast %lt3A : f32 to vector<2048x1xf32>
    %lt3A_19 = arith.cmpf olt, %sqrt3A, %lt3A_18 : vector<2048x1xf32>
    %convert_element_type3A = arith.extui %lt3A_19 : vector<2048x1xi1> to vector<2048x1xi32>
    %convert_element_type3A_20 = arith.sitofp %convert_element_type3A : vector<2048x1xi32> to vector<2048x1xf32>
    %mul3A_21 = arith.mulf %mul3A_17, %convert_element_type3A_20 : vector<2048x1xf32>
    %iota3A = tpu.iota {dimensions = array<i32: 1>} : vector<1x32xi32>
    %convert_element_type3A_22 = arith.sitofp %iota3A : vector<1x32xi32> to vector<1x32xf32>
    %mul3A_23 = arith.constant 0.161290318 : f32
    %mul3A_24 = vector.broadcast %mul3A_23 : f32 to vector<1x32xf32>
    %mul3A_25 = arith.mulf %convert_element_type3A_22, %mul3A_24 : vector<1x32xf32>
    %sub3A = vector.broadcast %sqrt3A : vector<2048x1xf32> to vector<2048x32xf32>
    %sub3A_26 = vector.broadcast %mul3A_25 : vector<1x32xf32> to vector<2048x32xf32>
    %sub3A_27 = arith.subf %sub3A, %sub3A_26 : vector<2048x32xf32>
    %div3A_28 = arith.constant 1.562500e-01 : f32
    %div3A_29 = vector.broadcast %div3A_28 : f32 to vector<2048x32xf32>
    %div3A_30 = arith.divf %sub3A_27, %div3A_29 : vector<2048x32xf32>
    %integer_pow3A = arith.mulf %div3A_30, %div3A_30 : vector<2048x32xf32>
    %mul3A_31 = arith.constant -5.000000e-01 : f32
    %mul3A_32 = vector.broadcast %mul3A_31 : f32 to vector<2048x32xf32>
    %mul3A_33 = arith.mulf %mul3A_32, %integer_pow3A : vector<2048x32xf32>
    %exp3A = math.exp %mul3A_33 : vector<2048x32xf32>
    %div3A_34 = vector.broadcast %sqrt3A : vector<2048x1xf32> to vector<2048x3xf32>
    %div3A_35 = arith.divf %get3A_1, %div3A_34 : vector<2048x3xf32>
    %get3A_36 = arith.constant 0 : index
    %get3A_37 = arith.constant 0 : index
    %get3A_38 = vector.load %arg3[%get3A_36, %get3A_37] : memref<32x32xf32, #tpu.memory_space<vmem>>, vector<32x32xf32>
    %dot_general3A = arith.constant dense<0.000000e+00> : vector<2048x32xf32>
    %dot_general3A_39 = tpu.matmul %exp3A, %get3A_38, %dot_general3A {dimension_numbers = #tpu.dot_dimension_numbers<[1], [0], [0], [1], [0, 0, 1, 1], [], []>, transpose_lhs_hint = false} : vector<2048x32xf32>, vector<32x32xf32>, vector<2048x32xf32> -> vector<2048x32xf32>
    %get3A_40 = arith.constant 0 : index
    %get3A_41 = arith.constant 0 : index
    %get3A_42 = vector.load %arg4[%get3A_40, %get3A_41] : memref<1x32xf32, #tpu.memory_space<vmem>>, vector<1x32xf32>
    %add3A_43 = vector.broadcast %get3A_42 : vector<1x32xf32> to vector<2048x32xf32>
    %add3A_44 = arith.addf %dot_general3A_39, %add3A_43 : vector<2048x32xf32>
    %neg3A = arith.constant 0.000000e+00 : f32
    %neg3A_45 = vector.broadcast %neg3A : f32 to vector<2048x32xf32>
    %neg3A_46 = arith.subf %neg3A_45, %add3A_44 : vector<2048x32xf32>
    %exp3A_47 = math.exp %neg3A_46 : vector<2048x32xf32>
    %add3A_48 = arith.constant 1.000000e+00 : f32
    %add3A_49 = vector.broadcast %add3A_48 : f32 to vector<2048x32xf32>
    %add3A_50 = arith.addf %add3A_49, %exp3A_47 : vector<2048x32xf32>
    %div3A_51 = arith.divf %add3A_44, %add3A_50 : vector<2048x32xf32>
    %get3A_52 = arith.constant 0 : index
    %get3A_53 = arith.constant 0 : index
    %get3A_54 = vector.load %arg5[%get3A_52, %get3A_53] : memref<32x3xf32, #tpu.memory_space<vmem>>, vector<32x3xf32>
    %dot_general3A_55 = arith.constant dense<0.000000e+00> : vector<2048x3xf32>
    %dot_general3A_56 = tpu.matmul %div3A_51, %get3A_54, %dot_general3A_55 {dimension_numbers = #tpu.dot_dimension_numbers<[1], [0], [0], [1], [0, 0, 1, 1], [], []>, transpose_lhs_hint = false} : vector<2048x32xf32>, vector<32x3xf32>, vector<2048x3xf32> -> vector<2048x3xf32>
    %get3A_57 = arith.constant 0 : index
    %get3A_58 = arith.constant 0 : index
    %get3A_59 = vector.load %arg6[%get3A_57, %get3A_58] : memref<1x3xf32, #tpu.memory_space<vmem>>, vector<1x3xf32>
    %add3A_60 = vector.broadcast %get3A_59 : vector<1x3xf32> to vector<2048x3xf32>
    %add3A_61 = arith.addf %dot_general3A_56, %add3A_60 : vector<2048x3xf32>
    %get3A_62 = arith.constant 0 : index
    %get3A_63 = arith.constant 0 : index
    %get3A_64 = vector.load %arg2[%get3A_62, %get3A_63] : memref<2048x128xf32, #tpu.memory_space<vmem>>, vector<2048x128xf32>
    %slice3A = vector.extract_strided_slice %get3A_64 {offsets = [0, 4], sizes = [2048, 3], strides = [1, 1]} : vector<2048x128xf32> to vector<2048x3xf32>
    %mul3A_65 = arith.mulf %add3A_61, %slice3A : vector<2048x3xf32>
    %mul3A_66 = vector.broadcast %mul3A_21 : vector<2048x1xf32> to vector<2048x3xf32>
    %mul3A_67 = arith.mulf %mul3A_65, %mul3A_66 : vector<2048x3xf32>
    %iota3A_68 = tpu.iota {dimensions = array<i32: 1>} : vector<1x128xi32>
    %slice3A_69 = vector.extract_strided_slice %mul3A_67 {offsets = [0, 0], sizes = [2048, 1], strides = [1, 1]} : vector<2048x3xf32> to vector<2048x1xf32>
    %lt3A_70 = arith.constant 3 : i32
    %lt3A_71 = vector.broadcast %lt3A_70 : i32 to vector<1x128xi32>
    %lt3A_72 = arith.cmpi slt, %iota3A_68, %lt3A_71 : vector<1x128xi32>
    %convert_element_type3A_73 = arith.extui %lt3A_72 : vector<1x128xi1> to vector<1x128xi32>
    %convert_element_type3A_74 = arith.sitofp %convert_element_type3A_73 : vector<1x128xi32> to vector<1x128xf32>
    %mul3A_75 = vector.broadcast %slice3A_69 : vector<2048x1xf32> to vector<2048x128xf32>
    %mul3A_76 = vector.broadcast %convert_element_type3A_74 : vector<1x128xf32> to vector<2048x128xf32>
    %mul3A_77 = arith.mulf %mul3A_75, %mul3A_76 : vector<2048x128xf32>
    %slice3A_78 = vector.extract_strided_slice %mul3A_67 {offsets = [0, 1], sizes = [2048, 1], strides = [1, 1]} : vector<2048x3xf32> to vector<2048x1xf32>
    %ge3A = arith.constant 3 : i32
    %ge3A_79 = vector.broadcast %ge3A : i32 to vector<1x128xi32>
    %ge3A_80 = arith.cmpi sge, %iota3A_68, %ge3A_79 : vector<1x128xi32>
    %lt3A_81 = arith.constant 8 : i32
    %lt3A_82 = vector.broadcast %lt3A_81 : i32 to vector<1x128xi32>
    %lt3A_83 = arith.cmpi slt, %iota3A_68, %lt3A_82 : vector<1x128xi32>
    %and3A = arith.andi %ge3A_80, %lt3A_83 : vector<1x128xi1>
    %convert_element_type3A_84 = arith.extui %and3A : vector<1x128xi1> to vector<1x128xi32>
    %convert_element_type3A_85 = arith.sitofp %convert_element_type3A_84 : vector<1x128xi32> to vector<1x128xf32>
    %mul3A_86 = vector.broadcast %slice3A_78 : vector<2048x1xf32> to vector<2048x128xf32>
    %mul3A_87 = vector.broadcast %convert_element_type3A_85 : vector<1x128xf32> to vector<2048x128xf32>
    %mul3A_88 = arith.mulf %mul3A_86, %mul3A_87 : vector<2048x128xf32>
    %add3A_89 = arith.addf %mul3A_77, %mul3A_88 : vector<2048x128xf32>
    %slice3A_90 = vector.extract_strided_slice %mul3A_67 {offsets = [0, 2], sizes = [2048, 1], strides = [1, 1]} : vector<2048x3xf32> to vector<2048x1xf32>
    %ge3A_91 = arith.constant 8 : i32
    %ge3A_92 = vector.broadcast %ge3A_91 : i32 to vector<1x128xi32>
    %ge3A_93 = arith.cmpi sge, %iota3A_68, %ge3A_92 : vector<1x128xi32>
    %lt3A_94 = arith.constant 15 : i32
    %lt3A_95 = vector.broadcast %lt3A_94 : i32 to vector<1x128xi32>
    %lt3A_96 = arith.cmpi slt, %iota3A_68, %lt3A_95 : vector<1x128xi32>
    %and3A_97 = arith.andi %ge3A_93, %lt3A_96 : vector<1x128xi1>
    %convert_element_type3A_98 = arith.extui %and3A_97 : vector<1x128xi1> to vector<1x128xi32>
    %convert_element_type3A_99 = arith.sitofp %convert_element_type3A_98 : vector<1x128xi32> to vector<1x128xf32>
    %mul3A_100 = vector.broadcast %slice3A_90 : vector<2048x1xf32> to vector<2048x128xf32>
    %mul3A_101 = vector.broadcast %convert_element_type3A_99 : vector<1x128xf32> to vector<2048x128xf32>
    %mul3A_102 = arith.mulf %mul3A_100, %mul3A_101 : vector<2048x128xf32>
    %add3A_103 = arith.addf %add3A_89, %mul3A_102 : vector<2048x128xf32>
    %slice3A_104 = vector.extract_strided_slice %div3A_35 {offsets = [0, 0], sizes = [2048, 1], strides = [1, 1]} : vector<2048x3xf32> to vector<2048x1xf32>
    %slice3A_105 = vector.extract_strided_slice %div3A_35 {offsets = [0, 1], sizes = [2048, 1], strides = [1, 1]} : vector<2048x3xf32> to vector<2048x1xf32>
    %slice3A_106 = vector.extract_strided_slice %div3A_35 {offsets = [0, 2], sizes = [2048, 1], strides = [1, 1]} : vector<2048x3xf32> to vector<2048x1xf32>
    %mul3A_107 = arith.mulf %slice3A_104, %slice3A_104 : vector<2048x1xf32>
    %mul3A_108 = arith.mulf %slice3A_105, %slice3A_105 : vector<2048x1xf32>
    %mul3A_109 = arith.mulf %slice3A_106, %slice3A_106 : vector<2048x1xf32>
    %mul3A_110 = arith.mulf %slice3A_104, %slice3A_105 : vector<2048x1xf32>
    %mul3A_111 = arith.mulf %slice3A_105, %slice3A_106 : vector<2048x1xf32>
    %mul3A_112 = arith.constant 3.000000e+00 : f32
    %mul3A_113 = vector.broadcast %mul3A_112 : f32 to vector<2048x1xf32>
    %mul3A_114 = arith.mulf %mul3A_113, %mul3A_109 : vector<2048x1xf32>
    %sub3A_115 = arith.constant 1.000000e+00 : f32
    %sub3A_116 = vector.broadcast %sub3A_115 : f32 to vector<2048x1xf32>
    %sub3A_117 = arith.subf %mul3A_114, %sub3A_116 : vector<2048x1xf32>
    %mul3A_118 = arith.mulf %slice3A_104, %slice3A_106 : vector<2048x1xf32>
    %sub3A_119 = arith.subf %mul3A_107, %mul3A_108 : vector<2048x1xf32>
    %mul3A_120 = arith.constant 3.000000e+00 : f32
    %mul3A_121 = vector.broadcast %mul3A_120 : f32 to vector<2048x1xf32>
    %mul3A_122 = arith.mulf %mul3A_121, %mul3A_107 : vector<2048x1xf32>
    %sub3A_123 = arith.subf %mul3A_122, %mul3A_108 : vector<2048x1xf32>
    %mul3A_124 = arith.mulf %slice3A_105, %sub3A_123 : vector<2048x1xf32>
    %mul3A_125 = arith.mulf %slice3A_104, %slice3A_105 : vector<2048x1xf32>
    %mul3A_126 = arith.mulf %mul3A_125, %slice3A_106 : vector<2048x1xf32>
    %mul3A_127 = arith.constant 5.000000e+00 : f32
    %mul3A_128 = vector.broadcast %mul3A_127 : f32 to vector<2048x1xf32>
    %mul3A_129 = arith.mulf %mul3A_128, %mul3A_109 : vector<2048x1xf32>
    %sub3A_130 = arith.constant 1.000000e+00 : f32
    %sub3A_131 = vector.broadcast %sub3A_130 : f32 to vector<2048x1xf32>
    %sub3A_132 = arith.subf %mul3A_129, %sub3A_131 : vector<2048x1xf32>
    %mul3A_133 = arith.mulf %slice3A_105, %sub3A_132 : vector<2048x1xf32>
    %mul3A_134 = arith.constant 5.000000e+00 : f32
    %mul3A_135 = vector.broadcast %mul3A_134 : f32 to vector<2048x1xf32>
    %mul3A_136 = arith.mulf %mul3A_135, %mul3A_109 : vector<2048x1xf32>
    %sub3A_137 = arith.constant 3.000000e+00 : f32
    %sub3A_138 = vector.broadcast %sub3A_137 : f32 to vector<2048x1xf32>
    %sub3A_139 = arith.subf %mul3A_136, %sub3A_138 : vector<2048x1xf32>
    %mul3A_140 = arith.mulf %slice3A_106, %sub3A_139 : vector<2048x1xf32>
    %mul3A_141 = arith.constant 5.000000e+00 : f32
    %mul3A_142 = vector.broadcast %mul3A_141 : f32 to vector<2048x1xf32>
    %mul3A_143 = arith.mulf %mul3A_142, %mul3A_109 : vector<2048x1xf32>
    %sub3A_144 = arith.constant 1.000000e+00 : f32
    %sub3A_145 = vector.broadcast %sub3A_144 : f32 to vector<2048x1xf32>
    %sub3A_146 = arith.subf %mul3A_143, %sub3A_145 : vector<2048x1xf32>
    %mul3A_147 = arith.mulf %slice3A_104, %sub3A_146 : vector<2048x1xf32>
    %sub3A_148 = arith.subf %mul3A_107, %mul3A_108 : vector<2048x1xf32>
    %mul3A_149 = arith.mulf %slice3A_106, %sub3A_148 : vector<2048x1xf32>
    %mul3A_150 = arith.constant 3.000000e+00 : f32
    %mul3A_151 = vector.broadcast %mul3A_150 : f32 to vector<2048x1xf32>
    %mul3A_152 = arith.mulf %mul3A_151, %mul3A_108 : vector<2048x1xf32>
    %sub3A_153 = arith.subf %mul3A_107, %mul3A_152 : vector<2048x1xf32>
    %mul3A_154 = arith.mulf %slice3A_104, %sub3A_153 : vector<2048x1xf32>
    %eq3A = arith.constant 0 : i32
    %eq3A_155 = vector.broadcast %eq3A : i32 to vector<1x128xi32>
    %eq3A_156 = arith.cmpi eq, %iota3A_68, %eq3A_155 : vector<1x128xi32>
    %convert_element_type3A_157 = arith.extui %eq3A_156 : vector<1x128xi1> to vector<1x128xi32>
    %convert_element_type3A_158 = arith.sitofp %convert_element_type3A_157 : vector<1x128xi32> to vector<1x128xf32>
    %mul3A_159 = vector.broadcast %slice3A_104 : vector<2048x1xf32> to vector<2048x128xf32>
    %mul3A_160 = vector.broadcast %convert_element_type3A_158 : vector<1x128xf32> to vector<2048x128xf32>
    %mul3A_161 = arith.mulf %mul3A_159, %mul3A_160 : vector<2048x128xf32>
    %eq3A_162 = arith.constant 1 : i32
    %eq3A_163 = vector.broadcast %eq3A_162 : i32 to vector<1x128xi32>
    %eq3A_164 = arith.cmpi eq, %iota3A_68, %eq3A_163 : vector<1x128xi32>
    %convert_element_type3A_165 = arith.extui %eq3A_164 : vector<1x128xi1> to vector<1x128xi32>
    %convert_element_type3A_166 = arith.sitofp %convert_element_type3A_165 : vector<1x128xi32> to vector<1x128xf32>
    %mul3A_167 = vector.broadcast %slice3A_105 : vector<2048x1xf32> to vector<2048x128xf32>
    %mul3A_168 = vector.broadcast %convert_element_type3A_166 : vector<1x128xf32> to vector<2048x128xf32>
    %mul3A_169 = arith.mulf %mul3A_167, %mul3A_168 : vector<2048x128xf32>
    %add3A_170 = arith.addf %mul3A_161, %mul3A_169 : vector<2048x128xf32>
    %eq3A_171 = arith.constant 2 : i32
    %eq3A_172 = vector.broadcast %eq3A_171 : i32 to vector<1x128xi32>
    %eq3A_173 = arith.cmpi eq, %iota3A_68, %eq3A_172 : vector<1x128xi32>
    %convert_element_type3A_174 = arith.extui %eq3A_173 : vector<1x128xi1> to vector<1x128xi32>
    %convert_element_type3A_175 = arith.sitofp %convert_element_type3A_174 : vector<1x128xi32> to vector<1x128xf32>
    %mul3A_176 = vector.broadcast %slice3A_106 : vector<2048x1xf32> to vector<2048x128xf32>
    %mul3A_177 = vector.broadcast %convert_element_type3A_175 : vector<1x128xf32> to vector<2048x128xf32>
    %mul3A_178 = arith.mulf %mul3A_176, %mul3A_177 : vector<2048x128xf32>
    %add3A_179 = arith.addf %add3A_170, %mul3A_178 : vector<2048x128xf32>
    %eq3A_180 = arith.constant 3 : i32
    %eq3A_181 = vector.broadcast %eq3A_180 : i32 to vector<1x128xi32>
    %eq3A_182 = arith.cmpi eq, %iota3A_68, %eq3A_181 : vector<1x128xi32>
    %convert_element_type3A_183 = arith.extui %eq3A_182 : vector<1x128xi1> to vector<1x128xi32>
    %convert_element_type3A_184 = arith.sitofp %convert_element_type3A_183 : vector<1x128xi32> to vector<1x128xf32>
    %mul3A_185 = vector.broadcast %mul3A_110 : vector<2048x1xf32> to vector<2048x128xf32>
    %mul3A_186 = vector.broadcast %convert_element_type3A_184 : vector<1x128xf32> to vector<2048x128xf32>
    %mul3A_187 = arith.mulf %mul3A_185, %mul3A_186 : vector<2048x128xf32>
    %add3A_188 = arith.addf %add3A_179, %mul3A_187 : vector<2048x128xf32>
    %eq3A_189 = arith.constant 4 : i32
    %eq3A_190 = vector.broadcast %eq3A_189 : i32 to vector<1x128xi32>
    %eq3A_191 = arith.cmpi eq, %iota3A_68, %eq3A_190 : vector<1x128xi32>
    %convert_element_type3A_192 = arith.extui %eq3A_191 : vector<1x128xi1> to vector<1x128xi32>
    %convert_element_type3A_193 = arith.sitofp %convert_element_type3A_192 : vector<1x128xi32> to vector<1x128xf32>
    %mul3A_194 = vector.broadcast %mul3A_111 : vector<2048x1xf32> to vector<2048x128xf32>
    %mul3A_195 = vector.broadcast %convert_element_type3A_193 : vector<1x128xf32> to vector<2048x128xf32>
    %mul3A_196 = arith.mulf %mul3A_194, %mul3A_195 : vector<2048x128xf32>
    %add3A_197 = arith.addf %add3A_188, %mul3A_196 : vector<2048x128xf32>
    %eq3A_198 = arith.constant 5 : i32
    %eq3A_199 = vector.broadcast %eq3A_198 : i32 to vector<1x128xi32>
    %eq3A_200 = arith.cmpi eq, %iota3A_68, %eq3A_199 : vector<1x128xi32>
    %convert_element_type3A_201 = arith.extui %eq3A_200 : vector<1x128xi1> to vector<1x128xi32>
    %convert_element_type3A_202 = arith.sitofp %convert_element_type3A_201 : vector<1x128xi32> to vector<1x128xf32>
    %mul3A_203 = vector.broadcast %sub3A_117 : vector<2048x1xf32> to vector<2048x128xf32>
    %mul3A_204 = vector.broadcast %convert_element_type3A_202 : vector<1x128xf32> to vector<2048x128xf32>
    %mul3A_205 = arith.mulf %mul3A_203, %mul3A_204 : vector<2048x128xf32>
    %add3A_206 = arith.addf %add3A_197, %mul3A_205 : vector<2048x128xf32>
    %eq3A_207 = arith.constant 6 : i32
    %eq3A_208 = vector.broadcast %eq3A_207 : i32 to vector<1x128xi32>
    %eq3A_209 = arith.cmpi eq, %iota3A_68, %eq3A_208 : vector<1x128xi32>
    %convert_element_type3A_210 = arith.extui %eq3A_209 : vector<1x128xi1> to vector<1x128xi32>
    %convert_element_type3A_211 = arith.sitofp %convert_element_type3A_210 : vector<1x128xi32> to vector<1x128xf32>
    %mul3A_212 = vector.broadcast %mul3A_118 : vector<2048x1xf32> to vector<2048x128xf32>
    %mul3A_213 = vector.broadcast %convert_element_type3A_211 : vector<1x128xf32> to vector<2048x128xf32>
    %mul3A_214 = arith.mulf %mul3A_212, %mul3A_213 : vector<2048x128xf32>
    %add3A_215 = arith.addf %add3A_206, %mul3A_214 : vector<2048x128xf32>
    %eq3A_216 = arith.constant 7 : i32
    %eq3A_217 = vector.broadcast %eq3A_216 : i32 to vector<1x128xi32>
    %eq3A_218 = arith.cmpi eq, %iota3A_68, %eq3A_217 : vector<1x128xi32>
    %convert_element_type3A_219 = arith.extui %eq3A_218 : vector<1x128xi1> to vector<1x128xi32>
    %convert_element_type3A_220 = arith.sitofp %convert_element_type3A_219 : vector<1x128xi32> to vector<1x128xf32>
    %mul3A_221 = vector.broadcast %sub3A_119 : vector<2048x1xf32> to vector<2048x128xf32>
    %mul3A_222 = vector.broadcast %convert_element_type3A_220 : vector<1x128xf32> to vector<2048x128xf32>
    %mul3A_223 = arith.mulf %mul3A_221, %mul3A_222 : vector<2048x128xf32>
    %add3A_224 = arith.addf %add3A_215, %mul3A_223 : vector<2048x128xf32>
    %eq3A_225 = arith.constant 8 : i32
    %eq3A_226 = vector.broadcast %eq3A_225 : i32 to vector<1x128xi32>
    %eq3A_227 = arith.cmpi eq, %iota3A_68, %eq3A_226 : vector<1x128xi32>
    %convert_element_type3A_228 = arith.extui %eq3A_227 : vector<1x128xi1> to vector<1x128xi32>
    %convert_element_type3A_229 = arith.sitofp %convert_element_type3A_228 : vector<1x128xi32> to vector<1x128xf32>
    %mul3A_230 = vector.broadcast %mul3A_124 : vector<2048x1xf32> to vector<2048x128xf32>
    %mul3A_231 = vector.broadcast %convert_element_type3A_229 : vector<1x128xf32> to vector<2048x128xf32>
    %mul3A_232 = arith.mulf %mul3A_230, %mul3A_231 : vector<2048x128xf32>
    %add3A_233 = arith.addf %add3A_224, %mul3A_232 : vector<2048x128xf32>
    %eq3A_234 = arith.constant 9 : i32
    %eq3A_235 = vector.broadcast %eq3A_234 : i32 to vector<1x128xi32>
    %eq3A_236 = arith.cmpi eq, %iota3A_68, %eq3A_235 : vector<1x128xi32>
    %convert_element_type3A_237 = arith.extui %eq3A_236 : vector<1x128xi1> to vector<1x128xi32>
    %convert_element_type3A_238 = arith.sitofp %convert_element_type3A_237 : vector<1x128xi32> to vector<1x128xf32>
    %mul3A_239 = vector.broadcast %mul3A_126 : vector<2048x1xf32> to vector<2048x128xf32>
    %mul3A_240 = vector.broadcast %convert_element_type3A_238 : vector<1x128xf32> to vector<2048x128xf32>
    %mul3A_241 = arith.mulf %mul3A_239, %mul3A_240 : vector<2048x128xf32>
    %add3A_242 = arith.addf %add3A_233, %mul3A_241 : vector<2048x128xf32>
    %eq3A_243 = arith.constant 10 : i32
    %eq3A_244 = vector.broadcast %eq3A_243 : i32 to vector<1x128xi32>
    %eq3A_245 = arith.cmpi eq, %iota3A_68, %eq3A_244 : vector<1x128xi32>
    %convert_element_type3A_246 = arith.extui %eq3A_245 : vector<1x128xi1> to vector<1x128xi32>
    %convert_element_type3A_247 = arith.sitofp %convert_element_type3A_246 : vector<1x128xi32> to vector<1x128xf32>
    %mul3A_248 = vector.broadcast %mul3A_133 : vector<2048x1xf32> to vector<2048x128xf32>
    %mul3A_249 = vector.broadcast %convert_element_type3A_247 : vector<1x128xf32> to vector<2048x128xf32>
    %mul3A_250 = arith.mulf %mul3A_248, %mul3A_249 : vector<2048x128xf32>
    %add3A_251 = arith.addf %add3A_242, %mul3A_250 : vector<2048x128xf32>
    %eq3A_252 = arith.constant 11 : i32
    %eq3A_253 = vector.broadcast %eq3A_252 : i32 to vector<1x128xi32>
    %eq3A_254 = arith.cmpi eq, %iota3A_68, %eq3A_253 : vector<1x128xi32>
    %convert_element_type3A_255 = arith.extui %eq3A_254 : vector<1x128xi1> to vector<1x128xi32>
    %convert_element_type3A_256 = arith.sitofp %convert_element_type3A_255 : vector<1x128xi32> to vector<1x128xf32>
    %mul3A_257 = vector.broadcast %mul3A_140 : vector<2048x1xf32> to vector<2048x128xf32>
    %mul3A_258 = vector.broadcast %convert_element_type3A_256 : vector<1x128xf32> to vector<2048x128xf32>
    %mul3A_259 = arith.mulf %mul3A_257, %mul3A_258 : vector<2048x128xf32>
    %add3A_260 = arith.addf %add3A_251, %mul3A_259 : vector<2048x128xf32>
    %eq3A_261 = arith.constant 12 : i32
    %eq3A_262 = vector.broadcast %eq3A_261 : i32 to vector<1x128xi32>
    %eq3A_263 = arith.cmpi eq, %iota3A_68, %eq3A_262 : vector<1x128xi32>
    %convert_element_type3A_264 = arith.extui %eq3A_263 : vector<1x128xi1> to vector<1x128xi32>
    %convert_element_type3A_265 = arith.sitofp %convert_element_type3A_264 : vector<1x128xi32> to vector<1x128xf32>
    %mul3A_266 = vector.broadcast %mul3A_147 : vector<2048x1xf32> to vector<2048x128xf32>
    %mul3A_267 = vector.broadcast %convert_element_type3A_265 : vector<1x128xf32> to vector<2048x128xf32>
    %mul3A_268 = arith.mulf %mul3A_266, %mul3A_267 : vector<2048x128xf32>
    %add3A_269 = arith.addf %add3A_260, %mul3A_268 : vector<2048x128xf32>
    %eq3A_270 = arith.constant 13 : i32
    %eq3A_271 = vector.broadcast %eq3A_270 : i32 to vector<1x128xi32>
    %eq3A_272 = arith.cmpi eq, %iota3A_68, %eq3A_271 : vector<1x128xi32>
    %convert_element_type3A_273 = arith.extui %eq3A_272 : vector<1x128xi1> to vector<1x128xi32>
    %convert_element_type3A_274 = arith.sitofp %convert_element_type3A_273 : vector<1x128xi32> to vector<1x128xf32>
    %mul3A_275 = vector.broadcast %mul3A_149 : vector<2048x1xf32> to vector<2048x128xf32>
    %mul3A_276 = vector.broadcast %convert_element_type3A_274 : vector<1x128xf32> to vector<2048x128xf32>
    %mul3A_277 = arith.mulf %mul3A_275, %mul3A_276 : vector<2048x128xf32>
    %add3A_278 = arith.addf %add3A_269, %mul3A_277 : vector<2048x128xf32>
    %eq3A_279 = arith.constant 14 : i32
    %eq3A_280 = vector.broadcast %eq3A_279 : i32 to vector<1x128xi32>
    %eq3A_281 = arith.cmpi eq, %iota3A_68, %eq3A_280 : vector<1x128xi32>
    %convert_element_type3A_282 = arith.extui %eq3A_281 : vector<1x128xi1> to vector<1x128xi32>
    %convert_element_type3A_283 = arith.sitofp %convert_element_type3A_282 : vector<1x128xi32> to vector<1x128xf32>
    %mul3A_284 = vector.broadcast %mul3A_154 : vector<2048x1xf32> to vector<2048x128xf32>
    %mul3A_285 = vector.broadcast %convert_element_type3A_283 : vector<1x128xf32> to vector<2048x128xf32>
    %mul3A_286 = arith.mulf %mul3A_284, %mul3A_285 : vector<2048x128xf32>
    %add3A_287 = arith.addf %add3A_278, %mul3A_286 : vector<2048x128xf32>
    %mul3A_288 = arith.mulf %add3A_103, %add3A_287 : vector<2048x128xf32>
    %swap3A = arith.constant 0 : index
    %swap3A_289 = arith.constant 0 : index
    %swap3A_290 = vector.load %arg7[%swap3A, %swap3A_289] : memref<2048x128xf32, #tpu.memory_space<vmem>>, vector<2048x128xf32>
    tpu.vector_store %arg7[%swap3A, %swap3A_289], %mul3A_288 {strides = array<i32>} : memref<2048x128xf32, #tpu.memory_space<vmem>>, vector<2048x128xf32>,
    return
  }
  func.func @transform_0(%arg0: i32) -> (i32, i32) {
    %c0_i32 = arith.constant 0 : i32
    %c0_i32_0 = arith.constant 0 : i32
    return %arg0, %c0_i32 : i32, i32
  }
  func.func @transform_1(%arg0: i32) -> (i32, i32) {
    %c0_i32 = arith.constant 0 : i32
    %c0_i32_0 = arith.constant 0 : i32
    return %arg0, %c0_i32 : i32, i32
  }
  func.func @transform_2(%arg0: i32) -> (i32, i32) {
    %c0_i32 = arith.constant 0 : i32
    %c0_i32_0 = arith.constant 0 : i32
    %c0_i32_1 = arith.constant 0 : i32
    return %c0_i32, %c0_i32_0 : i32, i32
  }
  func.func @transform_3(%arg0: i32) -> (i32, i32) {
    %c0_i32 = arith.constant 0 : i32
    %c0_i32_0 = arith.constant 0 : i32
    %c0_i32_1 = arith.constant 0 : i32
    return %c0_i32, %c0_i32_0 : i32, i32
  }
  func.func @transform_4(%arg0: i32) -> (i32, i32) {
    %c0_i32 = arith.constant 0 : i32
    %c0_i32_0 = arith.constant 0 : i32
    %c0_i32_1 = arith.constant 0 : i32
    return %c0_i32, %c0_i32_0 : i32, i32
  }
  func.func @transform_5(%arg0: i32) -> (i32, i32) {
    %c0_i32 = arith.constant 0 : i32
    %c0_i32_0 = arith.constant 0 : i32
    %c0_i32_1 = arith.constant 0 : i32
    return %c0_i32, %c0_i32_0 : i32, i32
  }
  func.func @transform_6(%arg0: i32) -> (i32, i32) {
    %c0_i32 = arith.constant 0 : i32
    %c0_i32_0 = arith.constant 0 : i32
    return %arg0, %c0_i32 : i32, i32
  }
}

module attributes {stable_mosaic.version = 14 : i64} {
  func.func @_node_final_body(%arg0: i32, %arg1: memref<1024x128xf32, #tpu.memory_space<vmem>>, %arg2: memref<1024x128xf32, #tpu.memory_space<vmem>>, %arg3: memref<1024x128xf32, #tpu.memory_space<vmem>>, %arg4: memref<1024x128xf32, #tpu.memory_space<vmem>>, %arg5: memref<1024x1xi32, #tpu.memory_space<vmem>>, %arg6: memref<128x128xf32, #tpu.memory_space<vmem>>, %arg7: memref<8x128xf32, #tpu.memory_space<vmem>>, %arg8: memref<1x128xf32, #tpu.memory_space<vmem>>, %arg9: memref<128x128xf32, #tpu.memory_space<vmem>>, %arg10: memref<1x128xf32, #tpu.memory_space<vmem>>, %arg11: memref<128x64xf32, #tpu.memory_space<vmem>>, %arg12: memref<1x64xf32, #tpu.memory_space<vmem>>, %arg13: memref<64x1xf32, #tpu.memory_space<vmem>>, %arg14: memref<1x1xf32, #tpu.memory_space<vmem>>, %arg15: memref<128x8xf32, #tpu.memory_space<vmem>>, %arg16: memref<1024x1xf32, #tpu.memory_space<vmem>>) attributes {dimension_semantics = [#tpu.dimension_semantics<arbitrary>], iteration_bounds = array<i64: 10>, scalar_prefetch = 0 : i64, scratch_operands = 0 : i64, tpu.core_type = #tpu.core_type<tc>, window_params = [{transform_indices = @transform_0, window_bounds = array<i64: 1024, 128>}, {transform_indices = @transform_1, window_bounds = array<i64: 1024, 128>}, {transform_indices = @transform_2, window_bounds = array<i64: 1024, 128>}, {transform_indices = @transform_3, window_bounds = array<i64: 1024, 128>}, {transform_indices = @transform_4, window_bounds = array<i64: 1024, 1>}, {pipeline_mode = #tpu.pipeline_mode<synchronous>, transform_indices = @transform_5, window_bounds = array<i64: 128, 128>}, {pipeline_mode = #tpu.pipeline_mode<synchronous>, transform_indices = @transform_6, window_bounds = array<i64: 8, 128>}, {pipeline_mode = #tpu.pipeline_mode<synchronous>, transform_indices = @transform_7, window_bounds = array<i64: 1, 128>}, {pipeline_mode = #tpu.pipeline_mode<synchronous>, transform_indices = @transform_8, window_bounds = array<i64: 128, 128>}, {pipeline_mode = #tpu.pipeline_mode<synchronous>, transform_indices = @transform_9, window_bounds = array<i64: 1, 128>}, {pipeline_mode = #tpu.pipeline_mode<synchronous>, transform_indices = @transform_10, window_bounds = array<i64: 128, 64>}, {pipeline_mode = #tpu.pipeline_mode<synchronous>, transform_indices = @transform_11, window_bounds = array<i64: 1, 64>}, {pipeline_mode = #tpu.pipeline_mode<synchronous>, transform_indices = @transform_12, window_bounds = array<i64: 64, 1>}, {pipeline_mode = #tpu.pipeline_mode<synchronous>, transform_indices = @transform_13, window_bounds = array<i64: 1, 1>}, {pipeline_mode = #tpu.pipeline_mode<synchronous>, transform_indices = @transform_14, window_bounds = array<i64: 128, 8>}, {transform_indices = @transform_15, window_bounds = array<i64: 1024, 1>}]} {
    %get3A = arith.constant 0 : index
    %get3A_0 = arith.constant 0 : index
    %get3A_1 = vector.load %arg4[%get3A, %get3A_0] : memref<1024x128xf32, #tpu.memory_space<vmem>>, vector<1024x128xf32>
    %iota3A = tpu.iota {dimensions = array<i32: 1>} : vector<1x128xi32>
    %slice3A = vector.extract_strided_slice %get3A_1 {offsets = [0, 0], sizes = [1024, 1], strides = [1, 1]} : vector<1024x128xf32> to vector<1024x1xf32>
    %lt3A = arith.constant 3 : i32
    %lt3A_2 = vector.broadcast %lt3A : i32 to vector<1x128xi32>
    %lt3A_3 = arith.cmpi slt, %iota3A, %lt3A_2 : vector<1x128xi32>
    %convert_element_type3A = arith.extui %lt3A_3 : vector<1x128xi1> to vector<1x128xi32>
    %convert_element_type3A_4 = arith.sitofp %convert_element_type3A : vector<1x128xi32> to vector<1x128xf32>
    %mul3A = vector.broadcast %slice3A : vector<1024x1xf32> to vector<1024x128xf32>
    %mul3A_5 = vector.broadcast %convert_element_type3A_4 : vector<1x128xf32> to vector<1024x128xf32>
    %mul3A_6 = arith.mulf %mul3A, %mul3A_5 : vector<1024x128xf32>
    %slice3A_7 = vector.extract_strided_slice %get3A_1 {offsets = [0, 1], sizes = [1024, 1], strides = [1, 1]} : vector<1024x128xf32> to vector<1024x1xf32>
    %ge3A = arith.constant 3 : i32
    %ge3A_8 = vector.broadcast %ge3A : i32 to vector<1x128xi32>
    %ge3A_9 = arith.cmpi sge, %iota3A, %ge3A_8 : vector<1x128xi32>
    %lt3A_10 = arith.constant 8 : i32
    %lt3A_11 = vector.broadcast %lt3A_10 : i32 to vector<1x128xi32>
    %lt3A_12 = arith.cmpi slt, %iota3A, %lt3A_11 : vector<1x128xi32>
    %and3A = arith.andi %ge3A_9, %lt3A_12 : vector<1x128xi1>
    %convert_element_type3A_13 = arith.extui %and3A : vector<1x128xi1> to vector<1x128xi32>
    %convert_element_type3A_14 = arith.sitofp %convert_element_type3A_13 : vector<1x128xi32> to vector<1x128xf32>
    %mul3A_15 = vector.broadcast %slice3A_7 : vector<1024x1xf32> to vector<1024x128xf32>
    %mul3A_16 = vector.broadcast %convert_element_type3A_14 : vector<1x128xf32> to vector<1024x128xf32>
    %mul3A_17 = arith.mulf %mul3A_15, %mul3A_16 : vector<1024x128xf32>
    %add3A = arith.addf %mul3A_6, %mul3A_17 : vector<1024x128xf32>
    %slice3A_18 = vector.extract_strided_slice %get3A_1 {offsets = [0, 2], sizes = [1024, 1], strides = [1, 1]} : vector<1024x128xf32> to vector<1024x1xf32>
    %ge3A_19 = arith.constant 8 : i32
    %ge3A_20 = vector.broadcast %ge3A_19 : i32 to vector<1x128xi32>
    %ge3A_21 = arith.cmpi sge, %iota3A, %ge3A_20 : vector<1x128xi32>
    %lt3A_22 = arith.constant 15 : i32
    %lt3A_23 = vector.broadcast %lt3A_22 : i32 to vector<1x128xi32>
    %lt3A_24 = arith.cmpi slt, %iota3A, %lt3A_23 : vector<1x128xi32>
    %and3A_25 = arith.andi %ge3A_21, %lt3A_24 : vector<1x128xi1>
    %convert_element_type3A_26 = arith.extui %and3A_25 : vector<1x128xi1> to vector<1x128xi32>
    %convert_element_type3A_27 = arith.sitofp %convert_element_type3A_26 : vector<1x128xi32> to vector<1x128xf32>
    %mul3A_28 = vector.broadcast %slice3A_18 : vector<1024x1xf32> to vector<1024x128xf32>
    %mul3A_29 = vector.broadcast %convert_element_type3A_27 : vector<1x128xf32> to vector<1024x128xf32>
    %mul3A_30 = arith.mulf %mul3A_28, %mul3A_29 : vector<1024x128xf32>
    %add3A_31 = arith.addf %add3A, %mul3A_30 : vector<1024x128xf32>
    %get3A_32 = arith.constant 0 : index
    %get3A_33 = arith.constant 0 : index
    %get3A_34 = vector.load %arg2[%get3A_32, %get3A_33] : memref<1024x128xf32, #tpu.memory_space<vmem>>, vector<1024x128xf32>
    %get3A_35 = arith.constant 0 : index
    %get3A_36 = arith.constant 0 : index
    %get3A_37 = vector.load %arg3[%get3A_35, %get3A_36] : memref<1024x128xf32, #tpu.memory_space<vmem>>, vector<1024x128xf32>
    %add3A_38 = arith.addf %get3A_34, %get3A_37 : vector<1024x128xf32>
    %mul3A_39 = arith.mulf %add3A_38, %add3A_31 : vector<1024x128xf32>
    %slice3A_40 = vector.extract_strided_slice %mul3A_39 {offsets = [0, 0], sizes = [1024, 3], strides = [1, 1]} : vector<1024x128xf32> to vector<1024x3xf32>
    %integer_pow3A = arith.mulf %slice3A_40, %slice3A_40 : vector<1024x3xf32>
    %reduce_sum3A = arith.constant dense<0.000000e+00> : vector<1024xf32>
    %reduce_sum3A_41 = vector.multi_reduction <add>, %integer_pow3A, %reduce_sum3A [1] : vector<1024x3xf32> to vector<1024xf32>
    %broadcast_in_dim3A = vector.shape_cast %reduce_sum3A_41 : vector<1024xf32> to vector<1024x1xf32>
    %slice3A_42 = vector.extract_strided_slice %mul3A_39 {offsets = [0, 3], sizes = [1024, 5], strides = [1, 1]} : vector<1024x128xf32> to vector<1024x5xf32>
    %integer_pow3A_43 = arith.mulf %slice3A_42, %slice3A_42 : vector<1024x5xf32>
    %reduce_sum3A_44 = arith.constant dense<0.000000e+00> : vector<1024xf32>
    %reduce_sum3A_45 = vector.multi_reduction <add>, %integer_pow3A_43, %reduce_sum3A_44 [1] : vector<1024x5xf32> to vector<1024xf32>
    %broadcast_in_dim3A_46 = vector.shape_cast %reduce_sum3A_45 : vector<1024xf32> to vector<1024x1xf32>
    %slice3A_47 = vector.extract_strided_slice %mul3A_39 {offsets = [0, 8], sizes = [1024, 7], strides = [1, 1]} : vector<1024x128xf32> to vector<1024x7xf32>
    %integer_pow3A_48 = arith.mulf %slice3A_47, %slice3A_47 : vector<1024x7xf32>
    %reduce_sum3A_49 = arith.constant dense<0.000000e+00> : vector<1024xf32>
    %reduce_sum3A_50 = vector.multi_reduction <add>, %integer_pow3A_48, %reduce_sum3A_49 [1] : vector<1024x7xf32> to vector<1024xf32>
    %broadcast_in_dim3A_51 = vector.shape_cast %reduce_sum3A_50 : vector<1024xf32> to vector<1024x1xf32>
    %get3A_52 = arith.constant 0 : index
    %get3A_53 = arith.constant 0 : index
    %get3A_54 = vector.load %arg1[%get3A_52, %get3A_53] : memref<1024x128xf32, #tpu.memory_space<vmem>>, vector<1024x128xf32>
    %get3A_55 = arith.constant 0 : index
    %get3A_56 = arith.constant 0 : index
    %get3A_57 = vector.load %arg7[%get3A_55, %get3A_56] : memref<8x128xf32, #tpu.memory_space<vmem>>, vector<8x128xf32>
    %get3A_58 = arith.constant 0 : index
    %get3A_59 = arith.constant 0 : index
    %get3A_60 = vector.load %arg6[%get3A_58, %get3A_59] : memref<128x128xf32, #tpu.memory_space<vmem>>, vector<128x128xf32>
    %dot_general3A = arith.constant dense<0.000000e+00> : vector<1024x128xf32>
    %dot_general3A_61 = tpu.matmul %get3A_54, %get3A_60, %dot_general3A {dimension_numbers = #tpu.dot_dimension_numbers<[1], [0], [0], [1], [0, 0, 1, 1], [], []>, transpose_lhs_hint = false} : vector<1024x128xf32>, vector<128x128xf32>, vector<1024x128xf32> -> vector<1024x128xf32>
    %slice3A_62 = vector.extract_strided_slice %get3A_57 {offsets = [0, 0], sizes = [1, 128], strides = [1, 1]} : vector<8x128xf32> to vector<1x128xf32>
    %mul3A_63 = vector.broadcast %broadcast_in_dim3A : vector<1024x1xf32> to vector<1024x128xf32>
    %mul3A_64 = vector.broadcast %slice3A_62 : vector<1x128xf32> to vector<1024x128xf32>
    %mul3A_65 = arith.mulf %mul3A_63, %mul3A_64 : vector<1024x128xf32>
    %add3A_66 = arith.addf %dot_general3A_61, %mul3A_65 : vector<1024x128xf32>
    %slice3A_67 = vector.extract_strided_slice %get3A_57 {offsets = [1, 0], sizes = [1, 128], strides = [1, 1]} : vector<8x128xf32> to vector<1x128xf32>
    %mul3A_68 = vector.broadcast %broadcast_in_dim3A_46 : vector<1024x1xf32> to vector<1024x128xf32>
    %mul3A_69 = vector.broadcast %slice3A_67 : vector<1x128xf32> to vector<1024x128xf32>
    %mul3A_70 = arith.mulf %mul3A_68, %mul3A_69 : vector<1024x128xf32>
    %add3A_71 = arith.addf %add3A_66, %mul3A_70 : vector<1024x128xf32>
    %slice3A_72 = vector.extract_strided_slice %get3A_57 {offsets = [2, 0], sizes = [1, 128], strides = [1, 1]} : vector<8x128xf32> to vector<1x128xf32>
    %mul3A_73 = vector.broadcast %broadcast_in_dim3A_51 : vector<1024x1xf32> to vector<1024x128xf32>
    %mul3A_74 = vector.broadcast %slice3A_72 : vector<1x128xf32> to vector<1024x128xf32>
    %mul3A_75 = arith.mulf %mul3A_73, %mul3A_74 : vector<1024x128xf32>
    %add3A_76 = arith.addf %add3A_71, %mul3A_75 : vector<1024x128xf32>
    %get3A_77 = arith.constant 0 : index
    %get3A_78 = arith.constant 0 : index
    %get3A_79 = vector.load %arg8[%get3A_77, %get3A_78] : memref<1x128xf32, #tpu.memory_space<vmem>>, vector<1x128xf32>
    %add3A_80 = vector.broadcast %get3A_79 : vector<1x128xf32> to vector<1024x128xf32>
    %add3A_81 = arith.addf %add3A_76, %add3A_80 : vector<1024x128xf32>
    %neg3A = arith.constant 0.000000e+00 : f32
    %neg3A_82 = vector.broadcast %neg3A : f32 to vector<1024x128xf32>
    %neg3A_83 = arith.subf %neg3A_82, %add3A_81 : vector<1024x128xf32>
    %exp3A = math.exp %neg3A_83 : vector<1024x128xf32>
    %add3A_84 = arith.constant 1.000000e+00 : f32
    %add3A_85 = vector.broadcast %add3A_84 : f32 to vector<1024x128xf32>
    %add3A_86 = arith.addf %add3A_85, %exp3A : vector<1024x128xf32>
    %div3A = arith.divf %add3A_81, %add3A_86 : vector<1024x128xf32>
    %get3A_87 = arith.constant 0 : index
    %get3A_88 = arith.constant 0 : index
    %get3A_89 = vector.load %arg9[%get3A_87, %get3A_88] : memref<128x128xf32, #tpu.memory_space<vmem>>, vector<128x128xf32>
    %dot_general3A_90 = arith.constant dense<0.000000e+00> : vector<1024x128xf32>
    %dot_general3A_91 = tpu.matmul %div3A, %get3A_89, %dot_general3A_90 {dimension_numbers = #tpu.dot_dimension_numbers<[1], [0], [0], [1], [0, 0, 1, 1], [], []>, transpose_lhs_hint = false} : vector<1024x128xf32>, vector<128x128xf32>, vector<1024x128xf32> -> vector<1024x128xf32>
    %add3A_92 = arith.addf %get3A_54, %dot_general3A_91 : vector<1024x128xf32>
    %get3A_93 = arith.constant 0 : index
    %get3A_94 = arith.constant 0 : index
    %get3A_95 = vector.load %arg10[%get3A_93, %get3A_94] : memref<1x128xf32, #tpu.memory_space<vmem>>, vector<1x128xf32>
    %add3A_96 = vector.broadcast %get3A_95 : vector<1x128xf32> to vector<1024x128xf32>
    %add3A_97 = arith.addf %add3A_92, %add3A_96 : vector<1024x128xf32>
    %get3A_98 = arith.constant 0 : index
    %get3A_99 = arith.constant 0 : index
    %get3A_100 = vector.load %arg11[%get3A_98, %get3A_99] : memref<128x64xf32, #tpu.memory_space<vmem>>, vector<128x64xf32>
    %dot_general3A_101 = arith.constant dense<0.000000e+00> : vector<1024x64xf32>
    %dot_general3A_102 = tpu.matmul %add3A_97, %get3A_100, %dot_general3A_101 {dimension_numbers = #tpu.dot_dimension_numbers<[1], [0], [0], [1], [0, 0, 1, 1], [], []>, transpose_lhs_hint = false} : vector<1024x128xf32>, vector<128x64xf32>, vector<1024x64xf32> -> vector<1024x64xf32>
    %get3A_103 = arith.constant 0 : index
    %get3A_104 = arith.constant 0 : index
    %get3A_105 = vector.load %arg12[%get3A_103, %get3A_104] : memref<1x64xf32, #tpu.memory_space<vmem>>, vector<1x64xf32>
    %add3A_106 = vector.broadcast %get3A_105 : vector<1x64xf32> to vector<1024x64xf32>
    %add3A_107 = arith.addf %dot_general3A_102, %add3A_106 : vector<1024x64xf32>
    %neg3A_108 = arith.constant 0.000000e+00 : f32
    %neg3A_109 = vector.broadcast %neg3A_108 : f32 to vector<1024x64xf32>
    %neg3A_110 = arith.subf %neg3A_109, %add3A_107 : vector<1024x64xf32>
    %exp3A_111 = math.exp %neg3A_110 : vector<1024x64xf32>
    %add3A_112 = arith.constant 1.000000e+00 : f32
    %add3A_113 = vector.broadcast %add3A_112 : f32 to vector<1024x64xf32>
    %add3A_114 = arith.addf %add3A_113, %exp3A_111 : vector<1024x64xf32>
    %div3A_115 = arith.divf %add3A_107, %add3A_114 : vector<1024x64xf32>
    %get3A_116 = arith.constant 0 : index
    %get3A_117 = arith.constant 0 : index
    %get3A_118 = vector.load %arg13[%get3A_116, %get3A_117] : memref<64x1xf32, #tpu.memory_space<vmem>>, vector<64x1xf32>
    %dot_general3A_119 = arith.constant dense<0.000000e+00> : vector<1024x1xf32>
    %dot_general3A_120 = tpu.matmul %div3A_115, %get3A_118, %dot_general3A_119 {dimension_numbers = #tpu.dot_dimension_numbers<[1], [0], [0], [1], [0, 0, 1, 1], [], []>, transpose_lhs_hint = false} : vector<1024x64xf32>, vector<64x1xf32>, vector<1024x1xf32> -> vector<1024x1xf32>
    %get3A_121 = arith.constant 0 : index
    %get3A_122 = arith.constant 0 : index
    %get3A_123 = vector.load %arg14[%get3A_121, %get3A_122] : memref<1x1xf32, #tpu.memory_space<vmem>>, vector<1x1xf32>
    %add3A_124 = vector.broadcast %get3A_123 : vector<1x1xf32> to vector<1024x1xf32>
    %add3A_125 = arith.addf %dot_general3A_120, %add3A_124 : vector<1024x1xf32>
    %get3A_126 = arith.constant 0 : index
    %get3A_127 = arith.constant 0 : index
    %get3A_128 = vector.load %arg5[%get3A_126, %get3A_127] : memref<1024x1xi32, #tpu.memory_space<vmem>>, vector<1024x1xi32>
    %gt3A = arith.constant 0 : i32
    %gt3A_129 = vector.broadcast %gt3A : i32 to vector<1024x1xi32>
    %gt3A_130 = arith.cmpi sgt, %get3A_128, %gt3A_129 : vector<1024x1xi32>
    %convert_element_type3A_131 = arith.extui %gt3A_130 : vector<1024x1xi1> to vector<1024x1xi32>
    %convert_element_type3A_132 = arith.sitofp %convert_element_type3A_131 : vector<1024x1xi32> to vector<1024x1xf32>
    %iota3A_133 = tpu.iota {dimensions = array<i32: 1>} : vector<1024x128xi32>
    %eq3A = vector.broadcast %get3A_128 : vector<1024x1xi32> to vector<1024x128xi32>
    %eq3A_134 = arith.cmpi eq, %iota3A_133, %eq3A : vector<1024x128xi32>
    %convert_element_type3A_135 = arith.extui %eq3A_134 : vector<1024x128xi1> to vector<1024x128xi32>
    %convert_element_type3A_136 = arith.sitofp %convert_element_type3A_135 : vector<1024x128xi32> to vector<1024x128xf32>
    %get3A_137 = arith.constant 0 : index
    %get3A_138 = arith.constant 0 : index
    %get3A_139 = vector.load %arg15[%get3A_137, %get3A_138] : memref<128x8xf32, #tpu.memory_space<vmem>>, vector<128x8xf32>
    %dot_general3A_140 = arith.constant dense<0.000000e+00> : vector<1024x8xf32>
    %dot_general3A_141 = tpu.matmul %convert_element_type3A_136, %get3A_139, %dot_general3A_140 {dimension_numbers = #tpu.dot_dimension_numbers<[1], [0], [0], [1], [0, 0, 1, 1], [], []>, transpose_lhs_hint = false} : vector<1024x128xf32>, vector<128x8xf32>, vector<1024x8xf32> -> vector<1024x8xf32>
    %slice3A_142 = vector.extract_strided_slice %dot_general3A_141 {offsets = [0, 0], sizes = [1024, 1], strides = [1, 1]} : vector<1024x8xf32> to vector<1024x1xf32>
    %mul3A_143 = arith.mulf %add3A_125, %convert_element_type3A_132 : vector<1024x1xf32>
    %mul3A_144 = arith.mulf %slice3A_142, %mul3A_143 : vector<1024x1xf32>
    %slice3A_145 = vector.extract_strided_slice %dot_general3A_141 {offsets = [0, 1], sizes = [1024, 1], strides = [1, 1]} : vector<1024x8xf32> to vector<1024x1xf32>
    %add3A_146 = arith.addf %mul3A_144, %slice3A_145 : vector<1024x1xf32>
    %swap3A = arith.constant 0 : index
    %swap3A_147 = arith.constant 0 : index
    %swap3A_148 = vector.load %arg16[%swap3A, %swap3A_147] : memref<1024x1xf32, #tpu.memory_space<vmem>>, vector<1024x1xf32>
    tpu.vector_store %arg16[%swap3A, %swap3A_147], %add3A_146 {strides = array<i32>} : memref<1024x1xf32, #tpu.memory_space<vmem>>, vector<1024x1xf32>,
    return
  }
  func.func @transform_0(%arg0: i32) -> (i32, i32) {
    %c0_i32 = arith.constant 0 : i32
    %c0_i32_0 = arith.constant 0 : i32
    return %arg0, %c0_i32 : i32, i32
  }
  func.func @transform_1(%arg0: i32) -> (i32, i32) {
    %c0_i32 = arith.constant 0 : i32
    %c0_i32_0 = arith.constant 0 : i32
    return %arg0, %c0_i32 : i32, i32
  }
  func.func @transform_2(%arg0: i32) -> (i32, i32) {
    %add3A = arith.constant 10 : i32
    %add3A_0 = arith.addi %arg0, %add3A : i32
    %c0_i32 = arith.constant 0 : i32
    %c0_i32_1 = arith.constant 0 : i32
    return %add3A_0, %c0_i32 : i32, i32
  }
  func.func @transform_3(%arg0: i32) -> (i32, i32) {
    %c0_i32 = arith.constant 0 : i32
    %c0_i32_0 = arith.constant 0 : i32
    return %arg0, %c0_i32 : i32, i32
  }
  func.func @transform_4(%arg0: i32) -> (i32, i32) {
    %c0_i32 = arith.constant 0 : i32
    %c0_i32_0 = arith.constant 0 : i32
    return %arg0, %c0_i32 : i32, i32
  }
  func.func @transform_5(%arg0: i32) -> (i32, i32) {
    %c0_i32 = arith.constant 0 : i32
    %c0_i32_0 = arith.constant 0 : i32
    %c0_i32_1 = arith.constant 0 : i32
    return %c0_i32, %c0_i32_0 : i32, i32
  }
  func.func @transform_6(%arg0: i32) -> (i32, i32) {
    %c0_i32 = arith.constant 0 : i32
    %c0_i32_0 = arith.constant 0 : i32
    %c0_i32_1 = arith.constant 0 : i32
    return %c0_i32, %c0_i32_0 : i32, i32
  }
  func.func @transform_7(%arg0: i32) -> (i32, i32) {
    %c0_i32 = arith.constant 0 : i32
    %c0_i32_0 = arith.constant 0 : i32
    %c0_i32_1 = arith.constant 0 : i32
    return %c0_i32, %c0_i32_0 : i32, i32
  }
  func.func @transform_8(%arg0: i32) -> (i32, i32) {
    %c0_i32 = arith.constant 0 : i32
    %c0_i32_0 = arith.constant 0 : i32
    %c0_i32_1 = arith.constant 0 : i32
    return %c0_i32, %c0_i32_0 : i32, i32
  }
  func.func @transform_9(%arg0: i32) -> (i32, i32) {
    %c0_i32 = arith.constant 0 : i32
    %c0_i32_0 = arith.constant 0 : i32
    %c0_i32_1 = arith.constant 0 : i32
    return %c0_i32, %c0_i32_0 : i32, i32
  }
  func.func @transform_10(%arg0: i32) -> (i32, i32) {
    %c0_i32 = arith.constant 0 : i32
    %c0_i32_0 = arith.constant 0 : i32
    %c0_i32_1 = arith.constant 0 : i32
    return %c0_i32, %c0_i32_0 : i32, i32
  }
  func.func @transform_11(%arg0: i32) -> (i32, i32) {
    %c0_i32 = arith.constant 0 : i32
    %c0_i32_0 = arith.constant 0 : i32
    %c0_i32_1 = arith.constant 0 : i32
    return %c0_i32, %c0_i32_0 : i32, i32
  }
  func.func @transform_12(%arg0: i32) -> (i32, i32) {
    %c0_i32 = arith.constant 0 : i32
    %c0_i32_0 = arith.constant 0 : i32
    %c0_i32_1 = arith.constant 0 : i32
    return %c0_i32, %c0_i32_0 : i32, i32
  }
  func.func @transform_13(%arg0: i32) -> (i32, i32) {
    %c0_i32 = arith.constant 0 : i32
    %c0_i32_0 = arith.constant 0 : i32
    %c0_i32_1 = arith.constant 0 : i32
    return %c0_i32, %c0_i32_0 : i32, i32
  }
  func.func @transform_14(%arg0: i32) -> (i32, i32) {
    %c0_i32 = arith.constant 0 : i32
    %c0_i32_0 = arith.constant 0 : i32
    %c0_i32_1 = arith.constant 0 : i32
    return %c0_i32, %c0_i32_0 : i32, i32
  }
  func.func @transform_15(%arg0: i32) -> (i32, i32) {
    %c0_i32 = arith.constant 0 : i32
    %c0_i32_0 = arith.constant 0 : i32
    return %arg0, %c0_i32 : i32, i32
  }
}

</mosaic_0001>

<sc_bundles>
// kernel: sc_gather_geo.3.cloned.1.call-start
scs
__scs_entry_jumppad:
0x0: {  	(pc) =	sbr.rel $0x88, $3  }
0x1: {  	(tag) =	ssettag $0x0;
	lr =	simm.s32 $0x1  }
0x2: {  	[smem:$0x3F85] =	sst lr;
	_ =	strace $0xD0000000  }
0x3: {  	_ = 	snop  }
0x4: {  	_ = 	snop  }
0x5: {  	_ = 	snop  }
0x6: {  	_ = 	snop  }
0x7: {  	_ = 	snop  }
__scs_overlays_trampoline_lowered:
0x8: {  	[smem:$0x3F94] =	sst s0  }
0x9: {  	[smem:$0x3F95] =	sst s1  }
0xa: {  	[smem:$0x3F96] =	sst s2  }
0xb: {  	[smem:$0x3F97] =	sst s3  }
0xc: {  	[smem:$0x3F98] =	sst s4  }
0xd: {  	[smem:$0x3F99] =	sst s5  }
0xe: {  	[smem:$0x3F9A] =	sst s6  }
0xf: {  	[smem:$0x3F9B] =	sst s7  }
0x10: {  	[smem:$0x3F9C] =	sst s8  }
0x11: {  	[smem:$0x3F9D] =	sst s9;
	s0 =	simm.s32 @!p0 $0x0  }
0x12: {  	s1 =	sld [smem:$0x3F83];
	s0 =	simm.s32 @p0 $0x1  }
0x13: {  	[smem:$0x3F9E] =	sst s0;
	s0 =	simm.s32 @!p1 $0x0  }
0x14: {  	s2 =	sld [smem:$0x3F82];
	s0 =	simm.s32 @p1 $0x1  }
0x15: {  	[smem:$0x3F9F] =	sst s0;
	s0 =	simm.s32 @!p2 $0x0  }
0x16: {  	s3 =	sld [smem:$0x3FDB];
	s0 =	simm.s32 @p2 $0x1  }
0x17: {  	s4 =	simm.s32 $0x1BF5;
	[smem:$0x3FA1] =	sst s0  }
0x18: {  	s0 =	sld [smem:$0x3F84];
	_ =	swait.ge [sflag:s4], $0x0  }
0x19: {  	s7 =	sld [smem:$0x3F85]  }
0x1a: {  	s8 =	sadd.s32 $0xFFFFE003, lr  }
0x1b: {  	s9 =	sadd.s32 $0xFFFFFEF7, lr;
	s5 =	simm.s32 $0xFFFFFFFF;
	p2 =	slt.u32 s8, $0xFFFFF086  }
0x1c: {  	p1 =	slt.u32 s9, $0xF7A;
	s5 =	simm.s32 @!p2 $0x0  }
0x1d: {  	s5 =	simm.s32 @p1 $0x1;
	p0 =	seq.s32 s7, s2  }
0x1e: {  	s7 =	smul.u32 @!p0 $0xF7A, s2;
	p2 =	seq.s32 @!p0 s5, $0x0  }
0x1f: {  	s9 =	smul.u32 $0xF7A, s1;
	s8 =	simm.s32 @!p0 $0x1BF5;
	p2 =	por !p2, p0  }
0x20: {  	[sflag:s8] =	ssyncset.s32 @!p0 $0xFFFFF086;
	s6 =	sadd.s32 @!p0 s3, s7;
	s7 =	simm.s32 @!p0 $0x108  }
0x21: {  	s3 =	sadd.s32 s3, s9;
	s6 =	sadd.s32 @!p0 $0x88, s6;
	s7 =	simm.s32 @p2 $0x1082  }
0x22: {  	[simem:s7], [sflag:s8] =	dma.local @!p0 [hbm:s6], $0xF7A  }
0x23: {  	s9 =	sor.u32 $0xD0000000, s2;
	s6 =	simm.s32 $0x108;
	_ =	swait.ge @!p0 [sflag:s8], $0x0  }
0x24: {  	s3 =	sadd.s32 $0x88, s3;
	s6 =	simm.s32 @!p1 $0x1082;
	[sflag:s4] =	ssyncset.s32 $0xFFFFF086  }
0x25: {  	[simem:s6], [sflag:s4] =	dma.local [hbm:s3], $0xF7A  }
0x26: {  	[smem:$0x3F85] =	sst s1;
	(tag) =	ssettag s2;
	_ =	strace s9  }
0x27: {  	s1 =	sld [smem:$0x3F95]  }
0x28: {  	s2 =	sld [smem:$0x3F96]  }
0x29: {  	s4 =	sld [smem:$0x3F98]  }
0x2a: {  	p0 =	seq.s32 s5, $0x0;
	s5 =	sld [smem:$0x3F99]  }
0x2b: {  	s6 =	sld [smem:$0x3F9A]  }
0x2c: {  	s7 =	sld [smem:$0x3F9B]  }
0x2d: {  	s3 =	simm.s32 $0x108;
	s8 =	sld [smem:$0x3F9C]  }
0x2e: {  	s3 =	simm.s32 @!p0 $0x1082;
	s9 =	sld [smem:$0x3F9D]  }
0x2f: {  	lr =	sadd.s32 s0, s3;
	s0 =	sld [smem:$0x3F94]  }
0x30: {  	s3 =	sld [smem:$0x3F97]  }
0x31: {  	[smem:$0x3FA0] =	sst s10  }
0x32: {  	s10 =	sld [smem:$0x3F9E];
	_ =	sdelay $0x3  }
0x33: {  	p0 =	seq.s32 s10, $0x1;
	s10 =	sld [smem:$0x3FA0];
	_ =	sdelay $0x3  }
0x34: {  	[smem:$0x3FA0] =	sst s10  }
0x35: {  	s10 =	sld [smem:$0x3F9F];
	_ =	sdelay $0x3  }
0x36: {  	p1 =	seq.s32 s10, $0x1;
	s10 =	sld [smem:$0x3FA0];
	_ =	sdelay $0x3  }
0x37: {  	[smem:$0x3FA0] =	sst s10  }
0x38: {  	s10 =	sld [smem:$0x3FA1]  }
0x39: {  	_ = 	snop;
	(pc) =	sbr.ind lr, $3  }
0x3a: {  	_ = 	snop  }
0x3b: {  	_ = 	snop  }
0x3c: {  	p2 =	seq.s32 s10, $0x1;
	s10 =	sld [smem:$0x3FA0]  }
0x3d: {  	_ =	shalt  }
0x3e: {  	_ =	shalt  }
0x3f: {  	_ =	shalt  }
0x40: {  	_ =	shalt  }
0x41: {  	_ =	shalt  }
0x42: {  	_ =	shalt  }
0x43: {  	_ =	shalt  }
0x44: {  	_ =	shalt  }
0x45: {  	_ =	shalt  }
0x46: {  	_ =	shalt  }
0x47: {  	_ =	shalt  }
0x48: {  	_ =	shalt  }
0x49: {  	_ =	shalt  }
0x4a: {  	_ =	shalt  }
0x4b: {  	_ =	shalt  }
0x4c: {  	_ =	shalt  }
0x4d: {  	_ =	shalt  }
0x4e: {  	_ =	shalt  }
0x4f: {  	_ =	shalt  }
0x50: {  	_ =	shalt  }
0x51: {  	_ =	shalt  }
0x52: {  	_ =	shalt  }
0x53: {  	_ =	shalt  }
0x54: {  	_ =	shalt  }
0x55: {  	_ =	shalt  }
0x56: {  	_ =	shalt  }
0x57: {  	_ =	shalt  }
0x58: {  	_ =	shalt  }
0x59: {  	_ =	shalt  }
0x5a: {  	_ =	shalt  }
0x5b: {  	_ =	shalt  }
0x5c: {  	_ =	shalt  }
0x5d: {  	_ =	shalt  }
0x5e: {  	_ =	shalt  }
0x5f: {  	_ =	shalt  }
0x60: {  	_ =	shalt  }
0x61: {  	_ =	shalt  }
0x62: {  	_ =	shalt  }
0x63: {  	_ =	shalt  }
0x64: {  	_ =	shalt  }
0x65: {  	_ =	shalt  }
0x66: {  	_ =	shalt  }
0x67: {  	_ =	shalt  }
0x68: {  	_ =	shalt  }
0x69: {  	_ =	shalt  }
0x6a: {  	_ =	shalt  }
0x6b: {  	_ =	shalt  }
0x6c: {  	_ =	shalt  }
0x6d: {  	_ =	shalt  }
0x6e: {  	_ =	shalt  }
0x6f: {  	_ =	shalt  }
0x70: {  	_ =	shalt  }
0x71: {  	_ =	shalt  }
0x72: {  	_ =	shalt  }
0x73: {  	_ =	shalt  }
0x74: {  	_ =	shalt  }
0x75: {  	_ =	shalt  }
0x76: {  	_ =	shalt  }
0x77: {  	_ =	shalt  }
0x78: {  	_ =	shalt  }
0x79: {  	_ =	shalt  }
0x7a: {  	_ =	shalt  }
0x7b: {  	_ =	shalt  }
0x7c: {  	_ =	shalt  }
0x7d: {  	_ =	shalt  }
0x7e: {  	_ =	shalt  }
0x7f: {  	_ =	shalt  }
0x80: {  	_ =	shalt  }
0x81: {  	_ =	shalt  }
0x82: {  	_ =	shalt  }
0x83: {  	_ =	shalt  }
0x84: {  	_ =	shalt  }
0x85: {  	_ =	shalt  }
0x86: {  	_ =	shalt  }
0x87: {  	_ =	shalt  }
.Lfunc_end0:
.L_simem_size_0:
called_computation.3_lowered:
.L_overlay_start_0:
0x88: {  	s2 =	sld [smem:$0x3FD9]  }
0x89: {  	s3 =	sld [smem:$0x3FFE];
	_ =	sdelay $0x1  }
0x8a: {  	s1 =	srdreg.scid  }
0x8b: {  	s0 =	sand.u32 $0x1, s1  }
0x8c: {  	s16 =	sshll.u32 s0, $0xA;
	s2 =	sadd.s32 s3, s2  }
0x8d: {  	s2 =	sadd.s32 s2, s16  }
0x8e: {  	[smem:$0x3FAC] =	sst s2  }
0x8f: {  	_ = 	snop  }
0x90: {  	(tm) =	ssettm $0x1  }
0x91: {  	s17 =	sld [smem:$0x3FFB];
	_ =	sdelay $0x3  }
0x92: {  	_ =	strace s17  }
0x93: {  	s2 =	sld [smem:$0x3FFC];
	_ =	sdelay $0x3  }
0x94: {  	_ =	strace s2  }
0x95: {  	s2 =	sld [smem:$0x3FFD];
	_ =	sdelay $0x3  }
0x96: {  	_ =	strace s2  }
0x97: {  	_ =	strace $0x8FFFFFFF  }
0x98: {  	s18 =	sld [smem:$0x3FDB];
	_ =	sdelay $0x1  }
0x99: {  	s19 =	simm.s32 $_scs_section_size  }
0x9a: {  	s4 =	simm.s32 $_size__tile_overlayer_lowered;
	s5 =	simm.s32 $_tile_overlayer_lowered  }
0x9b: {  	s22 =	simm.s32 $0x1BFF;
	s21 =	sshll.u32 s5, $0x1;
	s2 =	sadd.s32 s19, s18  }
0x9c: {  	s6 =	simm.s32 $0x0;
	s20 =	sshll.u32 s4, $0x1;
	s4 =	sadd.s32 s21, s2  }
0x9d: {  	[timem:s6], [sflag:s22] =	dma.local [hbm:s4], s20  }
0x9e: {  	_ =	swait.ge [sflag:s22], s20  }
0x9f: {  	s3 =	ssub.s32 $0x0, s20;
	[sflag:s22] =	ssyncset.done $0x0  }
0xa0: {  	[sflag:s22] =	ssyncadd.s32 s3;
	_ =	sdelay $0x1  }
0xa1: {  	s23 =	simm.s32 $0x1B8B  }
0xa2: {  	_ =	swait.ge [sflag:s23], $0x1  }
0xa3: {  	[sflag:s23] =	ssyncset.done $0x0  }
0xa4: {  	s25 =	simm.s32 $0x1B8E;
	s24 =	sld [smem:$0x3FFE];
	[sflag:s23] =	ssyncadd.s32 $0xFFFFFFFF  }
0xa5: {  	s26 =	simm.s32 $execute0_lowered;
	[smem:$0x3FD2] =	sst s25  }
0xa6: {  	s4 =	sshll.u32 s26, $0x1;
	_ =	strace $0x8000004F;
	[dreg:$0x1] =	wrdreg $0xFFFFFFFF  }
0xa7: {  	s28 =	simm.s32 $_size_execute0_lowered;
	s2 =	sadd.s32 s2, s4;
	[dreg:$0x0] =	wrdreg $0x0  }
0xa8: {  	s4 =	sshll.u32 s28, $0x1;
	[dreg:$0x2] =	wrdreg s2  }
0xa9: {  	[dreg:$0x3] =	wrdreg s4  }
0xaa: {  	[dreg:$0x4] =	wrdreg $0xC0  }
0xab: {  	_ =	task [dreg:s6], $0x5FFFF  }
0xac: {  	[dreg:$0x1] =	wrdreg $0xFFFFFFFF  }
0xad: {  	[dreg:$0x0] =	wrdreg $0x60  }
0xae: {  	[dreg:$0x2] =	wrdreg s24  }
0xaf: {  	[dreg:$0x3] =	wrdreg $0xA8000  }
0xb0: {  	[dreg:$0x4] =	wrdreg $0x9  }
0xb1: {  	_ =	task.clear_ibuf [dreg:s6], $0x5FFFF;
	_ =	strace $0x9000004F  }
0xb2: {  	s29 =	simm.s32 $0x9;
	_ =	strace $0x80000051  }
0xb3: {  	_ =	swait.ge [sflag:s29], $0x1  }
0xb4: {  	[sflag:s29] =	ssyncadd.s32 $0xFFFFFFFF  }
0xb5: {  	_ =	strace $0x90000051  }
0xb6: {  	_ =	sfence  }
0xb7: {  	s30 =	sld [smem:$0x0];
	_ =	sdelay $0x2  }
0xb8: {  	s31 =	sshll.u32 s1, $0xD;
	s1 =	sshrl.u32 s1, $0x2  }
0xb9: {  	s3 =	sand.u32 $0x4000, s31;
	s1 =	sadd.s32 s1, s30  }
0xba: {  	s0 =	sor.u32 s3, s0;
	s1 =	sshll.u32 s1, $0x11  }
0xbb: {  	s0 =	sor.u32 s1, s0  }
0xbc: {  	s0 =	sadd.s32 $0x8F2B, s0  }
0xbd: {  	[sflag:s0] =	ssyncadd.remote.s32 $0x1  }
0xbe: {  	_ =	sfence.sel $0xFFFF  }
0xbf: {  	[dreg:$0x0] =	wrdreg $0xFFFFFFFF;
	(pc) =	sbr.abs _section_cstart, $3  }
0xc0: {  	[dreg:$0x1] =	wrdreg $0xFFFFFFFF  }
0xc1: {  	_ =	task.clear_ibuf [dreg:s6], $0x2FFFF;
	_ =	strace $0x9FFFFFFF  }
0xc2: {  	(tm) =	ssettm $0x7FFFFFFF  }
0xc3: {  	_ =	shalt  }
tec
execute0_lowered:
.L_overlay_start_1:
0x0: {  	(tag) =	ssettag $0x1  }
0x1: {  	s4 =	rddreg [dreg:$0x0]  }
0x2: {  	s2 =	rddreg [dreg:$0x1];
	s1 =	stileid.u32  }
0x3: {  	s3 =	srdreg.scid;
	s0 =	rddreg [dreg:$0x2];
	s18 =	simm.s32 $0x6800  }
0x4: {  	s19 =	simm.s32 $0x1;
	s20 =	simm.s32 $0x2;
	s21 =	simm.s32 $0x3  }
0x5: {  	s22 =	simm.s32 $0x4;
	s23 =	simm.s32 $0x2700;
	s6 =	smul.u32 $0x2800, s1  }
0x6: {  	s8 =	sand.u32 $0x1, s3;
	s5 =	sshll.u32 s1, $0x1;
	s11 =	smul.u32 $0x50000, s1  }
0x7: {  	s3 =	simm.s32 $0x0;
	s12 =	sadd.s32 $0x91800, s4;
	s16 =	smul.u32 $0x280000, s1  }
0x8: {  	s31 =	sshll.u32 s1, $0x6;
	s5 =	sor.u32 s8, s5;
	s28 =	smul.u32 $0x28000, s8  }
0x9: {  	[smem:$0x7FF] =	sst s3;
	s9 =	ssub.s32 $0x2, s8;
	s17 =	smul.u32 $0x140000, s8  }
0xa: {  	s7 =	smul.u32 $0x500, s5;
	_ =	strace $0x80000050;
	s6 =	sadd.s32 s6, s4  }
0xb: {  	s10 =	sshrl.u32 s9, $0x1;
	s24 =	smul.u32 $0x140000, s5;
	s25 =	sshrl.u32 s11, $0x2  }
0xc: {  	s13 =	smul.u32 $0x28000, s5;
	s11 =	sadd.s32 s11, s12;
	s9 =	ssub.s32 s9, s10  }
0xd: {  	s15 =	sadd.s32 s25, s2;
	s5 =	sadd.s32 $0x41800, s6;
	s11 =	sadd.s32 s28, s11  }
0xe: {  	s29 =	sadd.s32 s17, s16;
	s16 =	simm.s32 $0x80;
	s17 =	simm.s32 $0x2800  }
0xf: {  	s25 =	simm.s32 $0x0;
	s7 =	sadd.s32 s7, s4;
	s26 =	sshrl.u32 s24, $0x3  }
0x10: {  	s6 =	smax.u32 s9, $0x1;
	s13 =	sadd.s32 s13, s12;
	s11 =	sadd.s32 $0x800, s11  }
0x11: {  	s30 =	sshrl.u32 s29, $0x3;
	s15 =	sshrl.u32 s15, $0x3;
	s24 =	simm.s32 $0x2780  }
0x12: {  	s4 =	sadd.s32 $0x2D800, s7;
	s14 =	sadd.s32 s12, s26;
	s9 =	sadd.s32 $0x26800, s13  }
0x13: {  	s10 =	sadd.s32 $0x27800, s13;
	s12 =	sadd.s32 s30, s12;
	s13 =	simm.s32 $0x5  }
0x14: {  	s7 =	sadd.s32 $0x27000, s14;
	s8 =	sadd.s32 $0x26000, s14;
	s14 =	sor.u32 $0x1C05, s31  }
.LBB2_1:
0x15: {  	[tilespmem:s3], [sflag:$0x5] =	stream.linear.gather [hbm4b:s4+s3], $0x2800, $0x38;
	[tilespmem:$0x1E800] =	vst v63  }
0x16: {  	_ =	swait.ge [sflag:s13], $0x2800  }
0x17: {  	[sflag:s13] =	ssyncset.done $0x0  }
0x18: {  	[sflag:s13] =	ssyncadd.s32 $0xFFFFD800  }
0x19: {  	[spmem:s15], [sflag:s14] =	dma.local [hbm:s5], $0x2800  }
0x1a: {  	_ =	swait.ge [sflag:s13], $0x2800  }
0x1b: {  	[sflag:s13] =	ssyncset.done $0x0  }
0x1c: {  	[sflag:s13] =	ssyncadd.s32 $0xFFFFD800  }
0x1d: {  	[bflag:$0x0] =	sbarrier.arrive $0xFFFF  }
0x1e: {  	[tilespmem:s17], [sflag:$0x1] =	stream.indirect.gather [spmem:s2], $0x80, s3, s16, $0xb8;
	[tilespmem:$0x1E800] =	vst v63  }
0x1f: {  	_ = 	snop  }
0x20: {  	[tilespmem:s18], [sflag:$0x2] =	stream.indirect.gather [spmem:s2], $0x80, s16, s16, $0xb8;
	[tilespmem:$0x1E800] =	vst v63  }
0x21: {  	_ =	swait.ge [sflag:s19], $0x4000  }
0x22: {  	[sflag:s19] =	ssyncset.done $0x0  }
0x23: {  	s26 =	sadd.s32 $0x0, s12;
	[sflag:s19] =	ssyncadd.s32 $0xFFFFC000  }
0x24: {  	[hbm4b:s26+s3] =	stream.linear.scatter [tilespmem:s17], [sflag:$0x3], $0x4000, $0x38;
	[tilespmem:$0x1E800] =	vst v63  }
0x25: {  	_ =	swait.ge [sflag:s20], $0x4000  }
0x26: {  	[sflag:s20] =	ssyncset.done $0x0  }
0x27: {  	s30 =	sadd.s32 $0x0, s11;
	[sflag:s20] =	ssyncadd.s32 $0xFFFFC000  }
0x28: {  	[hbm4b:s30+s3] =	stream.linear.scatter [tilespmem:s18], [sflag:$0x4], $0x4000, $0x38;
	[tilespmem:$0x1E800] =	vst v63  }
0x29: {  	_ =	swait.ge [sflag:s21], $0x4000  }
0x2a: {  	[sflag:s21] =	ssyncset.done $0x0  }
0x2b: {  	s31 =	simm.s32 $0x100;
	[sflag:s21] =	ssyncadd.s32 $0xFFFFC000  }
0x2c: {  	[tilespmem:s17], [sflag:$0x1] =	stream.indirect.gather [spmem:s2], $0x80, s31, s16, $0xb8;
	[tilespmem:$0x1E800] =	vst v63  }
0x2d: {  	_ =	swait.ge [sflag:s22], $0x4000  }
0x2e: {  	s28 =	simm.s32 $0x1000;
	[sflag:s22] =	ssyncset.done $0x0  }
0x2f: {  	s29 =	simm.s32 $0x280;
	s26 =	simm.s32 $0x180;
	[sflag:s22] =	ssyncadd.s32 $0xFFFFC000  }
.LBB2_2:
0x30: {  	[tilespmem:s18], [sflag:$0x2] =	stream.indirect.gather [spmem:s2], $0x80, s26, s16, $0xb8;
	[tilespmem:$0x1E800] =	vst v63  }
0x31: {  	s30 =	smov.u32 s28;
	s26 =	smov.u32 s29  }
0x32: {  	p0 =	sne.s32 s28, $0x25000;
	s28 =	sadd.s32 $0x1000, s28;
	_ =	swait.ge [sflag:s19], $0x4000  }
0x33: {  	[sflag:s19] =	ssyncset.done $0x0  }
0x34: {  	s31 =	sadd.s32 s30, s12;
	[sflag:s19] =	ssyncadd.s32 $0xFFFFC000  }
0x35: {  	[hbm4b:s31+s3] =	stream.linear.scatter [tilespmem:s17], [sflag:$0x3], $0x4000, $0x38;
	[tilespmem:$0x1E800] =	vst v63  }
0x36: {  	_ =	swait.ge [sflag:s20], $0x4000  }
0x37: {  	[sflag:s20] =	ssyncset.done $0x0  }
0x38: {  	s30 =	sadd.s32 s30, s11;
	[sflag:s20] =	ssyncadd.s32 $0xFFFFC000  }
0x39: {  	[hbm4b:s30+s3] =	stream.linear.scatter [tilespmem:s18], [sflag:$0x4], $0x4000, $0x38;
	[tilespmem:$0x1E800] =	vst v63  }
0x3a: {  	_ =	swait.ge [sflag:s21], $0x4000  }
0x3b: {  	[sflag:s21] =	ssyncset.done $0x0  }
.Ltmp0:
0x3c: {  	s30 =	sadd.s32 $0xFFFFFF80, s29;
	[sflag:s21] =	ssyncadd.s32 $0xFFFFC000;
	(pc) =	sbr.rel @p0 .LBB2_2-.Ltmp0, $4  }
0x3d: {  	[tilespmem:s17], [sflag:$0x1] =	stream.indirect.gather [spmem:s2], $0x80, s30, s16, $0xb8;
	[tilespmem:$0x1E800] =	vst v63  }
0x3e: {  	_ =	swait.ge [sflag:s22], $0x4000  }
0x3f: {  	[sflag:s22] =	ssyncset.done $0x0  }
0x40: {  	s29 =	sadd.s32 $0x100, s29;
	[sflag:s22] =	ssyncadd.s32 $0xFFFFC000  }
0x41: {  	[tilespmem:s18], [sflag:$0x2] =	stream.indirect.gather [spmem:s2], $0x80, s26, s16, $0xb8;
	[tilespmem:$0x1E800] =	vst v63  }
0x42: {  	_ =	swait.ge [sflag:s19], $0x4000  }
0x43: {  	[sflag:s19] =	ssyncset.done $0x0  }
0x44: {  	[sflag:s19] =	ssyncadd.s32 $0xFFFFC000  }
0x45: {  	[hbm4b:s8+s3] =	stream.linear.scatter [tilespmem:s17], [sflag:$0x3], $0x4000, $0x38;
	[tilespmem:$0x1E800] =	vst v63  }
0x46: {  	_ =	swait.ge [sflag:s20], $0x4000  }
0x47: {  	[sflag:s20] =	ssyncset.done $0x0  }
0x48: {  	[sflag:s20] =	ssyncadd.s32 $0xFFFFC000  }
0x49: {  	[hbm4b:s9+s3] =	stream.linear.scatter [tilespmem:s18], [sflag:$0x4], $0x4000, $0x38;
	[tilespmem:$0x1E800] =	vst v63  }
0x4a: {  	_ =	swait.ge [sflag:s21], $0x4000  }
0x4b: {  	[sflag:s21] =	ssyncset.done $0x0  }
0x4c: {  	[sflag:s21] =	ssyncadd.s32 $0xFFFFC000  }
0x4d: {  	[tilespmem:s17], [sflag:$0x1] =	stream.indirect.gather [spmem:s2], $0x80, s23, s16, $0xb8;
	[tilespmem:$0x1E800] =	vst v63  }
0x4e: {  	_ =	swait.ge [sflag:s22], $0x4000  }
0x4f: {  	[sflag:s22] =	ssyncset.done $0x0  }
0x50: {  	[sflag:s22] =	ssyncadd.s32 $0xFFFFC000  }
0x51: {  	[tilespmem:s18], [sflag:$0x2] =	stream.indirect.gather [spmem:s2], $0x80, s24, s16, $0xb8;
	[tilespmem:$0x1E800] =	vst v63  }
0x52: {  	_ =	swait.ge [sflag:s19], $0x4000  }
0x53: {  	[sflag:s19] =	ssyncset.done $0x0  }
0x54: {  	[sflag:s19] =	ssyncadd.s32 $0xFFFFC000  }
0x55: {  	[hbm4b:s7+s3] =	stream.linear.scatter [tilespmem:s17], [sflag:$0x3], $0x4000, $0x38;
	[tilespmem:$0x1E800] =	vst v63  }
0x56: {  	_ =	swait.ge [sflag:s20], $0x4000  }
0x57: {  	[sflag:s20] =	ssyncset.done $0x0  }
0x58: {  	[sflag:s20] =	ssyncadd.s32 $0xFFFFC000  }
0x59: {  	[hbm4b:s10+s3] =	stream.linear.scatter [tilespmem:s18], [sflag:$0x4], $0x4000, $0x38;
	[tilespmem:$0x1E800] =	vst v63  }
0x5a: {  	_ =	swait.ge [sflag:s21], $0x4000  }
0x5b: {  	[sflag:s21] =	ssyncset.done $0x0  }
0x5c: {  	[sflag:s21] =	ssyncadd.s32 $0xFFFFC000  }
0x5d: {  	[tilespmem:s17], [sflag:$0x1] =	stream.indirect.gather [spmem:s2], $0x80, s24, s16, $0xb8;
	[tilespmem:$0x1E800] =	vst v63  }
0x5e: {  	_ =	swait.ge [sflag:s22], $0x4000  }
0x5f: {  	[sflag:s22] =	ssyncset.done $0x0  }
0x60: {  	s25 =	sadd.s32 $0x1, s25;
	[sflag:s22] =	ssyncadd.s32 $0xFFFFC000  }
0x61: {  	[tilespmem:s18], [sflag:$0x2] =	stream.indirect.gather [spmem:s2], $0x80, s24, s16, $0xb8;
	[tilespmem:$0x1E800] =	vst v63  }
0x62: {  	p0 =	sne.s32 s25, s6;
	_ =	swait.ge [sflag:s19], $0x4000  }
.Ltmp1:
0x63: {  	[sflag:s19] =	ssyncset.done $0x0;
	(pc) =	sbr.rel @p0 .LBB2_1-.Ltmp1, $4  }
0x64: {  	[sflag:s19] =	ssyncadd.s32 $0xFFFFC000  }
0x65: {  	_ =	swait.ge [sflag:s20], $0x4000  }
0x66: {  	[sflag:s20] =	ssyncset.done $0x0  }
0x67: {  	[sflag:s20] =	ssyncadd.s32 $0xFFFFC000  }
0x68: {  	_ =	sfence.sel $0x180000  }
0x69: {  	[bflag:$0x0] =	sbarrier.arrive $0xFFFF  }
0x6a: {  	p0 =	sne.s32 s1, $0x0;
	_ =	strace $0x90000050  }
0x6b: {  	s0 =	sadd.s32 @!p0 $0x100000, s0;
	[bflag:$0x2] =	sbarrier.arrive $0xFFFF  }
0x6c: {  	[sflag:s0] =	ssyncadd.tile.s32 @!p0 $0x1;
	_ =	shalt  }
.Lfunc_end2:
_tile_overlayer_lowered:
.L_overlay_start_2:
0x6d: {  	(tag) =	ssettag $0x2  }
0x6e: {  	s0 =	rddreg [dreg:$0x0];
	s2 =	stileid.u32  }
0x6f: {  	s1 =	rddreg [dreg:$0x1];
	p0 =	sne.s32 s2, $0x0  }
0x70: {  	s3 =	rddreg [dreg:$0x2];
	[bflag:$0x3] =	sbarrier.arrive $0xFFFF;
	s2 =	simm.s32 @!p0 $0x1C05  }
0x71: {  	[timem:s3], [sflag:s2] =	dma.local @!p0 [hbm:s0], s1  }
0x72: {  	s0 =	simm.s32 @!p0 $0x5  }
0x73: {  	_ =	swait.ge @!p0 [sflag:s0], s1  }
0x74: {  	s1 =	ssub.s32 @!p0 $0x0, s1;
	[sflag:s0] =	ssyncset.done @!p0 $0x0  }
0x75: {  	[sflag:s0] =	ssyncadd.s32 @!p0 s1  }
0x76: {  	[bflag:$0x3] =	sbarrier.arrive $0xFFFF  }
0x77: {  	_ =	shalt  }

// kernel: sc_gather_kv.3.cloned.1.call-start
scs
__scs_entry_jumppad:
0x0: {  	(pc) =	sbr.rel $0x88, $3  }
0x1: {  	(tag) =	ssettag $0x0;
	lr =	simm.s32 $0x1  }
0x2: {  	[smem:$0x3F85] =	sst lr;
	_ =	strace $0xD0000000  }
0x3: {  	_ = 	snop  }
0x4: {  	_ = 	snop  }
0x5: {  	_ = 	snop  }
0x6: {  	_ = 	snop  }
0x7: {  	_ = 	snop  }
__scs_overlays_trampoline_lowered:
0x8: {  	[smem:$0x3F94] =	sst s0  }
0x9: {  	[smem:$0x3F95] =	sst s1  }
0xa: {  	[smem:$0x3F96] =	sst s2  }
0xb: {  	[smem:$0x3F97] =	sst s3  }
0xc: {  	[smem:$0x3F98] =	sst s4  }
0xd: {  	[smem:$0x3F99] =	sst s5  }
0xe: {  	[smem:$0x3F9A] =	sst s6  }
0xf: {  	[smem:$0x3F9B] =	sst s7  }
0x10: {  	[smem:$0x3F9C] =	sst s8  }
0x11: {  	[smem:$0x3F9D] =	sst s9;
	s0 =	simm.s32 @!p0 $0x0  }
0x12: {  	s1 =	sld [smem:$0x3F83];
	s0 =	simm.s32 @p0 $0x1  }
0x13: {  	[smem:$0x3F9E] =	sst s0;
	s0 =	simm.s32 @!p1 $0x0  }
0x14: {  	s2 =	sld [smem:$0x3F82];
	s0 =	simm.s32 @p1 $0x1  }
0x15: {  	[smem:$0x3F9F] =	sst s0;
	s0 =	simm.s32 @!p2 $0x0  }
0x16: {  	s3 =	sld [smem:$0x3FDB];
	s0 =	simm.s32 @p2 $0x1  }
0x17: {  	s4 =	simm.s32 $0x1BF5;
	[smem:$0x3FA1] =	sst s0  }
0x18: {  	s0 =	sld [smem:$0x3F84];
	_ =	swait.ge [sflag:s4], $0x0  }
0x19: {  	s7 =	sld [smem:$0x3F85]  }
0x1a: {  	s8 =	sadd.s32 $0xFFFFE003, lr  }
0x1b: {  	s9 =	sadd.s32 $0xFFFFFEF7, lr;
	s5 =	simm.s32 $0xFFFFFFFF;
	p2 =	slt.u32 s8, $0xFFFFF086  }
0x1c: {  	p1 =	slt.u32 s9, $0xF7A;
	s5 =	simm.s32 @!p2 $0x0  }
0x1d: {  	s5 =	simm.s32 @p1 $0x1;
	p0 =	seq.s32 s7, s2  }
0x1e: {  	s7 =	smul.u32 @!p0 $0xF7A, s2;
	p2 =	seq.s32 @!p0 s5, $0x0  }
0x1f: {  	s9 =	smul.u32 $0xF7A, s1;
	s8 =	simm.s32 @!p0 $0x1BF5;
	p2 =	por !p2, p0  }
0x20: {  	[sflag:s8] =	ssyncset.s32 @!p0 $0xFFFFF086;
	s6 =	sadd.s32 @!p0 s3, s7;
	s7 =	simm.s32 @!p0 $0x108  }
0x21: {  	s3 =	sadd.s32 s3, s9;
	s6 =	sadd.s32 @!p0 $0x88, s6;
	s7 =	simm.s32 @p2 $0x1082  }
0x22: {  	[simem:s7], [sflag:s8] =	dma.local @!p0 [hbm:s6], $0xF7A  }
0x23: {  	s9 =	sor.u32 $0xD0000000, s2;
	s6 =	simm.s32 $0x108;
	_ =	swait.ge @!p0 [sflag:s8], $0x0  }
0x24: {  	s3 =	sadd.s32 $0x88, s3;
	s6 =	simm.s32 @!p1 $0x1082;
	[sflag:s4] =	ssyncset.s32 $0xFFFFF086  }
0x25: {  	[simem:s6], [sflag:s4] =	dma.local [hbm:s3], $0xF7A  }
0x26: {  	[smem:$0x3F85] =	sst s1;
	(tag) =	ssettag s2;
	_ =	strace s9  }
0x27: {  	s1 =	sld [smem:$0x3F95]  }
0x28: {  	s2 =	sld [smem:$0x3F96]  }
0x29: {  	s4 =	sld [smem:$0x3F98]  }
0x2a: {  	p0 =	seq.s32 s5, $0x0;
	s5 =	sld [smem:$0x3F99]  }
0x2b: {  	s6 =	sld [smem:$0x3F9A]  }
0x2c: {  	s7 =	sld [smem:$0x3F9B]  }
0x2d: {  	s3 =	simm.s32 $0x108;
	s8 =	sld [smem:$0x3F9C]  }
0x2e: {  	s3 =	simm.s32 @!p0 $0x1082;
	s9 =	sld [smem:$0x3F9D]  }
0x2f: {  	lr =	sadd.s32 s0, s3;
	s0 =	sld [smem:$0x3F94]  }
0x30: {  	s3 =	sld [smem:$0x3F97]  }
0x31: {  	[smem:$0x3FA0] =	sst s10  }
0x32: {  	s10 =	sld [smem:$0x3F9E];
	_ =	sdelay $0x3  }
0x33: {  	p0 =	seq.s32 s10, $0x1;
	s10 =	sld [smem:$0x3FA0];
	_ =	sdelay $0x3  }
0x34: {  	[smem:$0x3FA0] =	sst s10  }
0x35: {  	s10 =	sld [smem:$0x3F9F];
	_ =	sdelay $0x3  }
0x36: {  	p1 =	seq.s32 s10, $0x1;
	s10 =	sld [smem:$0x3FA0];
	_ =	sdelay $0x3  }
0x37: {  	[smem:$0x3FA0] =	sst s10  }
0x38: {  	s10 =	sld [smem:$0x3FA1]  }
0x39: {  	_ = 	snop;
	(pc) =	sbr.ind lr, $3  }
0x3a: {  	_ = 	snop  }
0x3b: {  	_ = 	snop  }
0x3c: {  	p2 =	seq.s32 s10, $0x1;
	s10 =	sld [smem:$0x3FA0]  }
0x3d: {  	_ =	shalt  }
0x3e: {  	_ =	shalt  }
0x3f: {  	_ =	shalt  }
0x40: {  	_ =	shalt  }
0x41: {  	_ =	shalt  }
0x42: {  	_ =	shalt  }
0x43: {  	_ =	shalt  }
0x44: {  	_ =	shalt  }
0x45: {  	_ =	shalt  }
0x46: {  	_ =	shalt  }
0x47: {  	_ =	shalt  }
0x48: {  	_ =	shalt  }
0x49: {  	_ =	shalt  }
0x4a: {  	_ =	shalt  }
0x4b: {  	_ =	shalt  }
0x4c: {  	_ =	shalt  }
0x4d: {  	_ =	shalt  }
0x4e: {  	_ =	shalt  }
0x4f: {  	_ =	shalt  }
0x50: {  	_ =	shalt  }
0x51: {  	_ =	shalt  }
0x52: {  	_ =	shalt  }
0x53: {  	_ =	shalt  }
0x54: {  	_ =	shalt  }
0x55: {  	_ =	shalt  }
0x56: {  	_ =	shalt  }
0x57: {  	_ =	shalt  }
0x58: {  	_ =	shalt  }
0x59: {  	_ =	shalt  }
0x5a: {  	_ =	shalt  }
0x5b: {  	_ =	shalt  }
0x5c: {  	_ =	shalt  }
0x5d: {  	_ =	shalt  }
0x5e: {  	_ =	shalt  }
0x5f: {  	_ =	shalt  }
0x60: {  	_ =	shalt  }
0x61: {  	_ =	shalt  }
0x62: {  	_ =	shalt  }
0x63: {  	_ =	shalt  }
0x64: {  	_ =	shalt  }
0x65: {  	_ =	shalt  }
0x66: {  	_ =	shalt  }
0x67: {  	_ =	shalt  }
0x68: {  	_ =	shalt  }
0x69: {  	_ =	shalt  }
0x6a: {  	_ =	shalt  }
0x6b: {  	_ =	shalt  }
0x6c: {  	_ =	shalt  }
0x6d: {  	_ =	shalt  }
0x6e: {  	_ =	shalt  }
0x6f: {  	_ =	shalt  }
0x70: {  	_ =	shalt  }
0x71: {  	_ =	shalt  }
0x72: {  	_ =	shalt  }
0x73: {  	_ =	shalt  }
0x74: {  	_ =	shalt  }
0x75: {  	_ =	shalt  }
0x76: {  	_ =	shalt  }
0x77: {  	_ =	shalt  }
0x78: {  	_ =	shalt  }
0x79: {  	_ =	shalt  }
0x7a: {  	_ =	shalt  }
0x7b: {  	_ =	shalt  }
0x7c: {  	_ =	shalt  }
0x7d: {  	_ =	shalt  }
0x7e: {  	_ =	shalt  }
0x7f: {  	_ =	shalt  }
0x80: {  	_ =	shalt  }
0x81: {  	_ =	shalt  }
0x82: {  	_ =	shalt  }
0x83: {  	_ =	shalt  }
0x84: {  	_ =	shalt  }
0x85: {  	_ =	shalt  }
0x86: {  	_ =	shalt  }
0x87: {  	_ =	shalt  }
.Lfunc_end0:
.L_simem_size_0:
called_computation.1_lowered:
.L_overlay_start_0:
0x88: {  	s2 =	sld [smem:$0x3FD9]  }
0x89: {  	s3 =	sld [smem:$0x3FFE];
	_ =	sdelay $0x1  }
0x8a: {  	s1 =	srdreg.scid  }
0x8b: {  	s0 =	sand.u32 $0x1, s1  }
0x8c: {  	s17 =	sshll.u32 s0, $0xA;
	s2 =	sadd.s32 s3, s2  }
0x8d: {  	s2 =	sadd.s32 s2, s17  }
0x8e: {  	[smem:$0x3FAC] =	sst s2  }
0x8f: {  	_ = 	snop  }
0x90: {  	(tm) =	ssettm $0x1  }
0x91: {  	s18 =	sld [smem:$0x3FFB];
	_ =	sdelay $0x3  }
0x92: {  	_ =	strace s18  }
0x93: {  	s2 =	sld [smem:$0x3FFC];
	_ =	sdelay $0x3  }
0x94: {  	_ =	strace s2  }
0x95: {  	s2 =	sld [smem:$0x3FFD];
	_ =	sdelay $0x3  }
0x96: {  	_ =	strace s2  }
0x97: {  	_ =	strace $0x8FFFFFFF  }
0x98: {  	s19 =	sld [smem:$0x3FDB];
	_ =	sdelay $0x1  }
0x99: {  	s20 =	simm.s32 $_scs_section_size  }
0x9a: {  	s4 =	simm.s32 $_size__tile_overlayer_lowered;
	s5 =	simm.s32 $_tile_overlayer_lowered  }
0x9b: {  	s6 =	simm.s32 $0x1BFF;
	s21 =	sshll.u32 s5, $0x1;
	s3 =	sadd.s32 s20, s19  }
0x9c: {  	s22 =	simm.s32 $0x0;
	s4 =	sshll.u32 s4, $0x1;
	s5 =	sadd.s32 s21, s3  }
0x9d: {  	[timem:s22], [sflag:s6] =	dma.local [hbm:s5], s4  }
0x9e: {  	_ =	swait.ge [sflag:s6], s4  }
0x9f: {  	s4 =	ssub.s32 $0x0, s4;
	[sflag:s6] =	ssyncset.done $0x0  }
0xa0: {  	[sflag:s6] =	ssyncadd.s32 s4;
	_ =	sdelay $0x1  }
0xa1: {  	s23 =	simm.s32 $0x1B8B  }
0xa2: {  	_ =	swait.ge [sflag:s23], $0x1  }
0xa3: {  	[sflag:s23] =	ssyncset.done $0x0  }
0xa4: {  	[sflag:s23] =	ssyncadd.s32 $0xFFFFFFFF  }
0xa5: {  	s4 =	sld [smem:$0x0]  }
0xa6: {  	s5 =	sand.u32 $0xFFFFFFFE, s1  }
0xa7: {  	p0 =	sne.s32 s1, s5  }
0xa8: {  	s5 =	sshll.u32 @p0 s5, $0xE  }
0xa9: {  	s5 =	sadd.s32 @p0 $0x11B8D, s5;
	s6 =	sshll.u32 @p0 s4, $0x11  }
0xaa: {  	s5 =	sor.u32 @p0 s6, s5  }
0xab: {  	[sflag:s5] =	ssyncadd.remote.s32 @p0 $0x1;
	_ =	sdelay $0x1  }
0xac: {  	s5 =	simm.s32 @p0 $0x1B8D  }
0xad: {  	_ =	swait.eq @p0 [sflag:s5], $0x1  }
0xae: {  	[sflag:s5] =	ssyncadd.s32 @p0 $0xFFFFFFFF  }
0xaf: {  	s6 =	sshll.u32 @!p0 s1, $0xE  }
0xb0: {  	s6 =	sor.u32 @!p0 $0x4000, s6;
	s5 =	simm.s32 @!p0 $0x1B8D  }
0xb1: {  	s4 =	sshll.u32 @!p0 s4, $0x11;
	s6 =	sadd.s32 @!p0 $0x11B8D, s6;
	_ =	swait.eq @!p0 [sflag:s5], $0x1  }
0xb2: {  	s4 =	sor.u32 @!p0 s4, s6;
	[sflag:s5] =	ssyncadd.s32 @!p0 $0xFFFFFFFF  }
0xb3: {  	s25 =	simm.s32 $0x1B8E;
	s24 =	sld [smem:$0x3FFE];
	[sflag:s4] =	ssyncadd.remote.s32 @!p0 $0x1  }
0xb4: {  	s26 =	simm.s32 $execute0_lowered;
	[smem:$0x3FD2] =	sst s25  }
0xb5: {  	s5 =	sshll.u32 s26, $0x1;
	_ =	strace $0x80000049;
	[dreg:$0x1] =	wrdreg $0xFFFFFFFF  }
0xb6: {  	s28 =	simm.s32 $_size_execute0_lowered;
	s3 =	sadd.s32 s3, s5;
	[dreg:$0x0] =	wrdreg $0x0  }
0xb7: {  	s5 =	sshll.u32 s28, $0x1;
	[dreg:$0x2] =	wrdreg s3  }
0xb8: {  	[dreg:$0x3] =	wrdreg s5  }
0xb9: {  	[dreg:$0x4] =	wrdreg $0xC0  }
0xba: {  	_ =	task [dreg:s22], $0x5FFFF  }
0xbb: {  	[dreg:$0x1] =	wrdreg $0xFFFFFFFF  }
0xbc: {  	[dreg:$0x0] =	wrdreg $0x60  }
0xbd: {  	[dreg:$0x2] =	wrdreg s24  }
0xbe: {  	[dreg:$0x3] =	wrdreg $0xA8000  }
0xbf: {  	[dreg:$0x4] =	wrdreg $0xA  }
0xc0: {  	_ =	task.clear_ibuf [dreg:s22], $0x5FFFF;
	_ =	strace $0x90000049  }
0xc1: {  	s29 =	simm.s32 $0xA;
	_ =	strace $0x8000004B  }
0xc2: {  	_ =	swait.ge [sflag:s29], $0x1  }
0xc3: {  	[sflag:s29] =	ssyncadd.s32 $0xFFFFFFFF  }
0xc4: {  	_ =	strace $0x9000004B  }
0xc5: {  	_ =	sfence  }
0xc6: {  	s30 =	sld [smem:$0x0];
	_ =	sdelay $0x2  }
0xc7: {  	s31 =	sshll.u32 s1, $0xD;
	s1 =	sshrl.u32 s1, $0x2  }
0xc8: {  	s4 =	sand.u32 $0x4000, s31;
	s1 =	sadd.s32 s1, s30  }
0xc9: {  	s0 =	sor.u32 s4, s0;
	s1 =	sshll.u32 s1, $0x11  }
0xca: {  	s0 =	sor.u32 s1, s0  }
0xcb: {  	s0 =	sadd.s32 $0x8F2B, s0  }
0xcc: {  	[sflag:s0] =	ssyncadd.remote.s32 $0x1  }
0xcd: {  	_ =	sfence.sel $0xFFFF  }
0xce: {  	[dreg:$0x0] =	wrdreg $0xFFFFFFFF;
	(pc) =	sbr.abs _section_cstart, $3  }
0xcf: {  	[dreg:$0x1] =	wrdreg $0xFFFFFFFF  }
0xd0: {  	_ =	task.clear_ibuf [dreg:s22], $0x2FFFF;
	_ =	strace $0x9FFFFFFF  }
0xd1: {  	(tm) =	ssettm $0x7FFFFFFF  }
tec
execute0_lowered:
.L_overlay_start_1:
0x0: {  	(tag) =	ssettag $0x1  }
0x1: {  	s4 =	rddreg [dreg:$0x0]  }
0x2: {  	s2 =	rddreg [dreg:$0x1];
	s1 =	stileid.u32  }
0x3: {  	s3 =	srdreg.scid;
	s0 =	rddreg [dreg:$0x2];
	s18 =	simm.s32 $0x6800  }
0x4: {  	s19 =	simm.s32 $0x1;
	s20 =	simm.s32 $0x2;
	s21 =	simm.s32 $0x3  }
0x5: {  	s22 =	simm.s32 $0x4;
	s23 =	simm.s32 $0x2700;
	s6 =	smul.u32 $0x2800, s1  }
0x6: {  	s8 =	sand.u32 $0x1, s3;
	s5 =	sshll.u32 s1, $0x1;
	s11 =	smul.u32 $0x50000, s1  }
0x7: {  	s3 =	simm.s32 $0x0;
	s12 =	sadd.s32 $0x5B9800, s4;
	s16 =	smul.u32 $0x280000, s1  }
0x8: {  	s31 =	sshll.u32 s1, $0x6;
	s5 =	sor.u32 s8, s5;
	s28 =	smul.u32 $0x28000, s8  }
0x9: {  	[smem:$0x7FF] =	sst s3;
	s9 =	ssub.s32 $0x2, s8;
	s17 =	smul.u32 $0x140000, s8  }
0xa: {  	s7 =	smul.u32 $0x500, s5;
	_ =	strace $0x8000004A;
	s6 =	sadd.s32 s6, s4  }
0xb: {  	s10 =	sshrl.u32 s9, $0x1;
	s24 =	smul.u32 $0x140000, s5;
	s25 =	sshrl.u32 s11, $0x2  }
0xc: {  	s13 =	smul.u32 $0x28000, s5;
	s11 =	sadd.s32 s11, s12;
	s9 =	ssub.s32 s9, s10  }
0xd: {  	s15 =	sadd.s32 s25, s2;
	s5 =	sadd.s32 $0x69800, s6;
	s11 =	sadd.s32 s28, s11  }
0xe: {  	s29 =	sadd.s32 s17, s16;
	s16 =	simm.s32 $0x80;
	s17 =	simm.s32 $0x2800  }
0xf: {  	s25 =	simm.s32 $0x0;
	s7 =	sadd.s32 s7, s4;
	s26 =	sshrl.u32 s24, $0x3  }
0x10: {  	s6 =	smax.u32 s9, $0x1;
	s13 =	sadd.s32 s13, s12;
	s11 =	sadd.s32 $0x800, s11  }
0x11: {  	s30 =	sshrl.u32 s29, $0x3;
	s15 =	sshrl.u32 s15, $0x3;
	s24 =	simm.s32 $0x2780  }
0x12: {  	s4 =	sadd.s32 $0x2D800, s7;
	s14 =	sadd.s32 s12, s26;
	s9 =	sadd.s32 $0x26800, s13  }
0x13: {  	s10 =	sadd.s32 $0x27800, s13;
	s12 =	sadd.s32 s30, s12;
	s13 =	simm.s32 $0x5  }
0x14: {  	s7 =	sadd.s32 $0x27000, s14;
	s8 =	sadd.s32 $0x26000, s14;
	s14 =	sor.u32 $0x1C05, s31  }
.LBB2_1:
0x15: {  	[tilespmem:s3], [sflag:$0x5] =	stream.linear.gather [hbm4b:s4+s3], $0x2800, $0x38;
	[tilespmem:$0x1E800] =	vst v63  }
0x16: {  	_ =	swait.ge [sflag:s13], $0x2800  }
0x17: {  	[sflag:s13] =	ssyncset.done $0x0  }
0x18: {  	[sflag:s13] =	ssyncadd.s32 $0xFFFFD800  }
0x19: {  	[spmem:s15], [sflag:s14] =	dma.local [hbm:s5], $0x2800  }
0x1a: {  	_ =	swait.ge [sflag:s13], $0x2800  }
0x1b: {  	[sflag:s13] =	ssyncset.done $0x0  }
0x1c: {  	[sflag:s13] =	ssyncadd.s32 $0xFFFFD800  }
0x1d: {  	[bflag:$0x0] =	sbarrier.arrive $0xFFFF  }
0x1e: {  	[tilespmem:s17], [sflag:$0x1] =	stream.indirect.gather [spmem:s2], $0x80, s3, s16, $0xb8;
	[tilespmem:$0x1E800] =	vst v63  }
0x1f: {  	_ = 	snop  }
0x20: {  	[tilespmem:s18], [sflag:$0x2] =	stream.indirect.gather [spmem:s2], $0x80, s16, s16, $0xb8;
	[tilespmem:$0x1E800] =	vst v63  }
0x21: {  	_ =	swait.ge [sflag:s19], $0x4000  }
0x22: {  	[sflag:s19] =	ssyncset.done $0x0  }
0x23: {  	s26 =	sadd.s32 $0x0, s12;
	[sflag:s19] =	ssyncadd.s32 $0xFFFFC000  }
0x24: {  	[hbm4b:s26+s3] =	stream.linear.scatter [tilespmem:s17], [sflag:$0x3], $0x4000, $0x38;
	[tilespmem:$0x1E800] =	vst v63  }
0x25: {  	_ =	swait.ge [sflag:s20], $0x4000  }
0x26: {  	[sflag:s20] =	ssyncset.done $0x0  }
0x27: {  	s30 =	sadd.s32 $0x0, s11;
	[sflag:s20] =	ssyncadd.s32 $0xFFFFC000  }
0x28: {  	[hbm4b:s30+s3] =	stream.linear.scatter [tilespmem:s18], [sflag:$0x4], $0x4000, $0x38;
	[tilespmem:$0x1E800] =	vst v63  }
0x29: {  	_ =	swait.ge [sflag:s21], $0x4000  }
0x2a: {  	[sflag:s21] =	ssyncset.done $0x0  }
0x2b: {  	s31 =	simm.s32 $0x100;
	[sflag:s21] =	ssyncadd.s32 $0xFFFFC000  }
0x2c: {  	[tilespmem:s17], [sflag:$0x1] =	stream.indirect.gather [spmem:s2], $0x80, s31, s16, $0xb8;
	[tilespmem:$0x1E800] =	vst v63  }
0x2d: {  	_ =	swait.ge [sflag:s22], $0x4000  }
0x2e: {  	s28 =	simm.s32 $0x1000;
	[sflag:s22] =	ssyncset.done $0x0  }
0x2f: {  	s29 =	simm.s32 $0x280;
	s26 =	simm.s32 $0x180;
	[sflag:s22] =	ssyncadd.s32 $0xFFFFC000  }
.LBB2_2:
0x30: {  	[tilespmem:s18], [sflag:$0x2] =	stream.indirect.gather [spmem:s2], $0x80, s26, s16, $0xb8;
	[tilespmem:$0x1E800] =	vst v63  }
0x31: {  	s30 =	smov.u32 s28;
	s26 =	smov.u32 s29  }
0x32: {  	p0 =	sne.s32 s28, $0x25000;
	s28 =	sadd.s32 $0x1000, s28;
	_ =	swait.ge [sflag:s19], $0x4000  }
0x33: {  	[sflag:s19] =	ssyncset.done $0x0  }
0x34: {  	s31 =	sadd.s32 s30, s12;
	[sflag:s19] =	ssyncadd.s32 $0xFFFFC000  }
0x35: {  	[hbm4b:s31+s3] =	stream.linear.scatter [tilespmem:s17], [sflag:$0x3], $0x4000, $0x38;
	[tilespmem:$0x1E800] =	vst v63  }
0x36: {  	_ =	swait.ge [sflag:s20], $0x4000  }
0x37: {  	[sflag:s20] =	ssyncset.done $0x0  }
0x38: {  	s30 =	sadd.s32 s30, s11;
	[sflag:s20] =	ssyncadd.s32 $0xFFFFC000  }
0x39: {  	[hbm4b:s30+s3] =	stream.linear.scatter [tilespmem:s18], [sflag:$0x4], $0x4000, $0x38;
	[tilespmem:$0x1E800] =	vst v63  }
0x3a: {  	_ =	swait.ge [sflag:s21], $0x4000  }
0x3b: {  	[sflag:s21] =	ssyncset.done $0x0  }
.Ltmp0:
0x3c: {  	s30 =	sadd.s32 $0xFFFFFF80, s29;
	[sflag:s21] =	ssyncadd.s32 $0xFFFFC000;
	(pc) =	sbr.rel @p0 .LBB2_2-.Ltmp0, $4  }
0x3d: {  	[tilespmem:s17], [sflag:$0x1] =	stream.indirect.gather [spmem:s2], $0x80, s30, s16, $0xb8;
	[tilespmem:$0x1E800] =	vst v63  }
0x3e: {  	_ =	swait.ge [sflag:s22], $0x4000  }
0x3f: {  	[sflag:s22] =	ssyncset.done $0x0  }
0x40: {  	s29 =	sadd.s32 $0x100, s29;
	[sflag:s22] =	ssyncadd.s32 $0xFFFFC000  }
0x41: {  	[tilespmem:s18], [sflag:$0x2] =	stream.indirect.gather [spmem:s2], $0x80, s26, s16, $0xb8;
	[tilespmem:$0x1E800] =	vst v63  }
0x42: {  	_ =	swait.ge [sflag:s19], $0x4000  }
0x43: {  	[sflag:s19] =	ssyncset.done $0x0  }
0x44: {  	[sflag:s19] =	ssyncadd.s32 $0xFFFFC000  }
0x45: {  	[hbm4b:s8+s3] =	stream.linear.scatter [tilespmem:s17], [sflag:$0x3], $0x4000, $0x38;
	[tilespmem:$0x1E800] =	vst v63  }
0x46: {  	_ =	swait.ge [sflag:s20], $0x4000  }
0x47: {  	[sflag:s20] =	ssyncset.done $0x0  }
0x48: {  	[sflag:s20] =	ssyncadd.s32 $0xFFFFC000  }
0x49: {  	[hbm4b:s9+s3] =	stream.linear.scatter [tilespmem:s18], [sflag:$0x4], $0x4000, $0x38;
	[tilespmem:$0x1E800] =	vst v63  }
0x4a: {  	_ =	swait.ge [sflag:s21], $0x4000  }
0x4b: {  	[sflag:s21] =	ssyncset.done $0x0  }
0x4c: {  	[sflag:s21] =	ssyncadd.s32 $0xFFFFC000  }
0x4d: {  	[tilespmem:s17], [sflag:$0x1] =	stream.indirect.gather [spmem:s2], $0x80, s23, s16, $0xb8;
	[tilespmem:$0x1E800] =	vst v63  }
0x4e: {  	_ =	swait.ge [sflag:s22], $0x4000  }
0x4f: {  	[sflag:s22] =	ssyncset.done $0x0  }
0x50: {  	[sflag:s22] =	ssyncadd.s32 $0xFFFFC000  }
0x51: {  	[tilespmem:s18], [sflag:$0x2] =	stream.indirect.gather [spmem:s2], $0x80, s24, s16, $0xb8;
	[tilespmem:$0x1E800] =	vst v63  }
0x52: {  	_ =	swait.ge [sflag:s19], $0x4000  }
0x53: {  	[sflag:s19] =	ssyncset.done $0x0  }
0x54: {  	[sflag:s19] =	ssyncadd.s32 $0xFFFFC000  }
0x55: {  	[hbm4b:s7+s3] =	stream.linear.scatter [tilespmem:s17], [sflag:$0x3], $0x4000, $0x38;
	[tilespmem:$0x1E800] =	vst v63  }
0x56: {  	_ =	swait.ge [sflag:s20], $0x4000  }
0x57: {  	[sflag:s20] =	ssyncset.done $0x0  }
0x58: {  	[sflag:s20] =	ssyncadd.s32 $0xFFFFC000  }
0x59: {  	[hbm4b:s10+s3] =	stream.linear.scatter [tilespmem:s18], [sflag:$0x4], $0x4000, $0x38;
	[tilespmem:$0x1E800] =	vst v63  }
0x5a: {  	_ =	swait.ge [sflag:s21], $0x4000  }
0x5b: {  	[sflag:s21] =	ssyncset.done $0x0  }
0x5c: {  	[sflag:s21] =	ssyncadd.s32 $0xFFFFC000  }
0x5d: {  	[tilespmem:s17], [sflag:$0x1] =	stream.indirect.gather [spmem:s2], $0x80, s24, s16, $0xb8;
	[tilespmem:$0x1E800] =	vst v63  }
0x5e: {  	_ =	swait.ge [sflag:s22], $0x4000  }
0x5f: {  	[sflag:s22] =	ssyncset.done $0x0  }
0x60: {  	s25 =	sadd.s32 $0x1, s25;
	[sflag:s22] =	ssyncadd.s32 $0xFFFFC000  }
0x61: {  	[tilespmem:s18], [sflag:$0x2] =	stream.indirect.gather [spmem:s2], $0x80, s24, s16, $0xb8;
	[tilespmem:$0x1E800] =	vst v63  }
0x62: {  	p0 =	sne.s32 s25, s6;
	_ =	swait.ge [sflag:s19], $0x4000  }
.Ltmp1:
0x63: {  	[sflag:s19] =	ssyncset.done $0x0;
	(pc) =	sbr.rel @p0 .LBB2_1-.Ltmp1, $4  }
0x64: {  	[sflag:s19] =	ssyncadd.s32 $0xFFFFC000  }
0x65: {  	_ =	swait.ge [sflag:s20], $0x4000  }
0x66: {  	[sflag:s20] =	ssyncset.done $0x0  }
0x67: {  	[sflag:s20] =	ssyncadd.s32 $0xFFFFC000  }
0x68: {  	_ =	sfence.sel $0x180000  }
0x69: {  	[bflag:$0x0] =	sbarrier.arrive $0xFFFF  }
0x6a: {  	p0 =	sne.s32 s1, $0x0;
	_ =	strace $0x9000004A  }
0x6b: {  	s0 =	sadd.s32 @!p0 $0x100000, s0;
	[bflag:$0x2] =	sbarrier.arrive $0xFFFF  }
0x6c: {  	[sflag:s0] =	ssyncadd.tile.s32 @!p0 $0x1;
	_ =	shalt  }
.Lfunc_end2:
_tile_overlayer_lowered:
.L_overlay_start_2:
0x6d: {  	(tag) =	ssettag $0x2  }
0x6e: {  	s0 =	rddreg [dreg:$0x0];
	s2 =	stileid.u32  }
0x6f: {  	s1 =	rddreg [dreg:$0x1];
	p0 =	sne.s32 s2, $0x0  }
0x70: {  	s3 =	rddreg [dreg:$0x2];
	[bflag:$0x3] =	sbarrier.arrive $0xFFFF;
	s2 =	simm.s32 @!p0 $0x1C05  }
0x71: {  	[timem:s3], [sflag:s2] =	dma.local @!p0 [hbm:s0], s1  }
0x72: {  	s0 =	simm.s32 @!p0 $0x5  }
0x73: {  	_ =	swait.ge @!p0 [sflag:s0], s1  }
0x74: {  	s1 =	ssub.s32 @!p0 $0x0, s1;
	[sflag:s0] =	ssyncset.done @!p0 $0x0  }
0x75: {  	[sflag:s0] =	ssyncadd.s32 @!p0 s1  }
0x76: {  	[bflag:$0x3] =	sbarrier.arrive $0xFFFF  }
0x77: {  	_ =	shalt  }

// kernel: sc_gather_q.3.cloned.1.call-start
scs
__scs_entry_jumppad:
0x0: {  	(pc) =	sbr.rel $0x88, $3  }
0x1: {  	(tag) =	ssettag $0x0;
	lr =	simm.s32 $0x1  }
0x2: {  	[smem:$0x3F85] =	sst lr;
	_ =	strace $0xD0000000  }
0x3: {  	_ = 	snop  }
0x4: {  	_ = 	snop  }
0x5: {  	_ = 	snop  }
0x6: {  	_ = 	snop  }
0x7: {  	_ = 	snop  }
__scs_overlays_trampoline_lowered:
0x8: {  	[smem:$0x3F94] =	sst s0  }
0x9: {  	[smem:$0x3F95] =	sst s1  }
0xa: {  	[smem:$0x3F96] =	sst s2  }
0xb: {  	[smem:$0x3F97] =	sst s3  }
0xc: {  	[smem:$0x3F98] =	sst s4  }
0xd: {  	[smem:$0x3F99] =	sst s5  }
0xe: {  	[smem:$0x3F9A] =	sst s6  }
0xf: {  	[smem:$0x3F9B] =	sst s7  }
0x10: {  	[smem:$0x3F9C] =	sst s8  }
0x11: {  	[smem:$0x3F9D] =	sst s9;
	s0 =	simm.s32 @!p0 $0x0  }
0x12: {  	s1 =	sld [smem:$0x3F83];
	s0 =	simm.s32 @p0 $0x1  }
0x13: {  	[smem:$0x3F9E] =	sst s0;
	s0 =	simm.s32 @!p1 $0x0  }
0x14: {  	s2 =	sld [smem:$0x3F82];
	s0 =	simm.s32 @p1 $0x1  }
0x15: {  	[smem:$0x3F9F] =	sst s0;
	s0 =	simm.s32 @!p2 $0x0  }
0x16: {  	s3 =	sld [smem:$0x3FDB];
	s0 =	simm.s32 @p2 $0x1  }
0x17: {  	s4 =	simm.s32 $0x1BF5;
	[smem:$0x3FA1] =	sst s0  }
0x18: {  	s0 =	sld [smem:$0x3F84];
	_ =	swait.ge [sflag:s4], $0x0  }
0x19: {  	s7 =	sld [smem:$0x3F85]  }
0x1a: {  	s8 =	sadd.s32 $0xFFFFE003, lr  }
0x1b: {  	s9 =	sadd.s32 $0xFFFFFEF7, lr;
	s5 =	simm.s32 $0xFFFFFFFF;
	p2 =	slt.u32 s8, $0xFFFFF086  }
0x1c: {  	p1 =	slt.u32 s9, $0xF7A;
	s5 =	simm.s32 @!p2 $0x0  }
0x1d: {  	s5 =	simm.s32 @p1 $0x1;
	p0 =	seq.s32 s7, s2  }
0x1e: {  	s7 =	smul.u32 @!p0 $0xF7A, s2;
	p2 =	seq.s32 @!p0 s5, $0x0  }
0x1f: {  	s9 =	smul.u32 $0xF7A, s1;
	s8 =	simm.s32 @!p0 $0x1BF5;
	p2 =	por !p2, p0  }
0x20: {  	[sflag:s8] =	ssyncset.s32 @!p0 $0xFFFFF086;
	s6 =	sadd.s32 @!p0 s3, s7;
	s7 =	simm.s32 @!p0 $0x108  }
0x21: {  	s3 =	sadd.s32 s3, s9;
	s6 =	sadd.s32 @!p0 $0x88, s6;
	s7 =	simm.s32 @p2 $0x1082  }
0x22: {  	[simem:s7], [sflag:s8] =	dma.local @!p0 [hbm:s6], $0xF7A  }
0x23: {  	s9 =	sor.u32 $0xD0000000, s2;
	s6 =	simm.s32 $0x108;
	_ =	swait.ge @!p0 [sflag:s8], $0x0  }
0x24: {  	s3 =	sadd.s32 $0x88, s3;
	s6 =	simm.s32 @!p1 $0x1082;
	[sflag:s4] =	ssyncset.s32 $0xFFFFF086  }
0x25: {  	[simem:s6], [sflag:s4] =	dma.local [hbm:s3], $0xF7A  }
0x26: {  	[smem:$0x3F85] =	sst s1;
	(tag) =	ssettag s2;
	_ =	strace s9  }
0x27: {  	s1 =	sld [smem:$0x3F95]  }
0x28: {  	s2 =	sld [smem:$0x3F96]  }
0x29: {  	s4 =	sld [smem:$0x3F98]  }
0x2a: {  	p0 =	seq.s32 s5, $0x0;
	s5 =	sld [smem:$0x3F99]  }
0x2b: {  	s6 =	sld [smem:$0x3F9A]  }
0x2c: {  	s7 =	sld [smem:$0x3F9B]  }
0x2d: {  	s3 =	simm.s32 $0x108;
	s8 =	sld [smem:$0x3F9C]  }
0x2e: {  	s3 =	simm.s32 @!p0 $0x1082;
	s9 =	sld [smem:$0x3F9D]  }
0x2f: {  	lr =	sadd.s32 s0, s3;
	s0 =	sld [smem:$0x3F94]  }
0x30: {  	s3 =	sld [smem:$0x3F97]  }
0x31: {  	[smem:$0x3FA0] =	sst s10  }
0x32: {  	s10 =	sld [smem:$0x3F9E];
	_ =	sdelay $0x3  }
0x33: {  	p0 =	seq.s32 s10, $0x1;
	s10 =	sld [smem:$0x3FA0];
	_ =	sdelay $0x3  }
0x34: {  	[smem:$0x3FA0] =	sst s10  }
0x35: {  	s10 =	sld [smem:$0x3F9F];
	_ =	sdelay $0x3  }
0x36: {  	p1 =	seq.s32 s10, $0x1;
	s10 =	sld [smem:$0x3FA0];
	_ =	sdelay $0x3  }
0x37: {  	[smem:$0x3FA0] =	sst s10  }
0x38: {  	s10 =	sld [smem:$0x3FA1]  }
0x39: {  	_ = 	snop;
	(pc) =	sbr.ind lr, $3  }
0x3a: {  	_ = 	snop  }
0x3b: {  	_ = 	snop  }
0x3c: {  	p2 =	seq.s32 s10, $0x1;
	s10 =	sld [smem:$0x3FA0]  }
0x3d: {  	_ =	shalt  }
0x3e: {  	_ =	shalt  }
0x3f: {  	_ =	shalt  }
0x40: {  	_ =	shalt  }
0x41: {  	_ =	shalt  }
0x42: {  	_ =	shalt  }
0x43: {  	_ =	shalt  }
0x44: {  	_ =	shalt  }
0x45: {  	_ =	shalt  }
0x46: {  	_ =	shalt  }
0x47: {  	_ =	shalt  }
0x48: {  	_ =	shalt  }
0x49: {  	_ =	shalt  }
0x4a: {  	_ =	shalt  }
0x4b: {  	_ =	shalt  }
0x4c: {  	_ =	shalt  }
0x4d: {  	_ =	shalt  }
0x4e: {  	_ =	shalt  }
0x4f: {  	_ =	shalt  }
0x50: {  	_ =	shalt  }
0x51: {  	_ =	shalt  }
0x52: {  	_ =	shalt  }
0x53: {  	_ =	shalt  }
0x54: {  	_ =	shalt  }
0x55: {  	_ =	shalt  }
0x56: {  	_ =	shalt  }
0x57: {  	_ =	shalt  }
0x58: {  	_ =	shalt  }
0x59: {  	_ =	shalt  }
0x5a: {  	_ =	shalt  }
0x5b: {  	_ =	shalt  }
0x5c: {  	_ =	shalt  }
0x5d: {  	_ =	shalt  }
0x5e: {  	_ =	shalt  }
0x5f: {  	_ =	shalt  }
0x60: {  	_ =	shalt  }
0x61: {  	_ =	shalt  }
0x62: {  	_ =	shalt  }
0x63: {  	_ =	shalt  }
0x64: {  	_ =	shalt  }
0x65: {  	_ =	shalt  }
0x66: {  	_ =	shalt  }
0x67: {  	_ =	shalt  }
0x68: {  	_ =	shalt  }
0x69: {  	_ =	shalt  }
0x6a: {  	_ =	shalt  }
0x6b: {  	_ =	shalt  }
0x6c: {  	_ =	shalt  }
0x6d: {  	_ =	shalt  }
0x6e: {  	_ =	shalt  }
0x6f: {  	_ =	shalt  }
0x70: {  	_ =	shalt  }
0x71: {  	_ =	shalt  }
0x72: {  	_ =	shalt  }
0x73: {  	_ =	shalt  }
0x74: {  	_ =	shalt  }
0x75: {  	_ =	shalt  }
0x76: {  	_ =	shalt  }
0x77: {  	_ =	shalt  }
0x78: {  	_ =	shalt  }
0x79: {  	_ =	shalt  }
0x7a: {  	_ =	shalt  }
0x7b: {  	_ =	shalt  }
0x7c: {  	_ =	shalt  }
0x7d: {  	_ =	shalt  }
0x7e: {  	_ =	shalt  }
0x7f: {  	_ =	shalt  }
0x80: {  	_ =	shalt  }
0x81: {  	_ =	shalt  }
0x82: {  	_ =	shalt  }
0x83: {  	_ =	shalt  }
0x84: {  	_ =	shalt  }
0x85: {  	_ =	shalt  }
0x86: {  	_ =	shalt  }
0x87: {  	_ =	shalt  }
.Lfunc_end0:
.L_simem_size_0:
called_computation_lowered:
.L_overlay_start_0:
0x88: {  	s2 =	sld [smem:$0x3FD9]  }
0x89: {  	s3 =	sld [smem:$0x3FFE];
	_ =	sdelay $0x1  }
0x8a: {  	s1 =	srdreg.scid  }
0x8b: {  	s0 =	sand.u32 $0x1, s1  }
0x8c: {  	s16 =	sshll.u32 s0, $0xA;
	s2 =	sadd.s32 s3, s2  }
0x8d: {  	s2 =	sadd.s32 s2, s16  }
0x8e: {  	[smem:$0x3FAC] =	sst s2  }
0x8f: {  	_ = 	snop  }
0x90: {  	(tm) =	ssettm $0x1  }
0x91: {  	s17 =	sld [smem:$0x3FFB];
	_ =	sdelay $0x3  }
0x92: {  	_ =	strace s17  }
0x93: {  	s2 =	sld [smem:$0x3FFC];
	_ =	sdelay $0x3  }
0x94: {  	_ =	strace s2  }
0x95: {  	s2 =	sld [smem:$0x3FFD];
	_ =	sdelay $0x3  }
0x96: {  	_ =	strace s2  }
0x97: {  	_ =	strace $0x8FFFFFFF  }
0x98: {  	s18 =	sld [smem:$0x3FDB];
	_ =	sdelay $0x1  }
0x99: {  	s19 =	simm.s32 $_scs_section_size  }
0x9a: {  	s4 =	simm.s32 $_size__tile_overlayer_lowered;
	s5 =	simm.s32 $_tile_overlayer_lowered  }
0x9b: {  	s22 =	simm.s32 $0x1BFF;
	s21 =	sshll.u32 s5, $0x1;
	s2 =	sadd.s32 s19, s18  }
0x9c: {  	s6 =	simm.s32 $0x0;
	s20 =	sshll.u32 s4, $0x1;
	s4 =	sadd.s32 s21, s2  }
0x9d: {  	[timem:s6], [sflag:s22] =	dma.local [hbm:s4], s20  }
0x9e: {  	_ =	swait.ge [sflag:s22], s20  }
0x9f: {  	s3 =	ssub.s32 $0x0, s20;
	[sflag:s22] =	ssyncset.done $0x0  }
0xa0: {  	[sflag:s22] =	ssyncadd.s32 s3;
	_ =	sdelay $0x1  }
0xa1: {  	s23 =	simm.s32 $0x1B8B  }
0xa2: {  	_ =	swait.ge [sflag:s23], $0x1  }
0xa3: {  	[sflag:s23] =	ssyncset.done $0x0  }
0xa4: {  	s25 =	simm.s32 $0x1B8E;
	s24 =	sld [smem:$0x3FFE];
	[sflag:s23] =	ssyncadd.s32 $0xFFFFFFFF  }
0xa5: {  	s26 =	simm.s32 $execute0_lowered;
	[smem:$0x3FD2] =	sst s25  }
0xa6: {  	s4 =	sshll.u32 s26, $0x1;
	_ =	strace $0x80000046;
	[dreg:$0x1] =	wrdreg $0xFFFFFFFF  }
0xa7: {  	s28 =	simm.s32 $_size_execute0_lowered;
	s2 =	sadd.s32 s2, s4;
	[dreg:$0x0] =	wrdreg $0x0  }
0xa8: {  	s4 =	sshll.u32 s28, $0x1;
	[dreg:$0x2] =	wrdreg s2  }
0xa9: {  	[dreg:$0x3] =	wrdreg s4  }
0xaa: {  	[dreg:$0x4] =	wrdreg $0xC0  }
0xab: {  	_ =	task [dreg:s6], $0x5FFFF  }
0xac: {  	[dreg:$0x1] =	wrdreg $0xFFFFFFFF  }
0xad: {  	[dreg:$0x0] =	wrdreg $0x60  }
0xae: {  	[dreg:$0x2] =	wrdreg s24  }
0xaf: {  	[dreg:$0x3] =	wrdreg $0xA8000  }
0xb0: {  	[dreg:$0x4] =	wrdreg $0x9  }
0xb1: {  	_ =	task.clear_ibuf [dreg:s6], $0x5FFFF;
	_ =	strace $0x90000046  }
0xb2: {  	s29 =	simm.s32 $0x9;
	_ =	strace $0x80000048  }
0xb3: {  	_ =	swait.ge [sflag:s29], $0x1  }
0xb4: {  	[sflag:s29] =	ssyncadd.s32 $0xFFFFFFFF  }
0xb5: {  	_ =	strace $0x90000048  }
0xb6: {  	_ =	sfence  }
0xb7: {  	s30 =	sld [smem:$0x0];
	_ =	sdelay $0x2  }
0xb8: {  	s31 =	sshll.u32 s1, $0xD;
	s1 =	sshrl.u32 s1, $0x2  }
0xb9: {  	s3 =	sand.u32 $0x4000, s31;
	s1 =	sadd.s32 s1, s30  }
0xba: {  	s0 =	sor.u32 s3, s0;
	s1 =	sshll.u32 s1, $0x11  }
0xbb: {  	s0 =	sor.u32 s1, s0  }
0xbc: {  	s0 =	sadd.s32 $0x8F2B, s0  }
0xbd: {  	[sflag:s0] =	ssyncadd.remote.s32 $0x1  }
0xbe: {  	_ =	sfence.sel $0xFFFF  }
0xbf: {  	[dreg:$0x0] =	wrdreg $0xFFFFFFFF;
	(pc) =	sbr.abs _section_cstart, $3  }
0xc0: {  	[dreg:$0x1] =	wrdreg $0xFFFFFFFF  }
0xc1: {  	_ =	task.clear_ibuf [dreg:s6], $0x2FFFF;
	_ =	strace $0x9FFFFFFF  }
0xc2: {  	(tm) =	ssettm $0x7FFFFFFF  }
0xc3: {  	_ =	shalt  }
tec
execute0_lowered:
.L_overlay_start_1:
0x0: {  	(tag) =	ssettag $0x1  }
0x1: {  	s4 =	rddreg [dreg:$0x0]  }
0x2: {  	s2 =	rddreg [dreg:$0x1];
	s1 =	stileid.u32  }
0x3: {  	s3 =	srdreg.scid;
	s0 =	rddreg [dreg:$0x2];
	s18 =	simm.s32 $0x6800  }
0x4: {  	s19 =	simm.s32 $0x1;
	s20 =	simm.s32 $0x2;
	s21 =	simm.s32 $0x3  }
0x5: {  	s22 =	simm.s32 $0x4;
	s23 =	simm.s32 $0x2700;
	s6 =	smul.u32 $0x2800, s1  }
0x6: {  	s8 =	sand.u32 $0x1, s3;
	s5 =	sshll.u32 s1, $0x1;
	s11 =	smul.u32 $0x50000, s1  }
0x7: {  	s3 =	simm.s32 $0x0;
	s12 =	sadd.s32 $0xB9800, s4;
	s16 =	smul.u32 $0x280000, s1  }
0x8: {  	s31 =	sshll.u32 s1, $0x6;
	s5 =	sor.u32 s8, s5;
	s28 =	smul.u32 $0x28000, s8  }
0x9: {  	[smem:$0x7FF] =	sst s3;
	s9 =	ssub.s32 $0x2, s8;
	s17 =	smul.u32 $0x140000, s8  }
0xa: {  	s7 =	smul.u32 $0x500, s5;
	_ =	strace $0x80000047;
	s6 =	sadd.s32 s6, s4  }
0xb: {  	s10 =	sshrl.u32 s9, $0x1;
	s24 =	smul.u32 $0x140000, s5;
	s25 =	sshrl.u32 s11, $0x2  }
0xc: {  	s13 =	smul.u32 $0x28000, s5;
	s11 =	sadd.s32 s11, s12;
	s9 =	ssub.s32 s9, s10  }
0xd: {  	s15 =	sadd.s32 s25, s2;
	s5 =	sadd.s32 $0x41800, s6;
	s11 =	sadd.s32 s28, s11  }
0xe: {  	s29 =	sadd.s32 s17, s16;
	s16 =	simm.s32 $0x80;
	s17 =	simm.s32 $0x2800  }
0xf: {  	s25 =	simm.s32 $0x0;
	s7 =	sadd.s32 s7, s4;
	s26 =	sshrl.u32 s24, $0x3  }
0x10: {  	s6 =	smax.u32 s9, $0x1;
	s13 =	sadd.s32 s13, s12;
	s11 =	sadd.s32 $0x800, s11  }
0x11: {  	s30 =	sshrl.u32 s29, $0x3;
	s15 =	sshrl.u32 s15, $0x3;
	s24 =	simm.s32 $0x2780  }
0x12: {  	s4 =	sadd.s32 $0x37800, s7;
	s14 =	sadd.s32 s12, s26;
	s9 =	sadd.s32 $0x26800, s13  }
0x13: {  	s10 =	sadd.s32 $0x27800, s13;
	s12 =	sadd.s32 s30, s12;
	s13 =	simm.s32 $0x5  }
0x14: {  	s7 =	sadd.s32 $0x27000, s14;
	s8 =	sadd.s32 $0x26000, s14;
	s14 =	sor.u32 $0x1C05, s31  }
.LBB2_1:
0x15: {  	[tilespmem:s3], [sflag:$0x5] =	stream.linear.gather [hbm4b:s4+s3], $0x2800, $0x38;
	[tilespmem:$0x1E800] =	vst v63  }
0x16: {  	_ =	swait.ge [sflag:s13], $0x2800  }
0x17: {  	[sflag:s13] =	ssyncset.done $0x0  }
0x18: {  	[sflag:s13] =	ssyncadd.s32 $0xFFFFD800  }
0x19: {  	[spmem:s15], [sflag:s14] =	dma.local [hbm:s5], $0x2800  }
0x1a: {  	_ =	swait.ge [sflag:s13], $0x2800  }
0x1b: {  	[sflag:s13] =	ssyncset.done $0x0  }
0x1c: {  	[sflag:s13] =	ssyncadd.s32 $0xFFFFD800  }
0x1d: {  	[bflag:$0x0] =	sbarrier.arrive $0xFFFF  }
0x1e: {  	[tilespmem:s17], [sflag:$0x1] =	stream.indirect.gather [spmem:s2], $0x80, s3, s16, $0xb8;
	[tilespmem:$0x1E800] =	vst v63  }
0x1f: {  	_ = 	snop  }
0x20: {  	[tilespmem:s18], [sflag:$0x2] =	stream.indirect.gather [spmem:s2], $0x80, s16, s16, $0xb8;
	[tilespmem:$0x1E800] =	vst v63  }
0x21: {  	_ =	swait.ge [sflag:s19], $0x4000  }
0x22: {  	[sflag:s19] =	ssyncset.done $0x0  }
0x23: {  	s26 =	sadd.s32 $0x0, s12;
	[sflag:s19] =	ssyncadd.s32 $0xFFFFC000  }
0x24: {  	[hbm4b:s26+s3] =	stream.linear.scatter [tilespmem:s17], [sflag:$0x3], $0x4000, $0x38;
	[tilespmem:$0x1E800] =	vst v63  }
0x25: {  	_ =	swait.ge [sflag:s20], $0x4000  }
0x26: {  	[sflag:s20] =	ssyncset.done $0x0  }
0x27: {  	s30 =	sadd.s32 $0x0, s11;
	[sflag:s20] =	ssyncadd.s32 $0xFFFFC000  }
0x28: {  	[hbm4b:s30+s3] =	stream.linear.scatter [tilespmem:s18], [sflag:$0x4], $0x4000, $0x38;
	[tilespmem:$0x1E800] =	vst v63  }
0x29: {  	_ =	swait.ge [sflag:s21], $0x4000  }
0x2a: {  	[sflag:s21] =	ssyncset.done $0x0  }
0x2b: {  	s31 =	simm.s32 $0x100;
	[sflag:s21] =	ssyncadd.s32 $0xFFFFC000  }
0x2c: {  	[tilespmem:s17], [sflag:$0x1] =	stream.indirect.gather [spmem:s2], $0x80, s31, s16, $0xb8;
	[tilespmem:$0x1E800] =	vst v63  }
0x2d: {  	_ =	swait.ge [sflag:s22], $0x4000  }
0x2e: {  	s28 =	simm.s32 $0x1000;
	[sflag:s22] =	ssyncset.done $0x0  }
0x2f: {  	s29 =	simm.s32 $0x280;
	s26 =	simm.s32 $0x180;
	[sflag:s22] =	ssyncadd.s32 $0xFFFFC000  }
.LBB2_2:
0x30: {  	[tilespmem:s18], [sflag:$0x2] =	stream.indirect.gather [spmem:s2], $0x80, s26, s16, $0xb8;
	[tilespmem:$0x1E800] =	vst v63  }
0x31: {  	s30 =	smov.u32 s28;
	s26 =	smov.u32 s29  }
0x32: {  	p0 =	sne.s32 s28, $0x25000;
	s28 =	sadd.s32 $0x1000, s28;
	_ =	swait.ge [sflag:s19], $0x4000  }
0x33: {  	[sflag:s19] =	ssyncset.done $0x0  }
0x34: {  	s31 =	sadd.s32 s30, s12;
	[sflag:s19] =	ssyncadd.s32 $0xFFFFC000  }
0x35: {  	[hbm4b:s31+s3] =	stream.linear.scatter [tilespmem:s17], [sflag:$0x3], $0x4000, $0x38;
	[tilespmem:$0x1E800] =	vst v63  }
0x36: {  	_ =	swait.ge [sflag:s20], $0x4000  }
0x37: {  	[sflag:s20] =	ssyncset.done $0x0  }
0x38: {  	s30 =	sadd.s32 s30, s11;
	[sflag:s20] =	ssyncadd.s32 $0xFFFFC000  }
0x39: {  	[hbm4b:s30+s3] =	stream.linear.scatter [tilespmem:s18], [sflag:$0x4], $0x4000, $0x38;
	[tilespmem:$0x1E800] =	vst v63  }
0x3a: {  	_ =	swait.ge [sflag:s21], $0x4000  }
0x3b: {  	[sflag:s21] =	ssyncset.done $0x0  }
.Ltmp0:
0x3c: {  	s30 =	sadd.s32 $0xFFFFFF80, s29;
	[sflag:s21] =	ssyncadd.s32 $0xFFFFC000;
	(pc) =	sbr.rel @p0 .LBB2_2-.Ltmp0, $4  }
0x3d: {  	[tilespmem:s17], [sflag:$0x1] =	stream.indirect.gather [spmem:s2], $0x80, s30, s16, $0xb8;
	[tilespmem:$0x1E800] =	vst v63  }
0x3e: {  	_ =	swait.ge [sflag:s22], $0x4000  }
0x3f: {  	[sflag:s22] =	ssyncset.done $0x0  }
0x40: {  	s29 =	sadd.s32 $0x100, s29;
	[sflag:s22] =	ssyncadd.s32 $0xFFFFC000  }
0x41: {  	[tilespmem:s18], [sflag:$0x2] =	stream.indirect.gather [spmem:s2], $0x80, s26, s16, $0xb8;
	[tilespmem:$0x1E800] =	vst v63  }
0x42: {  	_ =	swait.ge [sflag:s19], $0x4000  }
0x43: {  	[sflag:s19] =	ssyncset.done $0x0  }
0x44: {  	[sflag:s19] =	ssyncadd.s32 $0xFFFFC000  }
0x45: {  	[hbm4b:s8+s3] =	stream.linear.scatter [tilespmem:s17], [sflag:$0x3], $0x4000, $0x38;
	[tilespmem:$0x1E800] =	vst v63  }
0x46: {  	_ =	swait.ge [sflag:s20], $0x4000  }
0x47: {  	[sflag:s20] =	ssyncset.done $0x0  }
0x48: {  	[sflag:s20] =	ssyncadd.s32 $0xFFFFC000  }
0x49: {  	[hbm4b:s9+s3] =	stream.linear.scatter [tilespmem:s18], [sflag:$0x4], $0x4000, $0x38;
	[tilespmem:$0x1E800] =	vst v63  }
0x4a: {  	_ =	swait.ge [sflag:s21], $0x4000  }
0x4b: {  	[sflag:s21] =	ssyncset.done $0x0  }
0x4c: {  	[sflag:s21] =	ssyncadd.s32 $0xFFFFC000  }
0x4d: {  	[tilespmem:s17], [sflag:$0x1] =	stream.indirect.gather [spmem:s2], $0x80, s23, s16, $0xb8;
	[tilespmem:$0x1E800] =	vst v63  }
0x4e: {  	_ =	swait.ge [sflag:s22], $0x4000  }
0x4f: {  	[sflag:s22] =	ssyncset.done $0x0  }
0x50: {  	[sflag:s22] =	ssyncadd.s32 $0xFFFFC000  }
0x51: {  	[tilespmem:s18], [sflag:$0x2] =	stream.indirect.gather [spmem:s2], $0x80, s24, s16, $0xb8;
	[tilespmem:$0x1E800] =	vst v63  }
0x52: {  	_ =	swait.ge [sflag:s19], $0x4000  }
0x53: {  	[sflag:s19] =	ssyncset.done $0x0  }
0x54: {  	[sflag:s19] =	ssyncadd.s32 $0xFFFFC000  }
0x55: {  	[hbm4b:s7+s3] =	stream.linear.scatter [tilespmem:s17], [sflag:$0x3], $0x4000, $0x38;
	[tilespmem:$0x1E800] =	vst v63  }
0x56: {  	_ =	swait.ge [sflag:s20], $0x4000  }
0x57: {  	[sflag:s20] =	ssyncset.done $0x0  }
0x58: {  	[sflag:s20] =	ssyncadd.s32 $0xFFFFC000  }
0x59: {  	[hbm4b:s10+s3] =	stream.linear.scatter [tilespmem:s18], [sflag:$0x4], $0x4000, $0x38;
	[tilespmem:$0x1E800] =	vst v63  }
0x5a: {  	_ =	swait.ge [sflag:s21], $0x4000  }
0x5b: {  	[sflag:s21] =	ssyncset.done $0x0  }
0x5c: {  	[sflag:s21] =	ssyncadd.s32 $0xFFFFC000  }
0x5d: {  	[tilespmem:s17], [sflag:$0x1] =	stream.indirect.gather [spmem:s2], $0x80, s24, s16, $0xb8;
	[tilespmem:$0x1E800] =	vst v63  }
0x5e: {  	_ =	swait.ge [sflag:s22], $0x4000  }
0x5f: {  	[sflag:s22] =	ssyncset.done $0x0  }
0x60: {  	s25 =	sadd.s32 $0x1, s25;
	[sflag:s22] =	ssyncadd.s32 $0xFFFFC000  }
0x61: {  	[tilespmem:s18], [sflag:$0x2] =	stream.indirect.gather [spmem:s2], $0x80, s24, s16, $0xb8;
	[tilespmem:$0x1E800] =	vst v63  }
0x62: {  	p0 =	sne.s32 s25, s6;
	_ =	swait.ge [sflag:s19], $0x4000  }
.Ltmp1:
0x63: {  	[sflag:s19] =	ssyncset.done $0x0;
	(pc) =	sbr.rel @p0 .LBB2_1-.Ltmp1, $4  }
0x64: {  	[sflag:s19] =	ssyncadd.s32 $0xFFFFC000  }
0x65: {  	_ =	swait.ge [sflag:s20], $0x4000  }
0x66: {  	[sflag:s20] =	ssyncset.done $0x0  }
0x67: {  	[sflag:s20] =	ssyncadd.s32 $0xFFFFC000  }
0x68: {  	_ =	sfence.sel $0x180000  }
0x69: {  	[bflag:$0x0] =	sbarrier.arrive $0xFFFF  }
0x6a: {  	p0 =	sne.s32 s1, $0x0;
	_ =	strace $0x90000047  }
0x6b: {  	s0 =	sadd.s32 @!p0 $0x100000, s0;
	[bflag:$0x2] =	sbarrier.arrive $0xFFFF  }
0x6c: {  	[sflag:s0] =	ssyncadd.tile.s32 @!p0 $0x1;
	_ =	shalt  }
.Lfunc_end2:
_tile_overlayer_lowered:
.L_overlay_start_2:
0x6d: {  	(tag) =	ssettag $0x2  }
0x6e: {  	s0 =	rddreg [dreg:$0x0];
	s2 =	stileid.u32  }
0x6f: {  	s1 =	rddreg [dreg:$0x1];
	p0 =	sne.s32 s2, $0x0  }
0x70: {  	s3 =	rddreg [dreg:$0x2];
	[bflag:$0x3] =	sbarrier.arrive $0xFFFF;
	s2 =	simm.s32 @!p0 $0x1C05  }
0x71: {  	[timem:s3], [sflag:s2] =	dma.local @!p0 [hbm:s0], s1  }
0x72: {  	s0 =	simm.s32 @!p0 $0x5  }
0x73: {  	_ =	swait.ge @!p0 [sflag:s0], s1  }
0x74: {  	s1 =	ssub.s32 @!p0 $0x0, s1;
	[sflag:s0] =	ssyncset.done @!p0 $0x0  }
0x75: {  	[sflag:s0] =	ssyncadd.s32 @!p0 s1  }
0x76: {  	[bflag:$0x3] =	sbarrier.arrive $0xFFFF  }
0x77: {  	_ =	shalt  }

// kernel: sc_scatter_chi.3.cloned.1.call-start
scs
__scs_entry_jumppad:
0x0: {  	(pc) =	sbr.rel $0x88, $3  }
0x1: {  	(tag) =	ssettag $0x0;
	lr =	simm.s32 $0x1  }
0x2: {  	[smem:$0x3F85] =	sst lr;
	_ =	strace $0xD0000000  }
0x3: {  	_ = 	snop  }
0x4: {  	_ = 	snop  }
0x5: {  	_ = 	snop  }
0x6: {  	_ = 	snop  }
0x7: {  	_ = 	snop  }
__scs_overlays_trampoline_lowered:
0x8: {  	[smem:$0x3F94] =	sst s0  }
0x9: {  	[smem:$0x3F95] =	sst s1  }
0xa: {  	[smem:$0x3F96] =	sst s2  }
0xb: {  	[smem:$0x3F97] =	sst s3  }
0xc: {  	[smem:$0x3F98] =	sst s4  }
0xd: {  	[smem:$0x3F99] =	sst s5  }
0xe: {  	[smem:$0x3F9A] =	sst s6  }
0xf: {  	[smem:$0x3F9B] =	sst s7  }
0x10: {  	[smem:$0x3F9C] =	sst s8  }
0x11: {  	[smem:$0x3F9D] =	sst s9;
	s0 =	simm.s32 @!p0 $0x0  }
0x12: {  	s1 =	sld [smem:$0x3F83];
	s0 =	simm.s32 @p0 $0x1  }
0x13: {  	[smem:$0x3F9E] =	sst s0;
	s0 =	simm.s32 @!p1 $0x0  }
0x14: {  	s2 =	sld [smem:$0x3F82];
	s0 =	simm.s32 @p1 $0x1  }
0x15: {  	[smem:$0x3F9F] =	sst s0;
	s0 =	simm.s32 @!p2 $0x0  }
0x16: {  	s3 =	sld [smem:$0x3FDB];
	s0 =	simm.s32 @p2 $0x1  }
0x17: {  	s4 =	simm.s32 $0x1BF5;
	[smem:$0x3FA1] =	sst s0  }
0x18: {  	s0 =	sld [smem:$0x3F84];
	_ =	swait.ge [sflag:s4], $0x0  }
0x19: {  	s7 =	sld [smem:$0x3F85]  }
0x1a: {  	s8 =	sadd.s32 $0xFFFFE003, lr  }
0x1b: {  	s9 =	sadd.s32 $0xFFFFFEF7, lr;
	s5 =	simm.s32 $0xFFFFFFFF;
	p2 =	slt.u32 s8, $0xFFFFF086  }
0x1c: {  	p1 =	slt.u32 s9, $0xF7A;
	s5 =	simm.s32 @!p2 $0x0  }
0x1d: {  	s5 =	simm.s32 @p1 $0x1;
	p0 =	seq.s32 s7, s2  }
0x1e: {  	s7 =	smul.u32 @!p0 $0xF7A, s2;
	p2 =	seq.s32 @!p0 s5, $0x0  }
0x1f: {  	s9 =	smul.u32 $0xF7A, s1;
	s8 =	simm.s32 @!p0 $0x1BF5;
	p2 =	por !p2, p0  }
0x20: {  	[sflag:s8] =	ssyncset.s32 @!p0 $0xFFFFF086;
	s6 =	sadd.s32 @!p0 s3, s7;
	s7 =	simm.s32 @!p0 $0x108  }
0x21: {  	s3 =	sadd.s32 s3, s9;
	s6 =	sadd.s32 @!p0 $0x88, s6;
	s7 =	simm.s32 @p2 $0x1082  }
0x22: {  	[simem:s7], [sflag:s8] =	dma.local @!p0 [hbm:s6], $0xF7A  }
0x23: {  	s9 =	sor.u32 $0xD0000000, s2;
	s6 =	simm.s32 $0x108;
	_ =	swait.ge @!p0 [sflag:s8], $0x0  }
0x24: {  	s3 =	sadd.s32 $0x88, s3;
	s6 =	simm.s32 @!p1 $0x1082;
	[sflag:s4] =	ssyncset.s32 $0xFFFFF086  }
0x25: {  	[simem:s6], [sflag:s4] =	dma.local [hbm:s3], $0xF7A  }
0x26: {  	[smem:$0x3F85] =	sst s1;
	(tag) =	ssettag s2;
	_ =	strace s9  }
0x27: {  	s1 =	sld [smem:$0x3F95]  }
0x28: {  	s2 =	sld [smem:$0x3F96]  }
0x29: {  	s4 =	sld [smem:$0x3F98]  }
0x2a: {  	p0 =	seq.s32 s5, $0x0;
	s5 =	sld [smem:$0x3F99]  }
0x2b: {  	s6 =	sld [smem:$0x3F9A]  }
0x2c: {  	s7 =	sld [smem:$0x3F9B]  }
0x2d: {  	s3 =	simm.s32 $0x108;
	s8 =	sld [smem:$0x3F9C]  }
0x2e: {  	s3 =	simm.s32 @!p0 $0x1082;
	s9 =	sld [smem:$0x3F9D]  }
0x2f: {  	lr =	sadd.s32 s0, s3;
	s0 =	sld [smem:$0x3F94]  }
0x30: {  	s3 =	sld [smem:$0x3F97]  }
0x31: {  	[smem:$0x3FA0] =	sst s10  }
0x32: {  	s10 =	sld [smem:$0x3F9E];
	_ =	sdelay $0x3  }
0x33: {  	p0 =	seq.s32 s10, $0x1;
	s10 =	sld [smem:$0x3FA0];
	_ =	sdelay $0x3  }
0x34: {  	[smem:$0x3FA0] =	sst s10  }
0x35: {  	s10 =	sld [smem:$0x3F9F];
	_ =	sdelay $0x3  }
0x36: {  	p1 =	seq.s32 s10, $0x1;
	s10 =	sld [smem:$0x3FA0];
	_ =	sdelay $0x3  }
0x37: {  	[smem:$0x3FA0] =	sst s10  }
0x38: {  	s10 =	sld [smem:$0x3FA1]  }
0x39: {  	_ = 	snop;
	(pc) =	sbr.ind lr, $3  }
0x3a: {  	_ = 	snop  }
0x3b: {  	_ = 	snop  }
0x3c: {  	p2 =	seq.s32 s10, $0x1;
	s10 =	sld [smem:$0x3FA0]  }
0x3d: {  	_ =	shalt  }
0x3e: {  	_ =	shalt  }
0x3f: {  	_ =	shalt  }
0x40: {  	_ =	shalt  }
0x41: {  	_ =	shalt  }
0x42: {  	_ =	shalt  }
0x43: {  	_ =	shalt  }
0x44: {  	_ =	shalt  }
0x45: {  	_ =	shalt  }
0x46: {  	_ =	shalt  }
0x47: {  	_ =	shalt  }
0x48: {  	_ =	shalt  }
0x49: {  	_ =	shalt  }
0x4a: {  	_ =	shalt  }
0x4b: {  	_ =	shalt  }
0x4c: {  	_ =	shalt  }
0x4d: {  	_ =	shalt  }
0x4e: {  	_ =	shalt  }
0x4f: {  	_ =	shalt  }
0x50: {  	_ =	shalt  }
0x51: {  	_ =	shalt  }
0x52: {  	_ =	shalt  }
0x53: {  	_ =	shalt  }
0x54: {  	_ =	shalt  }
0x55: {  	_ =	shalt  }
0x56: {  	_ =	shalt  }
0x57: {  	_ =	shalt  }
0x58: {  	_ =	shalt  }
0x59: {  	_ =	shalt  }
0x5a: {  	_ =	shalt  }
0x5b: {  	_ =	shalt  }
0x5c: {  	_ =	shalt  }
0x5d: {  	_ =	shalt  }
0x5e: {  	_ =	shalt  }
0x5f: {  	_ =	shalt  }
0x60: {  	_ =	shalt  }
0x61: {  	_ =	shalt  }
0x62: {  	_ =	shalt  }
0x63: {  	_ =	shalt  }
0x64: {  	_ =	shalt  }
0x65: {  	_ =	shalt  }
0x66: {  	_ =	shalt  }
0x67: {  	_ =	shalt  }
0x68: {  	_ =	shalt  }
0x69: {  	_ =	shalt  }
0x6a: {  	_ =	shalt  }
0x6b: {  	_ =	shalt  }
0x6c: {  	_ =	shalt  }
0x6d: {  	_ =	shalt  }
0x6e: {  	_ =	shalt  }
0x6f: {  	_ =	shalt  }
0x70: {  	_ =	shalt  }
0x71: {  	_ =	shalt  }
0x72: {  	_ =	shalt  }
0x73: {  	_ =	shalt  }
0x74: {  	_ =	shalt  }
0x75: {  	_ =	shalt  }
0x76: {  	_ =	shalt  }
0x77: {  	_ =	shalt  }
0x78: {  	_ =	shalt  }
0x79: {  	_ =	shalt  }
0x7a: {  	_ =	shalt  }
0x7b: {  	_ =	shalt  }
0x7c: {  	_ =	shalt  }
0x7d: {  	_ =	shalt  }
0x7e: {  	_ =	shalt  }
0x7f: {  	_ =	shalt  }
0x80: {  	_ =	shalt  }
0x81: {  	_ =	shalt  }
0x82: {  	_ =	shalt  }
0x83: {  	_ =	shalt  }
0x84: {  	_ =	shalt  }
0x85: {  	_ =	shalt  }
0x86: {  	_ =	shalt  }
0x87: {  	_ =	shalt  }
.Lfunc_end0:
.L_simem_size_0:
called_computation.4_lowered:
.L_overlay_start_0:
0x88: {  	s2 =	sld [smem:$0x3FD9]  }
0x89: {  	s3 =	sld [smem:$0x3FFE];
	_ =	sdelay $0x1  }
0x8a: {  	s1 =	srdreg.scid  }
0x8b: {  	s0 =	sand.u32 $0x1, s1  }
0x8c: {  	s16 =	sshll.u32 s0, $0xA;
	s2 =	sadd.s32 s3, s2  }
0x8d: {  	s2 =	sadd.s32 s2, s16  }
0x8e: {  	[smem:$0x3FAC] =	sst s2  }
0x8f: {  	_ = 	snop  }
0x90: {  	(tm) =	ssettm $0x1  }
0x91: {  	s17 =	sld [smem:$0x3FFB];
	_ =	sdelay $0x3  }
0x92: {  	_ =	strace s17  }
0x93: {  	s2 =	sld [smem:$0x3FFC];
	_ =	sdelay $0x3  }
0x94: {  	_ =	strace s2  }
0x95: {  	s2 =	sld [smem:$0x3FFD];
	_ =	sdelay $0x3  }
0x96: {  	_ =	strace s2  }
0x97: {  	_ =	strace $0x8FFFFFFF  }
0x98: {  	s18 =	sld [smem:$0x3FDB];
	_ =	sdelay $0x1  }
0x99: {  	s19 =	simm.s32 $_scs_section_size  }
0x9a: {  	s4 =	simm.s32 $_size__tile_overlayer_lowered;
	s5 =	simm.s32 $_tile_overlayer_lowered  }
0x9b: {  	s22 =	simm.s32 $0x1BFF;
	s21 =	sshll.u32 s5, $0x1;
	s2 =	sadd.s32 s19, s18  }
0x9c: {  	s6 =	simm.s32 $0x0;
	s20 =	sshll.u32 s4, $0x1;
	s4 =	sadd.s32 s21, s2  }
0x9d: {  	[timem:s6], [sflag:s22] =	dma.local [hbm:s4], s20  }
0x9e: {  	_ =	swait.ge [sflag:s22], s20  }
0x9f: {  	s3 =	ssub.s32 $0x0, s20;
	[sflag:s22] =	ssyncset.done $0x0  }
0xa0: {  	[sflag:s22] =	ssyncadd.s32 s3;
	_ =	sdelay $0x1  }
0xa1: {  	s23 =	simm.s32 $0x1B8B  }
0xa2: {  	_ =	swait.ge [sflag:s23], $0x1  }
0xa3: {  	[sflag:s23] =	ssyncset.done $0x0  }
0xa4: {  	s25 =	simm.s32 $0x1B8E;
	s24 =	sld [smem:$0x3FFE];
	[sflag:s23] =	ssyncadd.s32 $0xFFFFFFFF  }
0xa5: {  	s26 =	simm.s32 $execute0_lowered;
	[smem:$0x3FD2] =	sst s25  }
0xa6: {  	s4 =	sshll.u32 s26, $0x1;
	_ =	strace $0x80000052;
	[dreg:$0x1] =	wrdreg $0xFFFFFFFF  }
0xa7: {  	s28 =	simm.s32 $_size_execute0_lowered;
	s2 =	sadd.s32 s2, s4;
	[dreg:$0x0] =	wrdreg $0x0  }
0xa8: {  	s4 =	sshll.u32 s28, $0x1;
	[dreg:$0x2] =	wrdreg s2  }
0xa9: {  	[dreg:$0x3] =	wrdreg s4  }
0xaa: {  	[dreg:$0x4] =	wrdreg $0xC0  }
0xab: {  	_ =	task [dreg:s6], $0x5FFFF  }
0xac: {  	[dreg:$0x1] =	wrdreg $0xFFFFFFFF  }
0xad: {  	[dreg:$0x0] =	wrdreg $0x60  }
0xae: {  	[dreg:$0x2] =	wrdreg s24  }
0xaf: {  	[dreg:$0x3] =	wrdreg $0xA8000  }
0xb0: {  	[dreg:$0x4] =	wrdreg $0x9  }
0xb1: {  	_ =	task.clear_ibuf [dreg:s6], $0x5FFFF;
	_ =	strace $0x90000052  }
0xb2: {  	s29 =	simm.s32 $0x9;
	_ =	strace $0x80000054  }
0xb3: {  	_ =	swait.ge [sflag:s29], $0x1  }
0xb4: {  	[sflag:s29] =	ssyncadd.s32 $0xFFFFFFFF  }
0xb5: {  	_ =	strace $0x90000054  }
0xb6: {  	_ =	sfence  }
0xb7: {  	s30 =	sld [smem:$0x0];
	_ =	sdelay $0x2  }
0xb8: {  	s31 =	sshll.u32 s1, $0xD;
	s1 =	sshrl.u32 s1, $0x2  }
0xb9: {  	s3 =	sand.u32 $0x4000, s31;
	s1 =	sadd.s32 s1, s30  }
0xba: {  	s0 =	sor.u32 s3, s0;
	s1 =	sshll.u32 s1, $0x11  }
0xbb: {  	s0 =	sor.u32 s1, s0  }
0xbc: {  	s0 =	sadd.s32 $0x8F2B, s0  }
0xbd: {  	[sflag:s0] =	ssyncadd.remote.s32 $0x1  }
0xbe: {  	_ =	sfence.sel $0xFFFF  }
0xbf: {  	[dreg:$0x0] =	wrdreg $0xFFFFFFFF;
	(pc) =	sbr.abs _section_cstart, $3  }
0xc0: {  	[dreg:$0x1] =	wrdreg $0xFFFFFFFF  }
0xc1: {  	_ =	task.clear_ibuf [dreg:s6], $0x2FFFF;
	_ =	strace $0x9FFFFFFF  }
0xc2: {  	(tm) =	ssettm $0x7FFFFFFF  }
0xc3: {  	_ =	shalt  }
tec
execute0_lowered:
.L_overlay_start_1:
0x0: {  	(tag) =	ssettag $0x1  }
0x1: {  	s0 =	srdreg.scid;
	s4 =	rddreg [dreg:$0x0]  }
0x2: {  	s11 =	stileid.u32;
	s2 =	rddreg [dreg:$0x1]  }
0x3: {  	s3 =	simm.s32 $0x0;
	s18 =	simm.s32 $0x5;
	s19 =	simm.s32 $0x2800  }
0x4: {  	s20 =	simm.s32 $0x6800;
	s21 =	simm.s32 $0x1;
	s7 =	smul.u32 $0x2800, s11  }
0x5: {  	s22 =	simm.s32 $0x80;
	s29 =	simm.s32 $0x2700;
	s8 =	smul.u32 $0x50000, s11  }
0x6: {  	s30 =	simm.s32 $0x2780;
	s0 =	sand.u32 $0x1, s0;
	s14 =	smul.u32 $0x280000, s11  }
0x7: {  	s31 =	simm.s32 $0x0;
	s1 =	sshll.u32 s11, $0x1;
	s6 =	smul.u32 $0x28000, s0  }
0x8: {  	s1 =	sor.u32 s0, s1;
	s23 =	ssub.s32 $0x2, s0;
	s0 =	smul.u32 $0x140000, s0  }
0x9: {  	[smem:$0x7FF] =	sst s3;
	s17 =	sadd.s32 $0x591800, s4;
	s5 =	smul.u32 $0x500, s1  }
0xa: {  	_ =	strace $0x80000053;
	s24 =	sshrl.u32 s23, $0x1;
	s25 =	smul.u32 $0x28000, s1  }
0xb: {  	s26 =	sshrl.u32 s8, $0x2;
	s1 =	smul.u32 $0x140000, s1;
	s6 =	sadd.s32 s7, s6  }
0xc: {  	s10 =	ssub.s32 s23, s24;
	s0 =	sadd.s32 s0, s14;
	s23 =	simm.s32 $0x2  }
0xd: {  	s24 =	simm.s32 $0x3;
	s5 =	sadd.s32 s5, s4;
	s9 =	sadd.s32 s6, s4  }
0xe: {  	s6 =	sadd.s32 s17, s25;
	s1 =	sshrl.u32 s1, $0x3;
	s16 =	sor.u32 $0x8000, s0  }
0xf: {  	s0 =	sor.u32 $0xC000, s0;
	s25 =	simm.s32 $0x4;
	s4 =	sadd.s32 $0x37800, s5  }
0x10: {  	s5 =	sadd.s32 s26, s2;
	s7 =	sadd.s32 $0x800, s6;
	s8 =	sadd.s32 $0x91800, s9  }
0x11: {  	s9 =	smax.u32 s10, $0x1;
	s1 =	sadd.s32 s17, s1;
	s28 =	sshrl.u32 s16, $0x3  }
0x12: {  	s0 =	sshrl.u32 s0, $0x3;
	s10 =	sadd.s32 $0x4000, s5;
	s11 =	sadd.s32 $0x8000, s5  }
0x13: {  	s12 =	sadd.s32 $0xC000, s5;
	s13 =	sadd.s32 $0x10000, s5;
	s14 =	sadd.s32 $0x27800, s1  }
0x14: {  	v0 =	vimm.f32 $0.0e+00;
	s15 =	sadd.s32 $0x27000, s1;
	s16 =	sadd.s32 s28, s17;
	s17 =	sadd.s32 s0, s17  }
.LBB2_1:
0x15: {  	[tilespmem:s3], [sflag:$0x5] =	stream.linear.gather [hbm4b:s4+s3], $0x2800, $0x38;
	[tilespmem:$0x1E800] =	vst v63  }
0x16: {  	_ =	swait.ge [sflag:s18], $0x2800  }
0x17: {  	[sflag:s18] =	ssyncset.done $0x0  }
0x18: {  	s0 =	simm.s32 $0x0;
	s1 =	simm.s32 $0x200;
	[sflag:s18] =	ssyncadd.s32 $0xFFFFD800  }
.LBB2_2:
0x19: {  	p0 =	sne.s32 s1, $0xFE00;
	[tilespmem:s0+$0x2870] =	vst v0  }
0x1a: {  	[tilespmem:s0+$0x2800] =	vst v0  }
0x1b: {  	[tilespmem:s0+$0x2810] =	vst v0  }
.Ltmp0:
0x1c: {  	[tilespmem:s0+$0x2820] =	vst v0;
	(pc) =	sbr.rel @p0 .LBB2_2-.Ltmp0, $4  }
0x1d: {  	[tilespmem:s0+$0x2830] =	vst v0  }
0x1e: {  	[tilespmem:s0+$0x2840] =	vst v0  }
0x1f: {  	[tilespmem:s0+$0x2850] =	vst v0  }
0x20: {  	[tilespmem:s0+$0x2860] =	vst v0;
	s0 =	sshra.s32 s1, $0x2;
	s1 =	sadd.s32 $0x200, s1  }
0x21: {  	[tilespmem:s0+$0x2870] =	vst v0  }
0x22: {  	[tilespmem:s0+$0x2800] =	vst v0  }
0x23: {  	[tilespmem:s0+$0x2810] =	vst v0  }
0x24: {  	[tilespmem:s0+$0x2820] =	vst v0  }
0x25: {  	[tilespmem:s0+$0x2830] =	vst v0  }
0x26: {  	[tilespmem:s0+$0x2840] =	vst v0  }
0x27: {  	[tilespmem:s0+$0x2850] =	vst v0  }
0x28: {  	[tilespmem:s0+$0x2860] =	vst v0  }
0x29: {  	[spmem:s5] =	stream.linear.scatter [tilespmem:s19], [sflag:$0x5], $0x4000, $0x38;
	[tilespmem:$0x1E800] =	vst v63  }
0x2a: {  	_ =	swait.ge [sflag:s18], $0x4000  }
0x2b: {  	[sflag:s18] =	ssyncset.done $0x0  }
0x2c: {  	[sflag:s18] =	ssyncadd.s32 $0xFFFFC000  }
0x2d: {  	[spmem:s10] =	stream.linear.scatter [tilespmem:s19], [sflag:$0x5], $0x4000, $0x38;
	[tilespmem:$0x1E800] =	vst v63  }
0x2e: {  	_ =	swait.ge [sflag:s18], $0x4000  }
0x2f: {  	[sflag:s18] =	ssyncset.done $0x0  }
0x30: {  	[sflag:s18] =	ssyncadd.s32 $0xFFFFC000  }
0x31: {  	[spmem:s11] =	stream.linear.scatter [tilespmem:s19], [sflag:$0x5], $0x4000, $0x38;
	[tilespmem:$0x1E800] =	vst v63  }
0x32: {  	_ =	swait.ge [sflag:s18], $0x4000  }
0x33: {  	[sflag:s18] =	ssyncset.done $0x0  }
0x34: {  	[sflag:s18] =	ssyncadd.s32 $0xFFFFC000  }
0x35: {  	[spmem:s12] =	stream.linear.scatter [tilespmem:s19], [sflag:$0x5], $0x4000, $0x38;
	[tilespmem:$0x1E800] =	vst v63  }
0x36: {  	_ =	swait.ge [sflag:s18], $0x4000  }
0x37: {  	[sflag:s18] =	ssyncset.done $0x0  }
0x38: {  	[sflag:s18] =	ssyncadd.s32 $0xFFFFC000  }
0x39: {  	[spmem:s13] =	stream.linear.scatter [tilespmem:s19], [sflag:$0x5], $0x4000, $0x38;
	[tilespmem:$0x1E800] =	vst v63  }
0x3a: {  	_ =	swait.ge [sflag:s18], $0x4000  }
0x3b: {  	[sflag:s18] =	ssyncset.done $0x0  }
0x3c: {  	[sflag:s18] =	ssyncadd.s32 $0xFFFFC000  }
0x3d: {  	s28 =	simm.s32 $0x0;
	[bflag:$0x0] =	sbarrier.arrive $0xFFFF  }
0x3e: {  	[tilespmem:s19], [sflag:$0x1] =	stream.linear.gather [hbm4b:s6+s28], $0x4000, $0x38;
	[tilespmem:$0x1E800] =	vst v63  }
0x3f: {  	_ = 	snop  }
0x40: {  	[tilespmem:s20], [sflag:$0x2] =	stream.linear.gather [hbm4b:s7+s28], $0x4000, $0x38;
	[tilespmem:$0x1E800] =	vst v63  }
0x41: {  	_ =	swait.ge [sflag:s21], $0x4000  }
0x42: {  	[sflag:s21] =	ssyncset.done $0x0  }
0x43: {  	s1 =	simm.s32 $0x0;
	[sflag:s21] =	ssyncadd.s32 $0xFFFFC000  }
0x44: {  	[spmem:s2] =	stream.indirect.scatter.add.f32 [tilespmem:s19], [sflag:$0x3], $0x80, s1, s22, $0xb8;
	[tilespmem:$0x1E800] =	vst v63  }
0x45: {  	_ =	swait.ge [sflag:s23], $0x4000  }
0x46: {  	[sflag:s23] =	ssyncset.done $0x0  }
0x47: {  	s26 =	simm.s32 $0x80;
	[sflag:s23] =	ssyncadd.s32 $0xFFFFC000  }
0x48: {  	[spmem:s2] =	stream.indirect.scatter.add.f32 [tilespmem:s20], [sflag:$0x4], $0x80, s26, s22, $0xb8;
	[tilespmem:$0x1E800] =	vst v63  }
0x49: {  	_ =	swait.ge [sflag:s24], $0x4000  }
0x4a: {  	[sflag:s24] =	ssyncset.done $0x0  }
0x4b: {  	s28 =	sadd.s32 $0x0, s16;
	[sflag:s24] =	ssyncadd.s32 $0xFFFFC000  }
0x4c: {  	[tilespmem:s19], [sflag:$0x1] =	stream.linear.gather [hbm4b:s28+s3], $0x4000, $0x38;
	[tilespmem:$0x1E800] =	vst v63  }
0x4d: {  	_ =	swait.ge [sflag:s25], $0x4000  }
0x4e: {  	s0 =	simm.s32 $0x180;
	[sflag:s25] =	ssyncset.done $0x0  }
0x4f: {  	s1 =	simm.s32 $0x1000;
	s26 =	sadd.s32 $0x0, s17;
	[sflag:s25] =	ssyncadd.s32 $0xFFFFC000  }
.LBB2_4:
0x50: {  	[tilespmem:s20], [sflag:$0x2] =	stream.linear.gather [hbm4b:s26+s3], $0x4000, $0x38;
	[tilespmem:$0x1E800] =	vst v63  }
0x51: {  	s26 =	smov.u32 s1  }
0x52: {  	p0 =	sne.s32 s1, $0x25000;
	s1 =	sadd.s32 $0x1000, s1;
	_ =	swait.ge [sflag:s21], $0x4000  }
0x53: {  	[sflag:s21] =	ssyncset.done $0x0  }
0x54: {  	s28 =	sadd.s32 $0xFFFFFF80, s0;
	[sflag:s21] =	ssyncadd.s32 $0xFFFFC000  }
0x55: {  	[spmem:s2] =	stream.indirect.scatter.add.f32 [tilespmem:s19], [sflag:$0x3], $0x80, s28, s22, $0xb8;
	[tilespmem:$0x1E800] =	vst v63  }
0x56: {  	_ =	swait.ge [sflag:s23], $0x4000  }
0x57: {  	[sflag:s23] =	ssyncset.done $0x0  }
0x58: {  	[sflag:s23] =	ssyncadd.s32 $0xFFFFC000  }
0x59: {  	[spmem:s2] =	stream.indirect.scatter.add.f32 [tilespmem:s20], [sflag:$0x4], $0x80, s0, s22, $0xb8;
	[tilespmem:$0x1E800] =	vst v63  }
0x5a: {  	_ =	swait.ge [sflag:s24], $0x4000  }
0x5b: {  	[sflag:s24] =	ssyncset.done $0x0  }
.Ltmp1:
0x5c: {  	s28 =	sadd.s32 s26, s16;
	[sflag:s24] =	ssyncadd.s32 $0xFFFFC000;
	(pc) =	sbr.rel @p0 .LBB2_4-.Ltmp1, $4  }
0x5d: {  	[tilespmem:s19], [sflag:$0x1] =	stream.linear.gather [hbm4b:s28+s3], $0x4000, $0x38;
	[tilespmem:$0x1E800] =	vst v63  }
0x5e: {  	_ =	swait.ge [sflag:s25], $0x4000  }
0x5f: {  	[sflag:s25] =	ssyncset.done $0x0  }
0x60: {  	s26 =	sadd.s32 s26, s17;
	s0 =	sadd.s32 $0x100, s0;
	[sflag:s25] =	ssyncadd.s32 $0xFFFFC000  }
0x61: {  	[tilespmem:s20], [sflag:$0x2] =	stream.linear.gather [hbm4b:s26+s3], $0x4000, $0x38;
	[tilespmem:$0x1E800] =	vst v63  }
0x62: {  	_ =	swait.ge [sflag:s21], $0x4000  }
0x63: {  	[sflag:s21] =	ssyncset.done $0x0  }
0x64: {  	s0 =	simm.s32 $0x2600;
	[sflag:s21] =	ssyncadd.s32 $0xFFFFC000  }
0x65: {  	[spmem:s2] =	stream.indirect.scatter.add.f32 [tilespmem:s19], [sflag:$0x3], $0x80, s0, s22, $0xb8;
	[tilespmem:$0x1E800] =	vst v63  }
0x66: {  	_ =	swait.ge [sflag:s23], $0x4000  }
0x67: {  	[sflag:s23] =	ssyncset.done $0x0  }
0x68: {  	s26 =	simm.s32 $0x2680;
	[sflag:s23] =	ssyncadd.s32 $0xFFFFC000  }
0x69: {  	[spmem:s2] =	stream.indirect.scatter.add.f32 [tilespmem:s20], [sflag:$0x4], $0x80, s26, s22, $0xb8;
	[tilespmem:$0x1E800] =	vst v63  }
0x6a: {  	_ =	swait.ge [sflag:s24], $0x4000  }
0x6b: {  	[sflag:s24] =	ssyncset.done $0x0  }
0x6c: {  	[sflag:s24] =	ssyncadd.s32 $0xFFFFC000  }
0x6d: {  	[tilespmem:s19], [sflag:$0x1] =	stream.linear.gather [hbm4b:s15+s3], $0x4000, $0x38;
	[tilespmem:$0x1E800] =	vst v63  }
0x6e: {  	_ =	swait.ge [sflag:s25], $0x4000  }
0x6f: {  	[sflag:s25] =	ssyncset.done $0x0  }
0x70: {  	[sflag:s25] =	ssyncadd.s32 $0xFFFFC000  }
0x71: {  	[tilespmem:s20], [sflag:$0x2] =	stream.linear.gather [hbm4b:s14+s3], $0x4000, $0x38;
	[tilespmem:$0x1E800] =	vst v63  }
0x72: {  	_ =	swait.ge [sflag:s21], $0x4000  }
0x73: {  	[sflag:s21] =	ssyncset.done $0x0  }
0x74: {  	[sflag:s21] =	ssyncadd.s32 $0xFFFFC000  }
0x75: {  	[spmem:s2] =	stream.indirect.scatter.add.f32 [tilespmem:s19], [sflag:$0x3], $0x80, s29, s22, $0xb8;
	[tilespmem:$0x1E800] =	vst v63  }
0x76: {  	_ =	swait.ge [sflag:s23], $0x4000  }
0x77: {  	[sflag:s23] =	ssyncset.done $0x0  }
0x78: {  	[sflag:s23] =	ssyncadd.s32 $0xFFFFC000  }
0x79: {  	[spmem:s2] =	stream.indirect.scatter.add.f32 [tilespmem:s20], [sflag:$0x4], $0x80, s30, s22, $0xb8;
	[tilespmem:$0x1E800] =	vst v63  }
0x7a: {  	_ =	swait.ge [sflag:s24], $0x4000  }
0x7b: {  	[sflag:s24] =	ssyncset.done $0x0  }
0x7c: {  	[sflag:s24] =	ssyncadd.s32 $0xFFFFC000  }
0x7d: {  	[tilespmem:s19], [sflag:$0x1] =	stream.linear.gather [hbm4b:s14+s3], $0x4000, $0x38;
	[tilespmem:$0x1E800] =	vst v63  }
0x7e: {  	_ =	swait.ge [sflag:s25], $0x4000  }
0x7f: {  	[sflag:s25] =	ssyncset.done $0x0  }
0x80: {  	[sflag:s25] =	ssyncadd.s32 $0xFFFFC000  }
0x81: {  	[tilespmem:s20], [sflag:$0x2] =	stream.linear.gather [hbm4b:s14+s3], $0x4000, $0x38;
	[tilespmem:$0x1E800] =	vst v63  }
0x82: {  	_ =	swait.ge [sflag:s21], $0x4000  }
0x83: {  	[sflag:s21] =	ssyncset.done $0x0  }
0x84: {  	[sflag:s21] =	ssyncadd.s32 $0xFFFFC000  }
0x85: {  	s28 =	stileid.u32;
	_ =	swait.ge [sflag:s23], $0x4000  }
0x86: {  	s1 =	sshrl.u32 s5, $0x3;
	s31 =	sadd.s32 $0x1, s31;
	[sflag:s23] =	ssyncset.done $0x0  }
0x87: {  	p0 =	sne.s32 s31, s9;
	s0 =	sshll.u32 s28, $0x6;
	[sflag:s23] =	ssyncadd.s32 $0xFFFFC000  }
.Ltmp2:
0x88: {  	s0 =	sor.u32 $0x1C05, s0;
	[bflag:$0x0] =	sbarrier.arrive $0xFFFF;
	(pc) =	sbr.rel @p0 .LBB2_1-.Ltmp2, $4  }
0x89: {  	[hbm:s8], [sflag:s0] =	dma.local [spmem:s1], $0x2800  }
0x8a: {  	_ =	swait.ge [sflag:s18], $0x2800  }
0x8b: {  	[sflag:s18] =	ssyncset.done $0x0  }
0x8c: {  	[sflag:s18] =	ssyncadd.s32 $0xFFFFD800  }
0x8d: {  	_ =	sfence.sel $0x180000  }
0x8e: {  	[bflag:$0x0] =	sbarrier.arrive $0xFFFF  }
0x8f: {  	_ =	strace $0x90000053  }
0x90: {  	s0 =	stileid.u32;
	[bflag:$0x2] =	sbarrier.arrive $0xFFFF  }
0x91: {  	p0 =	sne.s32 s0, $0x0;
	s0 =	rddreg [dreg:$0x2]  }
0x92: {  	s0 =	sadd.s32 @!p0 $0x100000, s0  }
0x93: {  	[sflag:s0] =	ssyncadd.tile.s32 @!p0 $0x1;
	_ =	shalt  }
.Lfunc_end2:
_tile_overlayer_lowered:
.L_overlay_start_2:
0x94: {  	(tag) =	ssettag $0x2  }
0x95: {  	s0 =	rddreg [dreg:$0x0];
	s2 =	stileid.u32  }
0x96: {  	s1 =	rddreg [dreg:$0x1];
	p0 =	sne.s32 s2, $0x0  }
0x97: {  	s3 =	rddreg [dreg:$0x2];
	[bflag:$0x3] =	sbarrier.arrive $0xFFFF;
	s2 =	simm.s32 @!p0 $0x1C05  }
0x98: {  	[timem:s3], [sflag:s2] =	dma.local @!p0 [hbm:s0], s1  }
0x99: {  	s0 =	simm.s32 @!p0 $0x5  }
0x9a: {  	_ =	swait.ge @!p0 [sflag:s0], s1  }
0x9b: {  	s1 =	ssub.s32 @!p0 $0x0, s1;
	[sflag:s0] =	ssyncset.done @!p0 $0x0  }
0x9c: {  	[sflag:s0] =	ssyncadd.s32 @!p0 s1  }
0x9d: {  	[bflag:$0x3] =	sbarrier.arrive $0xFFFF  }
0x9e: {  	_ =	shalt  }

// kernel: sc_scatter_msg.3.cloned.1.call-start
scs
__scs_entry_jumppad:
0x0: {  	(pc) =	sbr.rel $0x88, $3  }
0x1: {  	(tag) =	ssettag $0x0;
	lr =	simm.s32 $0x1  }
0x2: {  	[smem:$0x3F85] =	sst lr;
	_ =	strace $0xD0000000  }
0x3: {  	_ = 	snop  }
0x4: {  	_ = 	snop  }
0x5: {  	_ = 	snop  }
0x6: {  	_ = 	snop  }
0x7: {  	_ = 	snop  }
__scs_overlays_trampoline_lowered:
0x8: {  	[smem:$0x3F94] =	sst s0  }
0x9: {  	[smem:$0x3F95] =	sst s1  }
0xa: {  	[smem:$0x3F96] =	sst s2  }
0xb: {  	[smem:$0x3F97] =	sst s3  }
0xc: {  	[smem:$0x3F98] =	sst s4  }
0xd: {  	[smem:$0x3F99] =	sst s5  }
0xe: {  	[smem:$0x3F9A] =	sst s6  }
0xf: {  	[smem:$0x3F9B] =	sst s7  }
0x10: {  	[smem:$0x3F9C] =	sst s8  }
0x11: {  	[smem:$0x3F9D] =	sst s9;
	s0 =	simm.s32 @!p0 $0x0  }
0x12: {  	s1 =	sld [smem:$0x3F83];
	s0 =	simm.s32 @p0 $0x1  }
0x13: {  	[smem:$0x3F9E] =	sst s0;
	s0 =	simm.s32 @!p1 $0x0  }
0x14: {  	s2 =	sld [smem:$0x3F82];
	s0 =	simm.s32 @p1 $0x1  }
0x15: {  	[smem:$0x3F9F] =	sst s0;
	s0 =	simm.s32 @!p2 $0x0  }
0x16: {  	s3 =	sld [smem:$0x3FDB];
	s0 =	simm.s32 @p2 $0x1  }
0x17: {  	s4 =	simm.s32 $0x1BF5;
	[smem:$0x3FA1] =	sst s0  }
0x18: {  	s0 =	sld [smem:$0x3F84];
	_ =	swait.ge [sflag:s4], $0x0  }
0x19: {  	s7 =	sld [smem:$0x3F85]  }
0x1a: {  	s8 =	sadd.s32 $0xFFFFE003, lr  }
0x1b: {  	s9 =	sadd.s32 $0xFFFFFEF7, lr;
	s5 =	simm.s32 $0xFFFFFFFF;
	p2 =	slt.u32 s8, $0xFFFFF086  }
0x1c: {  	p1 =	slt.u32 s9, $0xF7A;
	s5 =	simm.s32 @!p2 $0x0  }
0x1d: {  	s5 =	simm.s32 @p1 $0x1;
	p0 =	seq.s32 s7, s2  }
0x1e: {  	s7 =	smul.u32 @!p0 $0xF7A, s2;
	p2 =	seq.s32 @!p0 s5, $0x0  }
0x1f: {  	s9 =	smul.u32 $0xF7A, s1;
	s8 =	simm.s32 @!p0 $0x1BF5;
	p2 =	por !p2, p0  }
0x20: {  	[sflag:s8] =	ssyncset.s32 @!p0 $0xFFFFF086;
	s6 =	sadd.s32 @!p0 s3, s7;
	s7 =	simm.s32 @!p0 $0x108  }
0x21: {  	s3 =	sadd.s32 s3, s9;
	s6 =	sadd.s32 @!p0 $0x88, s6;
	s7 =	simm.s32 @p2 $0x1082  }
0x22: {  	[simem:s7], [sflag:s8] =	dma.local @!p0 [hbm:s6], $0xF7A  }
0x23: {  	s9 =	sor.u32 $0xD0000000, s2;
	s6 =	simm.s32 $0x108;
	_ =	swait.ge @!p0 [sflag:s8], $0x0  }
0x24: {  	s3 =	sadd.s32 $0x88, s3;
	s6 =	simm.s32 @!p1 $0x1082;
	[sflag:s4] =	ssyncset.s32 $0xFFFFF086  }
0x25: {  	[simem:s6], [sflag:s4] =	dma.local [hbm:s3], $0xF7A  }
0x26: {  	[smem:$0x3F85] =	sst s1;
	(tag) =	ssettag s2;
	_ =	strace s9  }
0x27: {  	s1 =	sld [smem:$0x3F95]  }
0x28: {  	s2 =	sld [smem:$0x3F96]  }
0x29: {  	s4 =	sld [smem:$0x3F98]  }
0x2a: {  	p0 =	seq.s32 s5, $0x0;
	s5 =	sld [smem:$0x3F99]  }
0x2b: {  	s6 =	sld [smem:$0x3F9A]  }
0x2c: {  	s7 =	sld [smem:$0x3F9B]  }
0x2d: {  	s3 =	simm.s32 $0x108;
	s8 =	sld [smem:$0x3F9C]  }
0x2e: {  	s3 =	simm.s32 @!p0 $0x1082;
	s9 =	sld [smem:$0x3F9D]  }
0x2f: {  	lr =	sadd.s32 s0, s3;
	s0 =	sld [smem:$0x3F94]  }
0x30: {  	s3 =	sld [smem:$0x3F97]  }
0x31: {  	[smem:$0x3FA0] =	sst s10  }
0x32: {  	s10 =	sld [smem:$0x3F9E];
	_ =	sdelay $0x3  }
0x33: {  	p0 =	seq.s32 s10, $0x1;
	s10 =	sld [smem:$0x3FA0];
	_ =	sdelay $0x3  }
0x34: {  	[smem:$0x3FA0] =	sst s10  }
0x35: {  	s10 =	sld [smem:$0x3F9F];
	_ =	sdelay $0x3  }
0x36: {  	p1 =	seq.s32 s10, $0x1;
	s10 =	sld [smem:$0x3FA0];
	_ =	sdelay $0x3  }
0x37: {  	[smem:$0x3FA0] =	sst s10  }
0x38: {  	s10 =	sld [smem:$0x3FA1]  }
0x39: {  	_ = 	snop;
	(pc) =	sbr.ind lr, $3  }
0x3a: {  	_ = 	snop  }
0x3b: {  	_ = 	snop  }
0x3c: {  	p2 =	seq.s32 s10, $0x1;
	s10 =	sld [smem:$0x3FA0]  }
0x3d: {  	_ =	shalt  }
0x3e: {  	_ =	shalt  }
0x3f: {  	_ =	shalt  }
0x40: {  	_ =	shalt  }
0x41: {  	_ =	shalt  }
0x42: {  	_ =	shalt  }
0x43: {  	_ =	shalt  }
0x44: {  	_ =	shalt  }
0x45: {  	_ =	shalt  }
0x46: {  	_ =	shalt  }
0x47: {  	_ =	shalt  }
0x48: {  	_ =	shalt  }
0x49: {  	_ =	shalt  }
0x4a: {  	_ =	shalt  }
0x4b: {  	_ =	shalt  }
0x4c: {  	_ =	shalt  }
0x4d: {  	_ =	shalt  }
0x4e: {  	_ =	shalt  }
0x4f: {  	_ =	shalt  }
0x50: {  	_ =	shalt  }
0x51: {  	_ =	shalt  }
0x52: {  	_ =	shalt  }
0x53: {  	_ =	shalt  }
0x54: {  	_ =	shalt  }
0x55: {  	_ =	shalt  }
0x56: {  	_ =	shalt  }
0x57: {  	_ =	shalt  }
0x58: {  	_ =	shalt  }
0x59: {  	_ =	shalt  }
0x5a: {  	_ =	shalt  }
0x5b: {  	_ =	shalt  }
0x5c: {  	_ =	shalt  }
0x5d: {  	_ =	shalt  }
0x5e: {  	_ =	shalt  }
0x5f: {  	_ =	shalt  }
0x60: {  	_ =	shalt  }
0x61: {  	_ =	shalt  }
0x62: {  	_ =	shalt  }
0x63: {  	_ =	shalt  }
0x64: {  	_ =	shalt  }
0x65: {  	_ =	shalt  }
0x66: {  	_ =	shalt  }
0x67: {  	_ =	shalt  }
0x68: {  	_ =	shalt  }
0x69: {  	_ =	shalt  }
0x6a: {  	_ =	shalt  }
0x6b: {  	_ =	shalt  }
0x6c: {  	_ =	shalt  }
0x6d: {  	_ =	shalt  }
0x6e: {  	_ =	shalt  }
0x6f: {  	_ =	shalt  }
0x70: {  	_ =	shalt  }
0x71: {  	_ =	shalt  }
0x72: {  	_ =	shalt  }
0x73: {  	_ =	shalt  }
0x74: {  	_ =	shalt  }
0x75: {  	_ =	shalt  }
0x76: {  	_ =	shalt  }
0x77: {  	_ =	shalt  }
0x78: {  	_ =	shalt  }
0x79: {  	_ =	shalt  }
0x7a: {  	_ =	shalt  }
0x7b: {  	_ =	shalt  }
0x7c: {  	_ =	shalt  }
0x7d: {  	_ =	shalt  }
0x7e: {  	_ =	shalt  }
0x7f: {  	_ =	shalt  }
0x80: {  	_ =	shalt  }
0x81: {  	_ =	shalt  }
0x82: {  	_ =	shalt  }
0x83: {  	_ =	shalt  }
0x84: {  	_ =	shalt  }
0x85: {  	_ =	shalt  }
0x86: {  	_ =	shalt  }
0x87: {  	_ =	shalt  }
.Lfunc_end0:
.L_simem_size_0:
called_computation.2_lowered:
.L_overlay_start_0:
0x88: {  	s2 =	sld [smem:$0x3FD9]  }
0x89: {  	s3 =	sld [smem:$0x3FFE];
	_ =	sdelay $0x1  }
0x8a: {  	s1 =	srdreg.scid  }
0x8b: {  	s0 =	sand.u32 $0x1, s1  }
0x8c: {  	s16 =	sshll.u32 s0, $0xA;
	s2 =	sadd.s32 s3, s2  }
0x8d: {  	s2 =	sadd.s32 s2, s16  }
0x8e: {  	[smem:$0x3FAC] =	sst s2  }
0x8f: {  	_ = 	snop  }
0x90: {  	(tm) =	ssettm $0x1  }
0x91: {  	s17 =	sld [smem:$0x3FFB];
	_ =	sdelay $0x3  }
0x92: {  	_ =	strace s17  }
0x93: {  	s2 =	sld [smem:$0x3FFC];
	_ =	sdelay $0x3  }
0x94: {  	_ =	strace s2  }
0x95: {  	s2 =	sld [smem:$0x3FFD];
	_ =	sdelay $0x3  }
0x96: {  	_ =	strace s2  }
0x97: {  	_ =	strace $0x8FFFFFFF  }
0x98: {  	s18 =	sld [smem:$0x3FDB];
	_ =	sdelay $0x1  }
0x99: {  	s19 =	simm.s32 $_scs_section_size  }
0x9a: {  	s4 =	simm.s32 $_size__tile_overlayer_lowered;
	s5 =	simm.s32 $_tile_overlayer_lowered  }
0x9b: {  	s22 =	simm.s32 $0x1BFF;
	s21 =	sshll.u32 s5, $0x1;
	s2 =	sadd.s32 s19, s18  }
0x9c: {  	s6 =	simm.s32 $0x0;
	s20 =	sshll.u32 s4, $0x1;
	s4 =	sadd.s32 s21, s2  }
0x9d: {  	[timem:s6], [sflag:s22] =	dma.local [hbm:s4], s20  }
0x9e: {  	_ =	swait.ge [sflag:s22], s20  }
0x9f: {  	s3 =	ssub.s32 $0x0, s20;
	[sflag:s22] =	ssyncset.done $0x0  }
0xa0: {  	[sflag:s22] =	ssyncadd.s32 s3;
	_ =	sdelay $0x1  }
0xa1: {  	s23 =	simm.s32 $0x1B8B  }
0xa2: {  	_ =	swait.ge [sflag:s23], $0x1  }
0xa3: {  	[sflag:s23] =	ssyncset.done $0x0  }
0xa4: {  	s25 =	simm.s32 $0x1B8E;
	s24 =	sld [smem:$0x3FFE];
	[sflag:s23] =	ssyncadd.s32 $0xFFFFFFFF  }
0xa5: {  	s26 =	simm.s32 $execute0_lowered;
	[smem:$0x3FD2] =	sst s25  }
0xa6: {  	s4 =	sshll.u32 s26, $0x1;
	_ =	strace $0x8000004C;
	[dreg:$0x1] =	wrdreg $0xFFFFFFFF  }
0xa7: {  	s28 =	simm.s32 $_size_execute0_lowered;
	s2 =	sadd.s32 s2, s4;
	[dreg:$0x0] =	wrdreg $0x0  }
0xa8: {  	s4 =	sshll.u32 s28, $0x1;
	[dreg:$0x2] =	wrdreg s2  }
0xa9: {  	[dreg:$0x3] =	wrdreg s4  }
0xaa: {  	[dreg:$0x4] =	wrdreg $0xC0  }
0xab: {  	_ =	task [dreg:s6], $0x5FFFF  }
0xac: {  	[dreg:$0x1] =	wrdreg $0xFFFFFFFF  }
0xad: {  	[dreg:$0x0] =	wrdreg $0x60  }
0xae: {  	[dreg:$0x2] =	wrdreg s24  }
0xaf: {  	[dreg:$0x3] =	wrdreg $0xA8000  }
0xb0: {  	[dreg:$0x4] =	wrdreg $0x9  }
0xb1: {  	_ =	task.clear_ibuf [dreg:s6], $0x5FFFF;
	_ =	strace $0x9000004C  }
0xb2: {  	s29 =	simm.s32 $0x9;
	_ =	strace $0x8000004E  }
0xb3: {  	_ =	swait.ge [sflag:s29], $0x1  }
0xb4: {  	[sflag:s29] =	ssyncadd.s32 $0xFFFFFFFF  }
0xb5: {  	_ =	strace $0x9000004E  }
0xb6: {  	_ =	sfence  }
0xb7: {  	s30 =	sld [smem:$0x0];
	_ =	sdelay $0x2  }
0xb8: {  	s31 =	sshll.u32 s1, $0xD;
	s1 =	sshrl.u32 s1, $0x2  }
0xb9: {  	s3 =	sand.u32 $0x4000, s31;
	s1 =	sadd.s32 s1, s30  }
0xba: {  	s0 =	sor.u32 s3, s0;
	s1 =	sshll.u32 s1, $0x11  }
0xbb: {  	s0 =	sor.u32 s1, s0  }
0xbc: {  	s0 =	sadd.s32 $0x8F2B, s0  }
0xbd: {  	[sflag:s0] =	ssyncadd.remote.s32 $0x1  }
0xbe: {  	_ =	sfence.sel $0xFFFF  }
0xbf: {  	[dreg:$0x0] =	wrdreg $0xFFFFFFFF;
	(pc) =	sbr.abs _section_cstart, $3  }
0xc0: {  	[dreg:$0x1] =	wrdreg $0xFFFFFFFF  }
0xc1: {  	_ =	task.clear_ibuf [dreg:s6], $0x2FFFF;
	_ =	strace $0x9FFFFFFF  }
0xc2: {  	(tm) =	ssettm $0x7FFFFFFF  }
0xc3: {  	_ =	shalt  }
tec
execute0_lowered:
.L_overlay_start_1:
0x0: {  	(tag) =	ssettag $0x1  }
0x1: {  	s0 =	srdreg.scid;
	s4 =	rddreg [dreg:$0x0]  }
0x2: {  	s11 =	stileid.u32;
	s2 =	rddreg [dreg:$0x1]  }
0x3: {  	s3 =	simm.s32 $0x0;
	s18 =	simm.s32 $0x5;
	s19 =	simm.s32 $0x2800  }
0x4: {  	s20 =	simm.s32 $0x6800;
	s21 =	simm.s32 $0x1;
	s7 =	smul.u32 $0x2800, s11  }
0x5: {  	s22 =	simm.s32 $0x80;
	s29 =	simm.s32 $0x2700;
	s8 =	smul.u32 $0x50000, s11  }
0x6: {  	s30 =	simm.s32 $0x2780;
	s0 =	sand.u32 $0x1, s0;
	s14 =	smul.u32 $0x280000, s11  }
0x7: {  	s31 =	simm.s32 $0x0;
	s1 =	sshll.u32 s11, $0x1;
	s6 =	smul.u32 $0x28000, s0  }
0x8: {  	s1 =	sor.u32 s0, s1;
	s23 =	ssub.s32 $0x2, s0;
	s0 =	smul.u32 $0x140000, s0  }
0x9: {  	[smem:$0x7FF] =	sst s3;
	s17 =	sadd.s32 $0xFB9800, s4;
	s5 =	smul.u32 $0x500, s1  }
0xa: {  	_ =	strace $0x8000004D;
	s24 =	sshrl.u32 s23, $0x1;
	s25 =	smul.u32 $0x28000, s1  }
0xb: {  	s26 =	sshrl.u32 s8, $0x2;
	s1 =	smul.u32 $0x140000, s1;
	s6 =	sadd.s32 s7, s6  }
0xc: {  	s10 =	ssub.s32 s23, s24;
	s0 =	sadd.s32 s0, s14;
	s23 =	simm.s32 $0x2  }
0xd: {  	s24 =	simm.s32 $0x3;
	s5 =	sadd.s32 s5, s4;
	s9 =	sadd.s32 s6, s4  }
0xe: {  	s6 =	sadd.s32 s17, s25;
	s1 =	sshrl.u32 s1, $0x3;
	s16 =	sor.u32 $0x8000, s0  }
0xf: {  	s0 =	sor.u32 $0xC000, s0;
	s25 =	simm.s32 $0x4;
	s4 =	sadd.s32 $0x37800, s5  }
0x10: {  	s5 =	sadd.s32 s26, s2;
	s7 =	sadd.s32 $0x800, s6;
	s8 =	sadd.s32 $0x41800, s9  }
0x11: {  	s9 =	smax.u32 s10, $0x1;
	s1 =	sadd.s32 s17, s1;
	s28 =	sshrl.u32 s16, $0x3  }
0x12: {  	s0 =	sshrl.u32 s0, $0x3;
	s10 =	sadd.s32 $0x4000, s5;
	s11 =	sadd.s32 $0x8000, s5  }
0x13: {  	s12 =	sadd.s32 $0xC000, s5;
	s13 =	sadd.s32 $0x10000, s5;
	s14 =	sadd.s32 $0x27800, s1  }
0x14: {  	v0 =	vimm.f32 $0.0e+00;
	s15 =	sadd.s32 $0x27000, s1;
	s16 =	sadd.s32 s28, s17;
	s17 =	sadd.s32 s0, s17  }
.LBB2_1:
0x15: {  	[tilespmem:s3], [sflag:$0x5] =	stream.linear.gather [hbm4b:s4+s3], $0x2800, $0x38;
	[tilespmem:$0x1E800] =	vst v63  }
0x16: {  	_ =	swait.ge [sflag:s18], $0x2800  }
0x17: {  	[sflag:s18] =	ssyncset.done $0x0  }
0x18: {  	s0 =	simm.s32 $0x0;
	s1 =	simm.s32 $0x200;
	[sflag:s18] =	ssyncadd.s32 $0xFFFFD800  }
.LBB2_2:
0x19: {  	p0 =	sne.s32 s1, $0xFE00;
	[tilespmem:s0+$0x2870] =	vst v0  }
0x1a: {  	[tilespmem:s0+$0x2800] =	vst v0  }
0x1b: {  	[tilespmem:s0+$0x2810] =	vst v0  }
.Ltmp0:
0x1c: {  	[tilespmem:s0+$0x2820] =	vst v0;
	(pc) =	sbr.rel @p0 .LBB2_2-.Ltmp0, $4  }
0x1d: {  	[tilespmem:s0+$0x2830] =	vst v0  }
0x1e: {  	[tilespmem:s0+$0x2840] =	vst v0  }
0x1f: {  	[tilespmem:s0+$0x2850] =	vst v0  }
0x20: {  	[tilespmem:s0+$0x2860] =	vst v0;
	s0 =	sshra.s32 s1, $0x2;
	s1 =	sadd.s32 $0x200, s1  }
0x21: {  	[tilespmem:s0+$0x2870] =	vst v0  }
0x22: {  	[tilespmem:s0+$0x2800] =	vst v0  }
0x23: {  	[tilespmem:s0+$0x2810] =	vst v0  }
0x24: {  	[tilespmem:s0+$0x2820] =	vst v0  }
0x25: {  	[tilespmem:s0+$0x2830] =	vst v0  }
0x26: {  	[tilespmem:s0+$0x2840] =	vst v0  }
0x27: {  	[tilespmem:s0+$0x2850] =	vst v0  }
0x28: {  	[tilespmem:s0+$0x2860] =	vst v0  }
0x29: {  	[spmem:s5] =	stream.linear.scatter [tilespmem:s19], [sflag:$0x5], $0x4000, $0x38;
	[tilespmem:$0x1E800] =	vst v63  }
0x2a: {  	_ =	swait.ge [sflag:s18], $0x4000  }
0x2b: {  	[sflag:s18] =	ssyncset.done $0x0  }
0x2c: {  	[sflag:s18] =	ssyncadd.s32 $0xFFFFC000  }
0x2d: {  	[spmem:s10] =	stream.linear.scatter [tilespmem:s19], [sflag:$0x5], $0x4000, $0x38;
	[tilespmem:$0x1E800] =	vst v63  }
0x2e: {  	_ =	swait.ge [sflag:s18], $0x4000  }
0x2f: {  	[sflag:s18] =	ssyncset.done $0x0  }
0x30: {  	[sflag:s18] =	ssyncadd.s32 $0xFFFFC000  }
0x31: {  	[spmem:s11] =	stream.linear.scatter [tilespmem:s19], [sflag:$0x5], $0x4000, $0x38;
	[tilespmem:$0x1E800] =	vst v63  }
0x32: {  	_ =	swait.ge [sflag:s18], $0x4000  }
0x33: {  	[sflag:s18] =	ssyncset.done $0x0  }
0x34: {  	[sflag:s18] =	ssyncadd.s32 $0xFFFFC000  }
0x35: {  	[spmem:s12] =	stream.linear.scatter [tilespmem:s19], [sflag:$0x5], $0x4000, $0x38;
	[tilespmem:$0x1E800] =	vst v63  }
0x36: {  	_ =	swait.ge [sflag:s18], $0x4000  }
0x37: {  	[sflag:s18] =	ssyncset.done $0x0  }
0x38: {  	[sflag:s18] =	ssyncadd.s32 $0xFFFFC000  }
0x39: {  	[spmem:s13] =	stream.linear.scatter [tilespmem:s19], [sflag:$0x5], $0x4000, $0x38;
	[tilespmem:$0x1E800] =	vst v63  }
0x3a: {  	_ =	swait.ge [sflag:s18], $0x4000  }
0x3b: {  	[sflag:s18] =	ssyncset.done $0x0  }
0x3c: {  	[sflag:s18] =	ssyncadd.s32 $0xFFFFC000  }
0x3d: {  	s28 =	simm.s32 $0x0;
	[bflag:$0x0] =	sbarrier.arrive $0xFFFF  }
0x3e: {  	[tilespmem:s19], [sflag:$0x1] =	stream.linear.gather [hbm4b:s6+s28], $0x4000, $0x38;
	[tilespmem:$0x1E800] =	vst v63  }
0x3f: {  	_ = 	snop  }
0x40: {  	[tilespmem:s20], [sflag:$0x2] =	stream.linear.gather [hbm4b:s7+s28], $0x4000, $0x38;
	[tilespmem:$0x1E800] =	vst v63  }
0x41: {  	_ =	swait.ge [sflag:s21], $0x4000  }
0x42: {  	[sflag:s21] =	ssyncset.done $0x0  }
0x43: {  	s1 =	simm.s32 $0x0;
	[sflag:s21] =	ssyncadd.s32 $0xFFFFC000  }
0x44: {  	[spmem:s2] =	stream.indirect.scatter.add.f32 [tilespmem:s19], [sflag:$0x3], $0x80, s1, s22, $0xb8;
	[tilespmem:$0x1E800] =	vst v63  }
0x45: {  	_ =	swait.ge [sflag:s23], $0x4000  }
0x46: {  	[sflag:s23] =	ssyncset.done $0x0  }
0x47: {  	s26 =	simm.s32 $0x80;
	[sflag:s23] =	ssyncadd.s32 $0xFFFFC000  }
0x48: {  	[spmem:s2] =	stream.indirect.scatter.add.f32 [tilespmem:s20], [sflag:$0x4], $0x80, s26, s22, $0xb8;
	[tilespmem:$0x1E800] =	vst v63  }
0x49: {  	_ =	swait.ge [sflag:s24], $0x4000  }
0x4a: {  	[sflag:s24] =	ssyncset.done $0x0  }
0x4b: {  	s28 =	sadd.s32 $0x0, s16;
	[sflag:s24] =	ssyncadd.s32 $0xFFFFC000  }
0x4c: {  	[tilespmem:s19], [sflag:$0x1] =	stream.linear.gather [hbm4b:s28+s3], $0x4000, $0x38;
	[tilespmem:$0x1E800] =	vst v63  }
0x4d: {  	_ =	swait.ge [sflag:s25], $0x4000  }
0x4e: {  	s0 =	simm.s32 $0x180;
	[sflag:s25] =	ssyncset.done $0x0  }
0x4f: {  	s1 =	simm.s32 $0x1000;
	s26 =	sadd.s32 $0x0, s17;
	[sflag:s25] =	ssyncadd.s32 $0xFFFFC000  }
.LBB2_4:
0x50: {  	[tilespmem:s20], [sflag:$0x2] =	stream.linear.gather [hbm4b:s26+s3], $0x4000, $0x38;
	[tilespmem:$0x1E800] =	vst v63  }
0x51: {  	s26 =	smov.u32 s1  }
0x52: {  	p0 =	sne.s32 s1, $0x25000;
	s1 =	sadd.s32 $0x1000, s1;
	_ =	swait.ge [sflag:s21], $0x4000  }
0x53: {  	[sflag:s21] =	ssyncset.done $0x0  }
0x54: {  	s28 =	sadd.s32 $0xFFFFFF80, s0;
	[sflag:s21] =	ssyncadd.s32 $0xFFFFC000  }
0x55: {  	[spmem:s2] =	stream.indirect.scatter.add.f32 [tilespmem:s19], [sflag:$0x3], $0x80, s28, s22, $0xb8;
	[tilespmem:$0x1E800] =	vst v63  }
0x56: {  	_ =	swait.ge [sflag:s23], $0x4000  }
0x57: {  	[sflag:s23] =	ssyncset.done $0x0  }
0x58: {  	[sflag:s23] =	ssyncadd.s32 $0xFFFFC000  }
0x59: {  	[spmem:s2] =	stream.indirect.scatter.add.f32 [tilespmem:s20], [sflag:$0x4], $0x80, s0, s22, $0xb8;
	[tilespmem:$0x1E800] =	vst v63  }
0x5a: {  	_ =	swait.ge [sflag:s24], $0x4000  }
0x5b: {  	[sflag:s24] =	ssyncset.done $0x0  }
.Ltmp1:
0x5c: {  	s28 =	sadd.s32 s26, s16;
	[sflag:s24] =	ssyncadd.s32 $0xFFFFC000;
	(pc) =	sbr.rel @p0 .LBB2_4-.Ltmp1, $4  }
0x5d: {  	[tilespmem:s19], [sflag:$0x1] =	stream.linear.gather [hbm4b:s28+s3], $0x4000, $0x38;
	[tilespmem:$0x1E800] =	vst v63  }
0x5e: {  	_ =	swait.ge [sflag:s25], $0x4000  }
0x5f: {  	[sflag:s25] =	ssyncset.done $0x0  }
0x60: {  	s26 =	sadd.s32 s26, s17;
	s0 =	sadd.s32 $0x100, s0;
	[sflag:s25] =	ssyncadd.s32 $0xFFFFC000  }
0x61: {  	[tilespmem:s20], [sflag:$0x2] =	stream.linear.gather [hbm4b:s26+s3], $0x4000, $0x38;
	[tilespmem:$0x1E800] =	vst v63  }
0x62: {  	_ =	swait.ge [sflag:s21], $0x4000  }
0x63: {  	[sflag:s21] =	ssyncset.done $0x0  }
0x64: {  	s0 =	simm.s32 $0x2600;
	[sflag:s21] =	ssyncadd.s32 $0xFFFFC000  }
0x65: {  	[spmem:s2] =	stream.indirect.scatter.add.f32 [tilespmem:s19], [sflag:$0x3], $0x80, s0, s22, $0xb8;
	[tilespmem:$0x1E800] =	vst v63  }
0x66: {  	_ =	swait.ge [sflag:s23], $0x4000  }
0x67: {  	[sflag:s23] =	ssyncset.done $0x0  }
0x68: {  	s26 =	simm.s32 $0x2680;
	[sflag:s23] =	ssyncadd.s32 $0xFFFFC000  }
0x69: {  	[spmem:s2] =	stream.indirect.scatter.add.f32 [tilespmem:s20], [sflag:$0x4], $0x80, s26, s22, $0xb8;
	[tilespmem:$0x1E800] =	vst v63  }
0x6a: {  	_ =	swait.ge [sflag:s24], $0x4000  }
0x6b: {  	[sflag:s24] =	ssyncset.done $0x0  }
0x6c: {  	[sflag:s24] =	ssyncadd.s32 $0xFFFFC000  }
0x6d: {  	[tilespmem:s19], [sflag:$0x1] =	stream.linear.gather [hbm4b:s15+s3], $0x4000, $0x38;
	[tilespmem:$0x1E800] =	vst v63  }
0x6e: {  	_ =	swait.ge [sflag:s25], $0x4000  }
0x6f: {  	[sflag:s25] =	ssyncset.done $0x0  }
0x70: {  	[sflag:s25] =	ssyncadd.s32 $0xFFFFC000  }
0x71: {  	[tilespmem:s20], [sflag:$0x2] =	stream.linear.gather [hbm4b:s14+s3], $0x4000, $0x38;
	[tilespmem:$0x1E800] =	vst v63  }
0x72: {  	_ =	swait.ge [sflag:s21], $0x4000  }
0x73: {  	[sflag:s21] =	ssyncset.done $0x0  }
0x74: {  	[sflag:s21] =	ssyncadd.s32 $0xFFFFC000  }
0x75: {  	[spmem:s2] =	stream.indirect.scatter.add.f32 [tilespmem:s19], [sflag:$0x3], $0x80, s29, s22, $0xb8;
	[tilespmem:$0x1E800] =	vst v63  }
0x76: {  	_ =	swait.ge [sflag:s23], $0x4000  }
0x77: {  	[sflag:s23] =	ssyncset.done $0x0  }
0x78: {  	[sflag:s23] =	ssyncadd.s32 $0xFFFFC000  }
0x79: {  	[spmem:s2] =	stream.indirect.scatter.add.f32 [tilespmem:s20], [sflag:$0x4], $0x80, s30, s22, $0xb8;
	[tilespmem:$0x1E800] =	vst v63  }
0x7a: {  	_ =	swait.ge [sflag:s24], $0x4000  }
0x7b: {  	[sflag:s24] =	ssyncset.done $0x0  }
0x7c: {  	[sflag:s24] =	ssyncadd.s32 $0xFFFFC000  }
0x7d: {  	[tilespmem:s19], [sflag:$0x1] =	stream.linear.gather [hbm4b:s14+s3], $0x4000, $0x38;
	[tilespmem:$0x1E800] =	vst v63  }
0x7e: {  	_ =	swait.ge [sflag:s25], $0x4000  }
0x7f: {  	[sflag:s25] =	ssyncset.done $0x0  }
0x80: {  	[sflag:s25] =	ssyncadd.s32 $0xFFFFC000  }
0x81: {  	[tilespmem:s20], [sflag:$0x2] =	stream.linear.gather [hbm4b:s14+s3], $0x4000, $0x38;
	[tilespmem:$0x1E800] =	vst v63  }
0x82: {  	_ =	swait.ge [sflag:s21], $0x4000  }
0x83: {  	[sflag:s21] =	ssyncset.done $0x0  }
0x84: {  	[sflag:s21] =	ssyncadd.s32 $0xFFFFC000  }
0x85: {  	s28 =	stileid.u32;
	_ =	swait.ge [sflag:s23], $0x4000  }
0x86: {  	s1 =	sshrl.u32 s5, $0x3;
	s31 =	sadd.s32 $0x1, s31;
	[sflag:s23] =	ssyncset.done $0x0  }
0x87: {  	p0 =	sne.s32 s31, s9;
	s0 =	sshll.u32 s28, $0x6;
	[sflag:s23] =	ssyncadd.s32 $0xFFFFC000  }
.Ltmp2:
0x88: {  	s0 =	sor.u32 $0x1C05, s0;
	[bflag:$0x0] =	sbarrier.arrive $0xFFFF;
	(pc) =	sbr.rel @p0 .LBB2_1-.Ltmp2, $4  }
0x89: {  	[hbm:s8], [sflag:s0] =	dma.local [spmem:s1], $0x2800  }
0x8a: {  	_ =	swait.ge [sflag:s18], $0x2800  }
0x8b: {  	[sflag:s18] =	ssyncset.done $0x0  }
0x8c: {  	[sflag:s18] =	ssyncadd.s32 $0xFFFFD800  }
0x8d: {  	_ =	sfence.sel $0x180000  }
0x8e: {  	[bflag:$0x0] =	sbarrier.arrive $0xFFFF  }
0x8f: {  	_ =	strace $0x9000004D  }
0x90: {  	s0 =	stileid.u32;
	[bflag:$0x2] =	sbarrier.arrive $0xFFFF  }
0x91: {  	p0 =	sne.s32 s0, $0x0;
	s0 =	rddreg [dreg:$0x2]  }
0x92: {  	s0 =	sadd.s32 @!p0 $0x100000, s0  }
0x93: {  	[sflag:s0] =	ssyncadd.tile.s32 @!p0 $0x1;
	_ =	shalt  }
.Lfunc_end2:
_tile_overlayer_lowered:
.L_overlay_start_2:
0x94: {  	(tag) =	ssettag $0x2  }
0x95: {  	s0 =	rddreg [dreg:$0x0];
	s2 =	stileid.u32  }
0x96: {  	s1 =	rddreg [dreg:$0x1];
	p0 =	sne.s32 s2, $0x0  }
0x97: {  	s3 =	rddreg [dreg:$0x2];
	[bflag:$0x3] =	sbarrier.arrive $0xFFFF;
	s2 =	simm.s32 @!p0 $0x1C05  }
0x98: {  	[timem:s3], [sflag:s2] =	dma.local @!p0 [hbm:s0], s1  }
0x99: {  	s0 =	simm.s32 @!p0 $0x5  }
0x9a: {  	_ =	swait.ge @!p0 [sflag:s0], s1  }
0x9b: {  	s1 =	ssub.s32 @!p0 $0x0, s1;
	[sflag:s0] =	ssyncset.done @!p0 $0x0  }
0x9c: {  	[sflag:s0] =	ssyncadd.s32 @!p0 s1  }
0x9d: {  	[bflag:$0x3] =	sbarrier.arrive $0xFFFF  }
0x9e: {  	_ =	shalt  }

</sc_bundles>
